<compile_context>
chip_gen: v7x
topology: tpu7x:2x2x1
jax: 0.10.2.dev20260603
libtpu: 0.0.44.dev20260713+nightly
codegen_flags: <defaults>
</compile_context>

<pallas_src>
import jax
import jax.numpy as jnp
from jax import lax
from jax.experimental import pallas as pl
from jax.experimental.pallas import tpu as pltpu
from jax.experimental.pallas import tpu_sc as plsc

D = 64
NC = 2
NS = 16
NW = NC * NS
BB = 128
T_STEPS = 200
GT = 2


def _body(x_t, t2p, out5, xv, gb0, gb1, ob0, ob1,
          gsem0, gsem1, ssem0, ssem1):
    wid = lax.axis_index("s") * NC + lax.axis_index("c")
    col = wid * BB

    lanes = lax.iota(jnp.int32, 16)
    zero16 = lanes * 0
    gbs = (gb0, gb1)
    obs = (ob0, ob1)
    gsems = (gsem0, gsem1)
    ssems = (ssem0, ssem1)

    pltpu.sync_copy(x_t.at[:, pl.ds(col, BB)], xv)

    def issue_gather(slot, i):
        for tt in range(GT):
            pltpu.async_copy(t2p.at[xv.at[GT * i + tt]], gbs[slot].at[tt],
                             gsems[slot])

    def wait_gather(slot, i):
        for tt in range(GT):
            pltpu.make_async_copy(t2p.at[xv.at[GT * i + tt]],
                                  gbs[slot].at[tt], gsems[slot]).wait()

    def issue_store(slot, t):
        pltpu.async_copy(obs[slot], out5.at[t, :, wid], ssems[slot])

    def wait_store(slot, t):
        pltpu.make_async_copy(obs[slot], out5.at[t, :, wid],
                              ssems[slot]).wait()

    def transpose(gslot, tt, oslot):
        gb = gbs[gslot]
        ob = obs[oslot]
        ttv = zero16 + tt

        def drow(d0, carry):
            dv = lax.bitwise_and(d0 + lanes, D - 1)
            kv = lax.shift_right_logical(dv, 3)
            rv = lax.bitwise_and(dv, 7)
            for g in range(8):
                bv = (16 * g) + lanes
                vec = plsc.load_gather(gb, [ttv, bv, dv])
                plsc.store_scatter(ob, [kv, rv, bv], vec)
            return carry

        lax.fori_loop(0, D, drow, 0, unroll=4)

    n_pairs = T_STEPS // GT
    issue_gather(0, 0)

    def step(i, carry):
        def arm(s):
            wait_gather(s, i)

            @pl.when(i + 1 < n_pairs)
            def _():
                issue_gather(1 - s, i + 1)

            for tt in range(GT):
                t = GT * i + tt

                @pl.when(i >= 1)
                def _():
                    wait_store(tt, t - GT)

                transpose(s, tt, tt)
                issue_store(tt, t)

        @pl.when(lax.rem(i, 2) == 0)
        def _():
            arm(0)

        @pl.when(lax.rem(i, 2) == 1)
        def _():
            arm(1)

        return carry

    lax.fori_loop(0, n_pairs, step, 0)
    for tt in range(GT):
        wait_store(tt, tt)


def kernel(x, table):
    b, t = x.shape
    assert (b, t) == (4096, T_STEPS) and table.shape == (1000000, D)

    x_t = x.T
    t2p = jnp.pad(table, ((0, 0), (0, 64)))

    mesh = plsc.VectorSubcoreMesh(core_axis_name="c", subcore_axis_name="s")
    run = pl.kernel(
        _body,
        out_type=jax.ShapeDtypeStruct((T_STEPS, 8, NW, 8, BB), jnp.float32),
        mesh=mesh,
        scratch_types=(
            [pltpu.VMEM((T_STEPS, BB), jnp.int32)]
            + [pltpu.VMEM((GT, BB, 128), jnp.float32) for _ in range(2)]
            + [pltpu.VMEM((8, 8, BB), jnp.float32) for _ in range(2)]
            + [pltpu.SemaphoreType.DMA for _ in range(4)]
        ),
        compiler_params=pltpu.CompilerParams(needs_layout_passes=False),
    )
    out5 = run(x_t, t2p)
    return out5.transpose(2, 4, 0, 1, 3).reshape(b, t, D)

# --- scband reference (transcript-rebuilt; emitter-appended) ---
"""Pipeline reference for scband-embeds-10084583211216 (READ-ONLY COPY).

The authoritative reference and input builder live on the scoring server;
editing this copy changes nothing except your own understanding.
"""

import jax, jax.numpy as jnp
import numpy as np

VOCAB = 1000000
EMBED_DIM = 64
BATCH = 4096
T_LEN = 200

def setup_inputs(seed: int = 0) -> dict:
    key = jax.random.key(seed)
    k_idx, k_tab = jax.random.split(key)
    x = jax.random.randint(k_idx, (BATCH, T_LEN), 0, VOCAB, dtype=jnp.int64 if jax.config.jax_enable_x64 else jnp.int32)
    table = jax.random.normal(k_tab, (VOCAB, EMBED_DIM), dtype=jnp.float32)
    return {"x": x, "table": table}

def reference(x, table):
    # nn.Embedding forward: gather rows of the table by index
    return jnp.take(table, x, axis=0)

if __name__ == "__main__":
    import jax
    _d = setup_inputs()
    print(jax.jit(kernel)(*tuple(_d.values())))

</pallas_src>

<mosaic_0001>
#map = affine_map<(d0, d1) -> (0, 0)>
#map1 = affine_map<(d0, d1) -> (0, 0, 0, 0, 0)>
module attributes {stable_mosaic.version = 14 : i64} {
  func.func @_body(%arg0: i32, %arg1: i32, %arg2: memref<200x4096xi32, #tpu.memory_space<hbm>>, %arg3: memref<1000000x128xf32, #tpu.memory_space<hbm>>, %arg4: memref<200x8x32x8x128xf32, #tpu.memory_space<hbm>>, %arg5: memref<200x128xi32, #tpu.memory_space<vmem>>, %arg6: memref<2x128x128xf32, #tpu.memory_space<vmem>>, %arg7: memref<2x128x128xf32, #tpu.memory_space<vmem>>, %arg8: memref<8x8x128xf32, #tpu.memory_space<vmem>>, %arg9: memref<8x8x128xf32, #tpu.memory_space<vmem>>, %arg10: memref<!tpu.dma_semaphore, #tpu.memory_space<semaphore_mem>>, %arg11: memref<!tpu.dma_semaphore, #tpu.memory_space<semaphore_mem>>, %arg12: memref<!tpu.dma_semaphore, #tpu.memory_space<semaphore_mem>>, %arg13: memref<!tpu.dma_semaphore, #tpu.memory_space<semaphore_mem>>) attributes {dimension_semantics = [#tpu.dimension_semantics<core_parallel>, #tpu.dimension_semantics<subcore_parallel>], iteration_bounds = array<i64: 2, 16>, scalar_prefetch = 0 : i64, scratch_operands = 9 : i64, tpu.core_type = #tpu.core_type<sc_vector_subcore>, window_params = [{transform_indices = #map}, {transform_indices = #map}, {transform_indices = #map1}]} {
    %mul3A = arith.constant 2 : i32
    %mul3A_0 = arith.muli %arg1, %mul3A : i32
    %add3A = arith.addi %mul3A_0, %arg0 : i32
    %mul3A_1 = arith.constant 128 : i32
    %mul3A_2 = arith.muli %add3A, %mul3A_1 : i32
    %iota3A = tpu.iota {dimensions = array<i32: 0>} : vector<16xi32>
    %mul3A_3 = arith.constant 0 : i32
    %mul3A_4 = vector.broadcast %mul3A_3 : i32 to vector<16xi32>
    %mul3A_5 = arith.muli %iota3A, %mul3A_4 : vector<16xi32>
    "tpu.region"() ({
      %run_scoped3A = tpu.sem_alloc : memref<!tpu.dma_semaphore, #tpu.memory_space<semaphore_mem>>
      %dma_start3A_55 = arith.constant 0 : i32
      %dma_start3A_56 = tpu.memref_slice %arg2[%dma_start3A_55, %mul3A_2] : memref<200x4096xi32, #tpu.memory_space<hbm>> -> memref<200x128xi32, #tpu.memory_space<hbm>>
      %dma_start3A_57 = arith.constant 0 : i32
      %dma_start3A_58 = tpu.memref_slice %arg2[%dma_start3A_57, %mul3A_2] : memref<200x4096xi32, #tpu.memory_space<hbm>> -> memref<200x128xi32, #tpu.memory_space<hbm>>
      tpu.enqueue_dma source(%dma_start3A_58 : memref<200x128xi32, #tpu.memory_space<hbm>>) target(%arg5 : memref<200x128xi32, #tpu.memory_space<vmem>>) target_semaphore(%run_scoped3A : memref<!tpu.dma_semaphore, #tpu.memory_space<semaphore_mem>>)
      %dma_wait3A_59 = arith.constant 0 : i32
      %dma_wait3A_60 = tpu.memref_slice %arg2[%dma_wait3A_59, %mul3A_2] : memref<200x4096xi32, #tpu.memory_space<hbm>> -> memref<200x128xi32, #tpu.memory_space<hbm>>
      %dma_wait3A_61 = arith.constant 0 : i32
      %dma_wait3A_62 = tpu.memref_slice %arg2[%dma_wait3A_61, %mul3A_2] : memref<200x4096xi32, #tpu.memory_space<hbm>> -> memref<200x128xi32, #tpu.memory_space<hbm>>
      tpu.wait_dma2 semaphore(%run_scoped3A : memref<!tpu.dma_semaphore, #tpu.memory_space<semaphore_mem>>) src(%dma_wait3A_62 : memref<200x128xi32, #tpu.memory_space<hbm>>) dst(%arg5 : memref<200x128xi32, #tpu.memory_space<vmem>>)
      tpu.yield
    }) : () -> ()
    %dma_start3A = arith.constant 0 : i32
    %dma_start3A_6 = arith.constant 0 : i32
    %dma_start3A_7 = arith.constant 0 : i32
    %dma_start3A_8 = arith.constant 0 : i32
    %dma_start3A_9 = tpu.memref_slice %arg6[%dma_start3A_6, %dma_start3A_7, %dma_start3A_8] : memref<2x128x128xf32, #tpu.memory_space<vmem>> -> memref<1x128x128xf32, #tpu.memory_space<vmem>>
    %dma_start3A_10 = tpu.memref_squeeze %dma_start3A_9 : memref<1x128x128xf32, #tpu.memory_space<vmem>> -> memref<128x128xf32, #tpu.memory_space<vmem>>
    %dma_start3A_11 = arith.constant 0 : i32
    %dma_start3A_12 = tpu.memref_slice %arg5[%dma_start3A, %dma_start3A_11] : memref<200x128xi32, #tpu.memory_space<vmem>> -> memref<1x128xi32, #tpu.memory_space<vmem>>
    %dma_start3A_13 = tpu.memref_squeeze %dma_start3A_12 : memref<1x128xi32, #tpu.memory_space<vmem>> -> memref<128xi32, #tpu.memory_space<vmem>>
    %dma_start3A_14 = arith.constant 0 : i32
    %dma_start3A_15 = arith.constant 0 : i32
    %dma_start3A_16 = tpu.memref_slice %arg3[%dma_start3A_14, %dma_start3A_15] : memref<1000000x128xf32, #tpu.memory_space<hbm>> -> memref<1000000x128xf32, #tpu.memory_space<hbm>>
    tpu.enqueue_indirect_dma source(%dma_start3A_16 : memref<1000000x128xf32, #tpu.memory_space<hbm>>) target(%dma_start3A_10 : memref<128x128xf32, #tpu.memory_space<vmem>>) offsets(%dma_start3A_13 : memref<128xi32, #tpu.memory_space<vmem>>) semaphore(%arg10 : memref<!tpu.dma_semaphore, #tpu.memory_space<semaphore_mem>>)
    %dma_start3A_17 = arith.constant 1 : i32
    %dma_start3A_18 = arith.constant 1 : i32
    %dma_start3A_19 = arith.constant 0 : i32
    %dma_start3A_20 = arith.constant 0 : i32
    %dma_start3A_21 = tpu.memref_slice %arg6[%dma_start3A_18, %dma_start3A_19, %dma_start3A_20] : memref<2x128x128xf32, #tpu.memory_space<vmem>> -> memref<1x128x128xf32, #tpu.memory_space<vmem>>
    %dma_start3A_22 = tpu.memref_squeeze %dma_start3A_21 : memref<1x128x128xf32, #tpu.memory_space<vmem>> -> memref<128x128xf32, #tpu.memory_space<vmem>>
    %dma_start3A_23 = arith.constant 0 : i32
    %dma_start3A_24 = tpu.memref_slice %arg5[%dma_start3A_17, %dma_start3A_23] : memref<200x128xi32, #tpu.memory_space<vmem>> -> memref<1x128xi32, #tpu.memory_space<vmem>>
    %dma_start3A_25 = tpu.memref_squeeze %dma_start3A_24 : memref<1x128xi32, #tpu.memory_space<vmem>> -> memref<128xi32, #tpu.memory_space<vmem>>
    %dma_start3A_26 = arith.constant 0 : i32
    %dma_start3A_27 = arith.constant 0 : i32
    %dma_start3A_28 = tpu.memref_slice %arg3[%dma_start3A_26, %dma_start3A_27] : memref<1000000x128xf32, #tpu.memory_space<hbm>> -> memref<1000000x128xf32, #tpu.memory_space<hbm>>
    tpu.enqueue_indirect_dma source(%dma_start3A_28 : memref<1000000x128xf32, #tpu.memory_space<hbm>>) target(%dma_start3A_22 : memref<128x128xf32, #tpu.memory_space<vmem>>) offsets(%dma_start3A_25 : memref<128xi32, #tpu.memory_space<vmem>>) semaphore(%arg10 : memref<!tpu.dma_semaphore, #tpu.memory_space<semaphore_mem>>)
    %scan3A = arith.constant 0 : i32
    %scan3A_29 = arith.constant 0 : i32
    %scan3A_30 = arith.constant 100 : i32
    %scan3A_31 = arith.addi %scan3A_29, %scan3A_30 : i32
    %scan3A_32 = arith.constant 1 : i32
    scf.for %scan3A_55 = %scan3A_29 to %scan3A_31 step %scan3A_32  : i32 {
      %rem3A = arith.constant 2 : i32
      %rem3A_56 = arith.remsi %scan3A_55, %rem3A : i32
      %eq3A = arith.constant 0 : i32
      %eq3A_57 = arith.cmpi eq, %rem3A_56, %eq3A : i32
      %convert_element_type3A = arith.extui %eq3A_57 : i1 to i32
      %cond3A = arith.constant 0 : i32
      %cond3A_58 = arith.cmpi ne, %convert_element_type3A, %cond3A : i32
      scf.if %cond3A_58 {
        %mul3A_66 = arith.constant 2 : i32
        %mul3A_67 = arith.muli %mul3A_66, %scan3A_55 : i32
        %add3A_68 = arith.constant 0 : i32
        %add3A_69 = arith.addi %mul3A_67, %add3A_68 : i32
        %dma_wait3A_70 = arith.constant 0 : i32
        %dma_wait3A_71 = arith.constant 0 : i32
        %dma_wait3A_72 = arith.constant 0 : i32
        %dma_wait3A_73 = tpu.memref_slice %arg6[%dma_wait3A_70, %dma_wait3A_71, %dma_wait3A_72] : memref<2x128x128xf32, #tpu.memory_space<vmem>> -> memref<1x128x128xf32, #tpu.memory_space<vmem>>
        %dma_wait3A_74 = tpu.memref_squeeze %dma_wait3A_73 : memref<1x128x128xf32, #tpu.memory_space<vmem>> -> memref<128x128xf32, #tpu.memory_space<vmem>>
        %dma_wait3A_75 = arith.constant 0 : i32
        %dma_wait3A_76 = tpu.memref_slice %arg5[%add3A_69, %dma_wait3A_75] : memref<200x128xi32, #tpu.memory_space<vmem>> -> memref<1x128xi32, #tpu.memory_space<vmem>>
        %dma_wait3A_77 = tpu.memref_squeeze %dma_wait3A_76 : memref<1x128xi32, #tpu.memory_space<vmem>> -> memref<128xi32, #tpu.memory_space<vmem>>
        %dma_wait3A_78 = arith.constant 0 : i32
        %dma_wait3A_79 = arith.constant 0 : i32
        %dma_wait3A_80 = tpu.memref_slice %arg3[%dma_wait3A_78, %dma_wait3A_79] : memref<1000000x128xf32, #tpu.memory_space<hbm>> -> memref<1000000x128xf32, #tpu.memory_space<hbm>>
        tpu.wait_indirect_dma semaphore(%arg10 : memref<!tpu.dma_semaphore, #tpu.memory_space<semaphore_mem>>) src(%dma_wait3A_80 : memref<1000000x128xf32, #tpu.memory_space<hbm>>) dst(%dma_wait3A_74 : memref<128x128xf32, #tpu.memory_space<vmem>>)
        %mul3A_81 = arith.constant 2 : i32
        %mul3A_82 = arith.muli %mul3A_81, %scan3A_55 : i32
        %add3A_83 = arith.constant 1 : i32
        %add3A_84 = arith.addi %mul3A_82, %add3A_83 : i32
        %dma_wait3A_85 = arith.constant 1 : i32
        %dma_wait3A_86 = arith.constant 0 : i32
        %dma_wait3A_87 = arith.constant 0 : i32
        %dma_wait3A_88 = tpu.memref_slice %arg6[%dma_wait3A_85, %dma_wait3A_86, %dma_wait3A_87] : memref<2x128x128xf32, #tpu.memory_space<vmem>> -> memref<1x128x128xf32, #tpu.memory_space<vmem>>
        %dma_wait3A_89 = tpu.memref_squeeze %dma_wait3A_88 : memref<1x128x128xf32, #tpu.memory_space<vmem>> -> memref<128x128xf32, #tpu.memory_space<vmem>>
        %dma_wait3A_90 = arith.constant 0 : i32
        %dma_wait3A_91 = tpu.memref_slice %arg5[%add3A_84, %dma_wait3A_90] : memref<200x128xi32, #tpu.memory_space<vmem>> -> memref<1x128xi32, #tpu.memory_space<vmem>>
        %dma_wait3A_92 = tpu.memref_squeeze %dma_wait3A_91 : memref<1x128xi32, #tpu.memory_space<vmem>> -> memref<128xi32, #tpu.memory_space<vmem>>
        %dma_wait3A_93 = arith.constant 0 : i32
        %dma_wait3A_94 = arith.constant 0 : i32
        %dma_wait3A_95 = tpu.memref_slice %arg3[%dma_wait3A_93, %dma_wait3A_94] : memref<1000000x128xf32, #tpu.memory_space<hbm>> -> memref<1000000x128xf32, #tpu.memory_space<hbm>>
        tpu.wait_indirect_dma semaphore(%arg10 : memref<!tpu.dma_semaphore, #tpu.memory_space<semaphore_mem>>) src(%dma_wait3A_95 : memref<1000000x128xf32, #tpu.memory_space<hbm>>) dst(%dma_wait3A_89 : memref<128x128xf32, #tpu.memory_space<vmem>>)
        %add3A_96 = arith.constant 1 : i32
        %add3A_97 = arith.addi %scan3A_55, %add3A_96 : i32
        %lt3A = arith.constant 100 : i32
        %lt3A_98 = arith.cmpi slt, %add3A_97, %lt3A : i32
        %convert_element_type3A_99 = arith.extui %lt3A_98 : i1 to i32
        %cond3A_100 = arith.constant 0 : i32
        %cond3A_101 = arith.cmpi ne, %convert_element_type3A_99, %cond3A_100 : i32
        scf.if %cond3A_101 {
          %add3A_157 = arith.constant 1 : i32
          %add3A_158 = arith.addi %scan3A_55, %add3A_157 : i32
          %mul3A_159 = arith.constant 2 : i32
          %mul3A_160 = arith.muli %mul3A_159, %add3A_158 : i32
          %add3A_161 = arith.constant 0 : i32
          %add3A_162 = arith.addi %mul3A_160, %add3A_161 : i32
          %dma_start3A_163 = arith.constant 0 : i32
          %dma_start3A_164 = arith.constant 0 : i32
          %dma_start3A_165 = arith.constant 0 : i32
          %dma_start3A_166 = tpu.memref_slice %arg7[%dma_start3A_163, %dma_start3A_164, %dma_start3A_165] : memref<2x128x128xf32, #tpu.memory_space<vmem>> -> memref<1x128x128xf32, #tpu.memory_space<vmem>>
          %dma_start3A_167 = tpu.memref_squeeze %dma_start3A_166 : memref<1x128x128xf32, #tpu.memory_space<vmem>> -> memref<128x128xf32, #tpu.memory_space<vmem>>
          %dma_start3A_168 = arith.constant 0 : i32
          %dma_start3A_169 = tpu.memref_slice %arg5[%add3A_162, %dma_start3A_168] : memref<200x128xi32, #tpu.memory_space<vmem>> -> memref<1x128xi32, #tpu.memory_space<vmem>>
          %dma_start3A_170 = tpu.memref_squeeze %dma_start3A_169 : memref<1x128xi32, #tpu.memory_space<vmem>> -> memref<128xi32, #tpu.memory_space<vmem>>
          %dma_start3A_171 = arith.constant 0 : i32
          %dma_start3A_172 = arith.constant 0 : i32
          %dma_start3A_173 = tpu.memref_slice %arg3[%dma_start3A_171, %dma_start3A_172] : memref<1000000x128xf32, #tpu.memory_space<hbm>> -> memref<1000000x128xf32, #tpu.memory_space<hbm>>
          tpu.enqueue_indirect_dma source(%dma_start3A_173 : memref<1000000x128xf32, #tpu.memory_space<hbm>>) target(%dma_start3A_167 : memref<128x128xf32, #tpu.memory_space<vmem>>) offsets(%dma_start3A_170 : memref<128xi32, #tpu.memory_space<vmem>>) semaphore(%arg11 : memref<!tpu.dma_semaphore, #tpu.memory_space<semaphore_mem>>)
          %mul3A_174 = arith.constant 2 : i32
          %mul3A_175 = arith.muli %mul3A_174, %add3A_158 : i32
          %add3A_176 = arith.constant 1 : i32
          %add3A_177 = arith.addi %mul3A_175, %add3A_176 : i32
          %dma_start3A_178 = arith.constant 1 : i32
          %dma_start3A_179 = arith.constant 0 : i32
          %dma_start3A_180 = arith.constant 0 : i32
          %dma_start3A_181 = tpu.memref_slice %arg7[%dma_start3A_178, %dma_start3A_179, %dma_start3A_180] : memref<2x128x128xf32, #tpu.memory_space<vmem>> -> memref<1x128x128xf32, #tpu.memory_space<vmem>>
          %dma_start3A_182 = tpu.memref_squeeze %dma_start3A_181 : memref<1x128x128xf32, #tpu.memory_space<vmem>> -> memref<128x128xf32, #tpu.memory_space<vmem>>
          %dma_start3A_183 = arith.constant 0 : i32
          %dma_start3A_184 = tpu.memref_slice %arg5[%add3A_177, %dma_start3A_183] : memref<200x128xi32, #tpu.memory_space<vmem>> -> memref<1x128xi32, #tpu.memory_space<vmem>>
          %dma_start3A_185 = tpu.memref_squeeze %dma_start3A_184 : memref<1x128xi32, #tpu.memory_space<vmem>> -> memref<128xi32, #tpu.memory_space<vmem>>
          %dma_start3A_186 = arith.constant 0 : i32
          %dma_start3A_187 = arith.constant 0 : i32
          %dma_start3A_188 = tpu.memref_slice %arg3[%dma_start3A_186, %dma_start3A_187] : memref<1000000x128xf32, #tpu.memory_space<hbm>> -> memref<1000000x128xf32, #tpu.memory_space<hbm>>
          tpu.enqueue_indirect_dma source(%dma_start3A_188 : memref<1000000x128xf32, #tpu.memory_space<hbm>>) target(%dma_start3A_182 : memref<128x128xf32, #tpu.memory_space<vmem>>) offsets(%dma_start3A_185 : memref<128xi32, #tpu.memory_space<vmem>>) semaphore(%arg11 : memref<!tpu.dma_semaphore, #tpu.memory_space<semaphore_mem>>)
        } else {
        }
        %mul3A_102 = arith.constant 2 : i32
        %mul3A_103 = arith.muli %mul3A_102, %scan3A_55 : i32
        %add3A_104 = arith.constant 0 : i32
        %add3A_105 = arith.addi %mul3A_103, %add3A_104 : i32
        %ge3A = arith.constant 1 : i32
        %ge3A_106 = arith.cmpi sge, %scan3A_55, %ge3A : i32
        %convert_element_type3A_107 = arith.extui %ge3A_106 : i1 to i32
        %cond3A_108 = arith.constant 0 : i32
        %cond3A_109 = arith.cmpi ne, %convert_element_type3A_107, %cond3A_108 : i32
        scf.if %cond3A_109 {
          %sub3A = arith.constant 2 : i32
          %sub3A_157 = arith.subi %add3A_105, %sub3A : i32
          %dma_wait3A_158 = arith.constant 0 : i32
          %dma_wait3A_159 = arith.constant 0 : i32
          %dma_wait3A_160 = arith.constant 0 : i32
          %dma_wait3A_161 = tpu.memref_slice %arg4[%sub3A_157, %dma_wait3A_158, %add3A, %dma_wait3A_159, %dma_wait3A_160] : memref<200x8x32x8x128xf32, #tpu.memory_space<hbm>> -> memref<1x8x1x8x128xf32, #tpu.memory_space<hbm>>
          %dma_wait3A_162 = tpu.memref_squeeze %dma_wait3A_161 : memref<1x8x1x8x128xf32, #tpu.memory_space<hbm>> -> memref<8x8x128xf32, #tpu.memory_space<hbm>>
          %dma_wait3A_163 = arith.constant 0 : i32
          %dma_wait3A_164 = arith.constant 0 : i32
          %dma_wait3A_165 = arith.constant 0 : i32
          %dma_wait3A_166 = tpu.memref_slice %arg4[%sub3A_157, %dma_wait3A_163, %add3A, %dma_wait3A_164, %dma_wait3A_165] : memref<200x8x32x8x128xf32, #tpu.memory_space<hbm>> -> memref<1x8x1x8x128xf32, #tpu.memory_space<hbm>>
          %dma_wait3A_167 = tpu.memref_squeeze %dma_wait3A_166 : memref<1x8x1x8x128xf32, #tpu.memory_space<hbm>> -> memref<8x8x128xf32, #tpu.memory_space<hbm>>
          tpu.wait_dma2 semaphore(%arg12 : memref<!tpu.dma_semaphore, #tpu.memory_space<semaphore_mem>>) src(%arg8 : memref<8x8x128xf32, #tpu.memory_space<vmem>>) dst(%dma_wait3A_167 : memref<8x8x128xf32, #tpu.memory_space<hbm>>)
        } else {
        }
        %add3A_110 = arith.constant 0 : i32
        %add3A_111 = vector.broadcast %add3A_110 : i32 to vector<16xi32>
        %add3A_112 = arith.addi %mul3A_5, %add3A_111 : vector<16xi32>
        %scan3A_113 = arith.constant 0 : i32
        %scan3A_114 = arith.constant 0 : i32
        %scan3A_115 = arith.constant 64 : i32
        %scan3A_116 = arith.addi %scan3A_114, %scan3A_115 : i32
        %scan3A_117 = arith.constant 4 : i32
        scf.for %scan3A_157 = %scan3A_114 to %scan3A_116 step %scan3A_117  : i32 {
          %add3A_158 = vector.broadcast %scan3A_157 : i32 to vector<16xi32>
          %add3A_159 = arith.addi %add3A_158, %iota3A : vector<16xi32>
          %and3A = arith.constant 63 : i32
          %and3A_160 = vector.broadcast %and3A : i32 to vector<16xi32>
          %and3A_161 = arith.andi %add3A_159, %and3A_160 : vector<16xi32>
          %shift_right_logical3A = arith.constant 3 : i32
          %shift_right_logical3A_162 = vector.broadcast %shift_right_logical3A : i32 to vector<16xi32>
          %shift_right_logical3A_163 = arith.shrui %and3A_161, %shift_right_logical3A_162 : vector<16xi32>
          %and3A_164 = arith.constant 7 : i32
          %and3A_165 = vector.broadcast %and3A_164 : i32 to vector<16xi32>
          %and3A_166 = arith.andi %and3A_161, %and3A_165 : vector<16xi32>
          %add3A_167 = arith.constant 0 : i32
          %add3A_168 = vector.broadcast %add3A_167 : i32 to vector<16xi32>
          %add3A_169 = arith.addi %add3A_168, %iota3A : vector<16xi32>
          %gather3A = tpu.vector_load_idx %arg6[%add3A_112, %add3A_169, %and3A_161] : memref<2x128x128xf32, #tpu.memory_space<vmem>>[vector<16xi32>, vector<16xi32>, vector<16xi32>], vector<16xf32>,
          tpu.vector_store_idx %arg8[%shift_right_logical3A_163, %and3A_166, %add3A_169], %gather3A : memref<8x8x128xf32, #tpu.memory_space<vmem>>[vector<16xi32>, vector<16xi32>, vector<16xi32>], vector<16xf32>,
          %add3A_170 = arith.constant 16 : i32
          %add3A_171 = vector.broadcast %add3A_170 : i32 to vector<16xi32>
          %add3A_172 = arith.addi %add3A_171, %iota3A : vector<16xi32>
          %gather3A_173 = tpu.vector_load_idx %arg6[%add3A_112, %add3A_172, %and3A_161] : memref<2x128x128xf32, #tpu.memory_space<vmem>>[vector<16xi32>, vector<16xi32>, vector<16xi32>], vector<16xf32>,
          tpu.vector_store_idx %arg8[%shift_right_logical3A_163, %and3A_166, %add3A_172], %gather3A_173 : memref<8x8x128xf32, #tpu.memory_space<vmem>>[vector<16xi32>, vector<16xi32>, vector<16xi32>], vector<16xf32>,
          %add3A_174 = arith.constant 32 : i32
          %add3A_175 = vector.broadcast %add3A_174 : i32 to vector<16xi32>
          %add3A_176 = arith.addi %add3A_175, %iota3A : vector<16xi32>
          %gather3A_177 = tpu.vector_load_idx %arg6[%add3A_112, %add3A_176, %and3A_161] : memref<2x128x128xf32, #tpu.memory_space<vmem>>[vector<16xi32>, vector<16xi32>, vector<16xi32>], vector<16xf32>,
          tpu.vector_store_idx %arg8[%shift_right_logical3A_163, %and3A_166, %add3A_176], %gather3A_177 : memref<8x8x128xf32, #tpu.memory_space<vmem>>[vector<16xi32>, vector<16xi32>, vector<16xi32>], vector<16xf32>,
          %add3A_178 = arith.constant 48 : i32
          %add3A_179 = vector.broadcast %add3A_178 : i32 to vector<16xi32>
          %add3A_180 = arith.addi %add3A_179, %iota3A : vector<16xi32>
          %gather3A_181 = tpu.vector_load_idx %arg6[%add3A_112, %add3A_180, %and3A_161] : memref<2x128x128xf32, #tpu.memory_space<vmem>>[vector<16xi32>, vector<16xi32>, vector<16xi32>], vector<16xf32>,
          tpu.vector_store_idx %arg8[%shift_right_logical3A_163, %and3A_166, %add3A_180], %gather3A_181 : memref<8x8x128xf32, #tpu.memory_space<vmem>>[vector<16xi32>, vector<16xi32>, vector<16xi32>], vector<16xf32>,
          %add3A_182 = arith.constant 64 : i32
          %add3A_183 = vector.broadcast %add3A_182 : i32 to vector<16xi32>
          %add3A_184 = arith.addi %add3A_183, %iota3A : vector<16xi32>
          %gather3A_185 = tpu.vector_load_idx %arg6[%add3A_112, %add3A_184, %and3A_161] : memref<2x128x128xf32, #tpu.memory_space<vmem>>[vector<16xi32>, vector<16xi32>, vector<16xi32>], vector<16xf32>,
          tpu.vector_store_idx %arg8[%shift_right_logical3A_163, %and3A_166, %add3A_184], %gather3A_185 : memref<8x8x128xf32, #tpu.memory_space<vmem>>[vector<16xi32>, vector<16xi32>, vector<16xi32>], vector<16xf32>,
          %add3A_186 = arith.constant 80 : i32
          %add3A_187 = vector.broadcast %add3A_186 : i32 to vector<16xi32>
          %add3A_188 = arith.addi %add3A_187, %iota3A : vector<16xi32>
          %gather3A_189 = tpu.vector_load_idx %arg6[%add3A_112, %add3A_188, %and3A_161] : memref<2x128x128xf32, #tpu.memory_space<vmem>>[vector<16xi32>, vector<16xi32>, vector<16xi32>], vector<16xf32>,
          tpu.vector_store_idx %arg8[%shift_right_logical3A_163, %and3A_166, %add3A_188], %gather3A_189 : memref<8x8x128xf32, #tpu.memory_space<vmem>>[vector<16xi32>, vector<16xi32>, vector<16xi32>], vector<16xf32>,
          %add3A_190 = arith.constant 96 : i32
          %add3A_191 = vector.broadcast %add3A_190 : i32 to vector<16xi32>
          %add3A_192 = arith.addi %add3A_191, %iota3A : vector<16xi32>
          %gather3A_193 = tpu.vector_load_idx %arg6[%add3A_112, %add3A_192, %and3A_161] : memref<2x128x128xf32, #tpu.memory_space<vmem>>[vector<16xi32>, vector<16xi32>, vector<16xi32>], vector<16xf32>,
          tpu.vector_store_idx %arg8[%shift_right_logical3A_163, %and3A_166, %add3A_192], %gather3A_193 : memref<8x8x128xf32, #tpu.memory_space<vmem>>[vector<16xi32>, vector<16xi32>, vector<16xi32>], vector<16xf32>,
          %add3A_194 = arith.constant 112 : i32
          %add3A_195 = vector.broadcast %add3A_194 : i32 to vector<16xi32>
          %add3A_196 = arith.addi %add3A_195, %iota3A : vector<16xi32>
          %gather3A_197 = tpu.vector_load_idx %arg6[%add3A_112, %add3A_196, %and3A_161] : memref<2x128x128xf32, #tpu.memory_space<vmem>>[vector<16xi32>, vector<16xi32>, vector<16xi32>], vector<16xf32>,
          tpu.vector_store_idx %arg8[%shift_right_logical3A_163, %and3A_166, %add3A_196], %gather3A_197 : memref<8x8x128xf32, #tpu.memory_space<vmem>>[vector<16xi32>, vector<16xi32>, vector<16xi32>], vector<16xf32>,
          %scan3A_198 = arith.constant 1 : i32
          %scan3A_199 = arith.addi %scan3A_157, %scan3A_198 : i32
          %add3A_200 = vector.broadcast %scan3A_199 : i32 to vector<16xi32>
          %add3A_201 = arith.addi %add3A_200, %iota3A : vector<16xi32>
          %and3A_202 = arith.constant 63 : i32
          %and3A_203 = vector.broadcast %and3A_202 : i32 to vector<16xi32>
          %and3A_204 = arith.andi %add3A_201, %and3A_203 : vector<16xi32>
          %shift_right_logical3A_205 = arith.constant 3 : i32
          %shift_right_logical3A_206 = vector.broadcast %shift_right_logical3A_205 : i32 to vector<16xi32>
          %shift_right_logical3A_207 = arith.shrui %and3A_204, %shift_right_logical3A_206 : vector<16xi32>
          %and3A_208 = arith.constant 7 : i32
          %and3A_209 = vector.broadcast %and3A_208 : i32 to vector<16xi32>
          %and3A_210 = arith.andi %and3A_204, %and3A_209 : vector<16xi32>
          %add3A_211 = arith.constant 0 : i32
          %add3A_212 = vector.broadcast %add3A_211 : i32 to vector<16xi32>
          %add3A_213 = arith.addi %add3A_212, %iota3A : vector<16xi32>
          %gather3A_214 = tpu.vector_load_idx %arg6[%add3A_112, %add3A_213, %and3A_204] : memref<2x128x128xf32, #tpu.memory_space<vmem>>[vector<16xi32>, vector<16xi32>, vector<16xi32>], vector<16xf32>,
          tpu.vector_store_idx %arg8[%shift_right_logical3A_207, %and3A_210, %add3A_213], %gather3A_214 : memref<8x8x128xf32, #tpu.memory_space<vmem>>[vector<16xi32>, vector<16xi32>, vector<16xi32>], vector<16xf32>,
          %add3A_215 = arith.constant 16 : i32
          %add3A_216 = vector.broadcast %add3A_215 : i32 to vector<16xi32>
          %add3A_217 = arith.addi %add3A_216, %iota3A : vector<16xi32>
          %gather3A_218 = tpu.vector_load_idx %arg6[%add3A_112, %add3A_217, %and3A_204] : memref<2x128x128xf32, #tpu.memory_space<vmem>>[vector<16xi32>, vector<16xi32>, vector<16xi32>], vector<16xf32>,
          tpu.vector_store_idx %arg8[%shift_right_logical3A_207, %and3A_210, %add3A_217], %gather3A_218 : memref<8x8x128xf32, #tpu.memory_space<vmem>>[vector<16xi32>, vector<16xi32>, vector<16xi32>], vector<16xf32>,
          %add3A_219 = arith.constant 32 : i32
          %add3A_220 = vector.broadcast %add3A_219 : i32 to vector<16xi32>
          %add3A_221 = arith.addi %add3A_220, %iota3A : vector<16xi32>
          %gather3A_222 = tpu.vector_load_idx %arg6[%add3A_112, %add3A_221, %and3A_204] : memref<2x128x128xf32, #tpu.memory_space<vmem>>[vector<16xi32>, vector<16xi32>, vector<16xi32>], vector<16xf32>,
          tpu.vector_store_idx %arg8[%shift_right_logical3A_207, %and3A_210, %add3A_221], %gather3A_222 : memref<8x8x128xf32, #tpu.memory_space<vmem>>[vector<16xi32>, vector<16xi32>, vector<16xi32>], vector<16xf32>,
          %add3A_223 = arith.constant 48 : i32
          %add3A_224 = vector.broadcast %add3A_223 : i32 to vector<16xi32>
          %add3A_225 = arith.addi %add3A_224, %iota3A : vector<16xi32>
          %gather3A_226 = tpu.vector_load_idx %arg6[%add3A_112, %add3A_225, %and3A_204] : memref<2x128x128xf32, #tpu.memory_space<vmem>>[vector<16xi32>, vector<16xi32>, vector<16xi32>], vector<16xf32>,
          tpu.vector_store_idx %arg8[%shift_right_logical3A_207, %and3A_210, %add3A_225], %gather3A_226 : memref<8x8x128xf32, #tpu.memory_space<vmem>>[vector<16xi32>, vector<16xi32>, vector<16xi32>], vector<16xf32>,
          %add3A_227 = arith.constant 64 : i32
          %add3A_228 = vector.broadcast %add3A_227 : i32 to vector<16xi32>
          %add3A_229 = arith.addi %add3A_228, %iota3A : vector<16xi32>
          %gather3A_230 = tpu.vector_load_idx %arg6[%add3A_112, %add3A_229, %and3A_204] : memref<2x128x128xf32, #tpu.memory_space<vmem>>[vector<16xi32>, vector<16xi32>, vector<16xi32>], vector<16xf32>,
          tpu.vector_store_idx %arg8[%shift_right_logical3A_207, %and3A_210, %add3A_229], %gather3A_230 : memref<8x8x128xf32, #tpu.memory_space<vmem>>[vector<16xi32>, vector<16xi32>, vector<16xi32>], vector<16xf32>,
          %add3A_231 = arith.constant 80 : i32
          %add3A_232 = vector.broadcast %add3A_231 : i32 to vector<16xi32>
          %add3A_233 = arith.addi %add3A_232, %iota3A : vector<16xi32>
          %gather3A_234 = tpu.vector_load_idx %arg6[%add3A_112, %add3A_233, %and3A_204] : memref<2x128x128xf32, #tpu.memory_space<vmem>>[vector<16xi32>, vector<16xi32>, vector<16xi32>], vector<16xf32>,
          tpu.vector_store_idx %arg8[%shift_right_logical3A_207, %and3A_210, %add3A_233], %gather3A_234 : memref<8x8x128xf32, #tpu.memory_space<vmem>>[vector<16xi32>, vector<16xi32>, vector<16xi32>], vector<16xf32>,
          %add3A_235 = arith.constant 96 : i32
          %add3A_236 = vector.broadcast %add3A_235 : i32 to vector<16xi32>
          %add3A_237 = arith.addi %add3A_236, %iota3A : vector<16xi32>
          %gather3A_238 = tpu.vector_load_idx %arg6[%add3A_112, %add3A_237, %and3A_204] : memref<2x128x128xf32, #tpu.memory_space<vmem>>[vector<16xi32>, vector<16xi32>, vector<16xi32>], vector<16xf32>,
          tpu.vector_store_idx %arg8[%shift_right_logical3A_207, %and3A_210, %add3A_237], %gather3A_238 : memref<8x8x128xf32, #tpu.memory_space<vmem>>[vector<16xi32>, vector<16xi32>, vector<16xi32>], vector<16xf32>,
          %add3A_239 = arith.constant 112 : i32
          %add3A_240 = vector.broadcast %add3A_239 : i32 to vector<16xi32>
          %add3A_241 = arith.addi %add3A_240, %iota3A : vector<16xi32>
          %gather3A_242 = tpu.vector_load_idx %arg6[%add3A_112, %add3A_241, %and3A_204] : memref<2x128x128xf32, #tpu.memory_space<vmem>>[vector<16xi32>, vector<16xi32>, vector<16xi32>], vector<16xf32>,
          tpu.vector_store_idx %arg8[%shift_right_logical3A_207, %and3A_210, %add3A_241], %gather3A_242 : memref<8x8x128xf32, #tpu.memory_space<vmem>>[vector<16xi32>, vector<16xi32>, vector<16xi32>], vector<16xf32>,
          %scan3A_243 = arith.constant 2 : i32
          %scan3A_244 = arith.addi %scan3A_157, %scan3A_243 : i32
          %add3A_245 = vector.broadcast %scan3A_244 : i32 to vector<16xi32>
          %add3A_246 = arith.addi %add3A_245, %iota3A : vector<16xi32>
          %and3A_247 = arith.constant 63 : i32
          %and3A_248 = vector.broadcast %and3A_247 : i32 to vector<16xi32>
          %and3A_249 = arith.andi %add3A_246, %and3A_248 : vector<16xi32>
          %shift_right_logical3A_250 = arith.constant 3 : i32
          %shift_right_logical3A_251 = vector.broadcast %shift_right_logical3A_250 : i32 to vector<16xi32>
          %shift_right_logical3A_252 = arith.shrui %and3A_249, %shift_right_logical3A_251 : vector<16xi32>
          %and3A_253 = arith.constant 7 : i32
          %and3A_254 = vector.broadcast %and3A_253 : i32 to vector<16xi32>
          %and3A_255 = arith.andi %and3A_249, %and3A_254 : vector<16xi32>
          %add3A_256 = arith.constant 0 : i32
          %add3A_257 = vector.broadcast %add3A_256 : i32 to vector<16xi32>
          %add3A_258 = arith.addi %add3A_257, %iota3A : vector<16xi32>
          %gather3A_259 = tpu.vector_load_idx %arg6[%add3A_112, %add3A_258, %and3A_249] : memref<2x128x128xf32, #tpu.memory_space<vmem>>[vector<16xi32>, vector<16xi32>, vector<16xi32>], vector<16xf32>,
          tpu.vector_store_idx %arg8[%shift_right_logical3A_252, %and3A_255, %add3A_258], %gather3A_259 : memref<8x8x128xf32, #tpu.memory_space<vmem>>[vector<16xi32>, vector<16xi32>, vector<16xi32>], vector<16xf32>,
          %add3A_260 = arith.constant 16 : i32
          %add3A_261 = vector.broadcast %add3A_260 : i32 to vector<16xi32>
          %add3A_262 = arith.addi %add3A_261, %iota3A : vector<16xi32>
          %gather3A_263 = tpu.vector_load_idx %arg6[%add3A_112, %add3A_262, %and3A_249] : memref<2x128x128xf32, #tpu.memory_space<vmem>>[vector<16xi32>, vector<16xi32>, vector<16xi32>], vector<16xf32>,
          tpu.vector_store_idx %arg8[%shift_right_logical3A_252, %and3A_255, %add3A_262], %gather3A_263 : memref<8x8x128xf32, #tpu.memory_space<vmem>>[vector<16xi32>, vector<16xi32>, vector<16xi32>], vector<16xf32>,
          %add3A_264 = arith.constant 32 : i32
          %add3A_265 = vector.broadcast %add3A_264 : i32 to vector<16xi32>
          %add3A_266 = arith.addi %add3A_265, %iota3A : vector<16xi32>
          %gather3A_267 = tpu.vector_load_idx %arg6[%add3A_112, %add3A_266, %and3A_249] : memref<2x128x128xf32, #tpu.memory_space<vmem>>[vector<16xi32>, vector<16xi32>, vector<16xi32>], vector<16xf32>,
          tpu.vector_store_idx %arg8[%shift_right_logical3A_252, %and3A_255, %add3A_266], %gather3A_267 : memref<8x8x128xf32, #tpu.memory_space<vmem>>[vector<16xi32>, vector<16xi32>, vector<16xi32>], vector<16xf32>,
          %add3A_268 = arith.constant 48 : i32
          %add3A_269 = vector.broadcast %add3A_268 : i32 to vector<16xi32>
          %add3A_270 = arith.addi %add3A_269, %iota3A : vector<16xi32>
          %gather3A_271 = tpu.vector_load_idx %arg6[%add3A_112, %add3A_270, %and3A_249] : memref<2x128x128xf32, #tpu.memory_space<vmem>>[vector<16xi32>, vector<16xi32>, vector<16xi32>], vector<16xf32>,
          tpu.vector_store_idx %arg8[%shift_right_logical3A_252, %and3A_255, %add3A_270], %gather3A_271 : memref<8x8x128xf32, #tpu.memory_space<vmem>>[vector<16xi32>, vector<16xi32>, vector<16xi32>], vector<16xf32>,
          %add3A_272 = arith.constant 64 : i32
          %add3A_273 = vector.broadcast %add3A_272 : i32 to vector<16xi32>
          %add3A_274 = arith.addi %add3A_273, %iota3A : vector<16xi32>
          %gather3A_275 = tpu.vector_load_idx %arg6[%add3A_112, %add3A_274, %and3A_249] : memref<2x128x128xf32, #tpu.memory_space<vmem>>[vector<16xi32>, vector<16xi32>, vector<16xi32>], vector<16xf32>,
          tpu.vector_store_idx %arg8[%shift_right_logical3A_252, %and3A_255, %add3A_274], %gather3A_275 : memref<8x8x128xf32, #tpu.memory_space<vmem>>[vector<16xi32>, vector<16xi32>, vector<16xi32>], vector<16xf32>,
          %add3A_276 = arith.constant 80 : i32
          %add3A_277 = vector.broadcast %add3A_276 : i32 to vector<16xi32>
          %add3A_278 = arith.addi %add3A_277, %iota3A : vector<16xi32>
          %gather3A_279 = tpu.vector_load_idx %arg6[%add3A_112, %add3A_278, %and3A_249] : memref<2x128x128xf32, #tpu.memory_space<vmem>>[vector<16xi32>, vector<16xi32>, vector<16xi32>], vector<16xf32>,
          tpu.vector_store_idx %arg8[%shift_right_logical3A_252, %and3A_255, %add3A_278], %gather3A_279 : memref<8x8x128xf32, #tpu.memory_space<vmem>>[vector<16xi32>, vector<16xi32>, vector<16xi32>], vector<16xf32>,
          %add3A_280 = arith.constant 96 : i32
          %add3A_281 = vector.broadcast %add3A_280 : i32 to vector<16xi32>
          %add3A_282 = arith.addi %add3A_281, %iota3A : vector<16xi32>
          %gather3A_283 = tpu.vector_load_idx %arg6[%add3A_112, %add3A_282, %and3A_249] : memref<2x128x128xf32, #tpu.memory_space<vmem>>[vector<16xi32>, vector<16xi32>, vector<16xi32>], vector<16xf32>,
          tpu.vector_store_idx %arg8[%shift_right_logical3A_252, %and3A_255, %add3A_282], %gather3A_283 : memref<8x8x128xf32, #tpu.memory_space<vmem>>[vector<16xi32>, vector<16xi32>, vector<16xi32>], vector<16xf32>,
          %add3A_284 = arith.constant 112 : i32
          %add3A_285 = vector.broadcast %add3A_284 : i32 to vector<16xi32>
          %add3A_286 = arith.addi %add3A_285, %iota3A : vector<16xi32>
          %gather3A_287 = tpu.vector_load_idx %arg6[%add3A_112, %add3A_286, %and3A_249] : memref<2x128x128xf32, #tpu.memory_space<vmem>>[vector<16xi32>, vector<16xi32>, vector<16xi32>], vector<16xf32>,
          tpu.vector_store_idx %arg8[%shift_right_logical3A_252, %and3A_255, %add3A_286], %gather3A_287 : memref<8x8x128xf32, #tpu.memory_space<vmem>>[vector<16xi32>, vector<16xi32>, vector<16xi32>], vector<16xf32>,
          %scan3A_288 = arith.constant 3 : i32
          %scan3A_289 = arith.addi %scan3A_157, %scan3A_288 : i32
          %add3A_290 = vector.broadcast %scan3A_289 : i32 to vector<16xi32>
          %add3A_291 = arith.addi %add3A_290, %iota3A : vector<16xi32>
          %and3A_292 = arith.constant 63 : i32
          %and3A_293 = vector.broadcast %and3A_292 : i32 to vector<16xi32>
          %and3A_294 = arith.andi %add3A_291, %and3A_293 : vector<16xi32>
          %shift_right_logical3A_295 = arith.constant 3 : i32
          %shift_right_logical3A_296 = vector.broadcast %shift_right_logical3A_295 : i32 to vector<16xi32>
          %shift_right_logical3A_297 = arith.shrui %and3A_294, %shift_right_logical3A_296 : vector<16xi32>
          %and3A_298 = arith.constant 7 : i32
          %and3A_299 = vector.broadcast %and3A_298 : i32 to vector<16xi32>
          %and3A_300 = arith.andi %and3A_294, %and3A_299 : vector<16xi32>
          %add3A_301 = arith.constant 0 : i32
          %add3A_302 = vector.broadcast %add3A_301 : i32 to vector<16xi32>
          %add3A_303 = arith.addi %add3A_302, %iota3A : vector<16xi32>
          %gather3A_304 = tpu.vector_load_idx %arg6[%add3A_112, %add3A_303, %and3A_294] : memref<2x128x128xf32, #tpu.memory_space<vmem>>[vector<16xi32>, vector<16xi32>, vector<16xi32>], vector<16xf32>,
          tpu.vector_store_idx %arg8[%shift_right_logical3A_297, %and3A_300, %add3A_303], %gather3A_304 : memref<8x8x128xf32, #tpu.memory_space<vmem>>[vector<16xi32>, vector<16xi32>, vector<16xi32>], vector<16xf32>,
          %add3A_305 = arith.constant 16 : i32
          %add3A_306 = vector.broadcast %add3A_305 : i32 to vector<16xi32>
          %add3A_307 = arith.addi %add3A_306, %iota3A : vector<16xi32>
          %gather3A_308 = tpu.vector_load_idx %arg6[%add3A_112, %add3A_307, %and3A_294] : memref<2x128x128xf32, #tpu.memory_space<vmem>>[vector<16xi32>, vector<16xi32>, vector<16xi32>], vector<16xf32>,
          tpu.vector_store_idx %arg8[%shift_right_logical3A_297, %and3A_300, %add3A_307], %gather3A_308 : memref<8x8x128xf32, #tpu.memory_space<vmem>>[vector<16xi32>, vector<16xi32>, vector<16xi32>], vector<16xf32>,
          %add3A_309 = arith.constant 32 : i32
          %add3A_310 = vector.broadcast %add3A_309 : i32 to vector<16xi32>
          %add3A_311 = arith.addi %add3A_310, %iota3A : vector<16xi32>
          %gather3A_312 = tpu.vector_load_idx %arg6[%add3A_112, %add3A_311, %and3A_294] : memref<2x128x128xf32, #tpu.memory_space<vmem>>[vector<16xi32>, vector<16xi32>, vector<16xi32>], vector<16xf32>,
          tpu.vector_store_idx %arg8[%shift_right_logical3A_297, %and3A_300, %add3A_311], %gather3A_312 : memref<8x8x128xf32, #tpu.memory_space<vmem>>[vector<16xi32>, vector<16xi32>, vector<16xi32>], vector<16xf32>,
          %add3A_313 = arith.constant 48 : i32
          %add3A_314 = vector.broadcast %add3A_313 : i32 to vector<16xi32>
          %add3A_315 = arith.addi %add3A_314, %iota3A : vector<16xi32>
          %gather3A_316 = tpu.vector_load_idx %arg6[%add3A_112, %add3A_315, %and3A_294] : memref<2x128x128xf32, #tpu.memory_space<vmem>>[vector<16xi32>, vector<16xi32>, vector<16xi32>], vector<16xf32>,
          tpu.vector_store_idx %arg8[%shift_right_logical3A_297, %and3A_300, %add3A_315], %gather3A_316 : memref<8x8x128xf32, #tpu.memory_space<vmem>>[vector<16xi32>, vector<16xi32>, vector<16xi32>], vector<16xf32>,
          %add3A_317 = arith.constant 64 : i32
          %add3A_318 = vector.broadcast %add3A_317 : i32 to vector<16xi32>
          %add3A_319 = arith.addi %add3A_318, %iota3A : vector<16xi32>
          %gather3A_320 = tpu.vector_load_idx %arg6[%add3A_112, %add3A_319, %and3A_294] : memref<2x128x128xf32, #tpu.memory_space<vmem>>[vector<16xi32>, vector<16xi32>, vector<16xi32>], vector<16xf32>,
          tpu.vector_store_idx %arg8[%shift_right_logical3A_297, %and3A_300, %add3A_319], %gather3A_320 : memref<8x8x128xf32, #tpu.memory_space<vmem>>[vector<16xi32>, vector<16xi32>, vector<16xi32>], vector<16xf32>,
          %add3A_321 = arith.constant 80 : i32
          %add3A_322 = vector.broadcast %add3A_321 : i32 to vector<16xi32>
          %add3A_323 = arith.addi %add3A_322, %iota3A : vector<16xi32>
          %gather3A_324 = tpu.vector_load_idx %arg6[%add3A_112, %add3A_323, %and3A_294] : memref<2x128x128xf32, #tpu.memory_space<vmem>>[vector<16xi32>, vector<16xi32>, vector<16xi32>], vector<16xf32>,
          tpu.vector_store_idx %arg8[%shift_right_logical3A_297, %and3A_300, %add3A_323], %gather3A_324 : memref<8x8x128xf32, #tpu.memory_space<vmem>>[vector<16xi32>, vector<16xi32>, vector<16xi32>], vector<16xf32>,
          %add3A_325 = arith.constant 96 : i32
          %add3A_326 = vector.broadcast %add3A_325 : i32 to vector<16xi32>
          %add3A_327 = arith.addi %add3A_326, %iota3A : vector<16xi32>
          %gather3A_328 = tpu.vector_load_idx %arg6[%add3A_112, %add3A_327, %and3A_294] : memref<2x128x128xf32, #tpu.memory_space<vmem>>[vector<16xi32>, vector<16xi32>, vector<16xi32>], vector<16xf32>,
          tpu.vector_store_idx %arg8[%shift_right_logical3A_297, %and3A_300, %add3A_327], %gather3A_328 : memref<8x8x128xf32, #tpu.memory_space<vmem>>[vector<16xi32>, vector<16xi32>, vector<16xi32>], vector<16xf32>,
          %add3A_329 = arith.constant 112 : i32
          %add3A_330 = vector.broadcast %add3A_329 : i32 to vector<16xi32>
          %add3A_331 = arith.addi %add3A_330, %iota3A : vector<16xi32>
          %gather3A_332 = tpu.vector_load_idx %arg6[%add3A_112, %add3A_331, %and3A_294] : memref<2x128x128xf32, #tpu.memory_space<vmem>>[vector<16xi32>, vector<16xi32>, vector<16xi32>], vector<16xf32>,
          tpu.vector_store_idx %arg8[%shift_right_logical3A_297, %and3A_300, %add3A_331], %gather3A_332 : memref<8x8x128xf32, #tpu.memory_space<vmem>>[vector<16xi32>, vector<16xi32>, vector<16xi32>], vector<16xf32>,
        }
        %scan3A_118 = arith.constant 64 : i32
        %dma_start3A_119 = arith.constant 0 : i32
        %dma_start3A_120 = arith.constant 0 : i32
        %dma_start3A_121 = arith.constant 0 : i32
        %dma_start3A_122 = tpu.memref_slice %arg4[%add3A_105, %dma_start3A_119, %add3A, %dma_start3A_120, %dma_start3A_121] : memref<200x8x32x8x128xf32, #tpu.memory_space<hbm>> -> memref<1x8x1x8x128xf32, #tpu.memory_space<hbm>>
        %dma_start3A_123 = tpu.memref_squeeze %dma_start3A_122 : memref<1x8x1x8x128xf32, #tpu.memory_space<hbm>> -> memref<8x8x128xf32, #tpu.memory_space<hbm>>
        %dma_start3A_124 = arith.constant 0 : i32
        %dma_start3A_125 = arith.constant 0 : i32
        %dma_start3A_126 = arith.constant 0 : i32
        %dma_start3A_127 = tpu.memref_slice %arg4[%add3A_105, %dma_start3A_124, %add3A, %dma_start3A_125, %dma_start3A_126] : memref<200x8x32x8x128xf32, #tpu.memory_space<hbm>> -> memref<1x8x1x8x128xf32, #tpu.memory_space<hbm>>
        %dma_start3A_128 = tpu.memref_squeeze %dma_start3A_127 : memref<1x8x1x8x128xf32, #tpu.memory_space<hbm>> -> memref<8x8x128xf32, #tpu.memory_space<hbm>>
        tpu.enqueue_dma source(%arg8 : memref<8x8x128xf32, #tpu.memory_space<vmem>>) target(%dma_start3A_128 : memref<8x8x128xf32, #tpu.memory_space<hbm>>) target_semaphore(%arg12 : memref<!tpu.dma_semaphore, #tpu.memory_space<semaphore_mem>>)
        %mul3A_129 = arith.constant 2 : i32
        %mul3A_130 = arith.muli %mul3A_129, %scan3A_55 : i32
        %add3A_131 = arith.constant 1 : i32
        %add3A_132 = arith.addi %mul3A_130, %add3A_131 : i32
        %ge3A_133 = arith.constant 1 : i32
        %ge3A_134 = arith.cmpi sge, %scan3A_55, %ge3A_133 : i32
        %convert_element_type3A_135 = arith.extui %ge3A_134 : i1 to i32
        %cond3A_136 = arith.constant 0 : i32
        %cond3A_137 = arith.cmpi ne, %convert_element_type3A_135, %cond3A_136 : i32
        scf.if %cond3A_137 {
          %sub3A = arith.constant 2 : i32
          %sub3A_157 = arith.subi %add3A_132, %sub3A : i32
          %dma_wait3A_158 = arith.constant 0 : i32
          %dma_wait3A_159 = arith.constant 0 : i32
          %dma_wait3A_160 = arith.constant 0 : i32
          %dma_wait3A_161 = tpu.memref_slice %arg4[%sub3A_157, %dma_wait3A_158, %add3A, %dma_wait3A_159, %dma_wait3A_160] : memref<200x8x32x8x128xf32, #tpu.memory_space<hbm>> -> memref<1x8x1x8x128xf32, #tpu.memory_space<hbm>>
          %dma_wait3A_162 = tpu.memref_squeeze %dma_wait3A_161 : memref<1x8x1x8x128xf32, #tpu.memory_space<hbm>> -> memref<8x8x128xf32, #tpu.memory_space<hbm>>
          %dma_wait3A_163 = arith.constant 0 : i32
          %dma_wait3A_164 = arith.constant 0 : i32
          %dma_wait3A_165 = arith.constant 0 : i32
          %dma_wait3A_166 = tpu.memref_slice %arg4[%sub3A_157, %dma_wait3A_163, %add3A, %dma_wait3A_164, %dma_wait3A_165] : memref<200x8x32x8x128xf32, #tpu.memory_space<hbm>> -> memref<1x8x1x8x128xf32, #tpu.memory_space<hbm>>
          %dma_wait3A_167 = tpu.memref_squeeze %dma_wait3A_166 : memref<1x8x1x8x128xf32, #tpu.memory_space<hbm>> -> memref<8x8x128xf32, #tpu.memory_space<hbm>>
          tpu.wait_dma2 semaphore(%arg13 : memref<!tpu.dma_semaphore, #tpu.memory_space<semaphore_mem>>) src(%arg9 : memref<8x8x128xf32, #tpu.memory_space<vmem>>) dst(%dma_wait3A_167 : memref<8x8x128xf32, #tpu.memory_space<hbm>>)
        } else {
        }
        %add3A_138 = arith.constant 1 : i32
        %add3A_139 = vector.broadcast %add3A_138 : i32 to vector<16xi32>
        %add3A_140 = arith.addi %mul3A_5, %add3A_139 : vector<16xi32>
        %scan3A_141 = arith.constant 0 : i32
        %scan3A_142 = arith.constant 0 : i32
        %scan3A_143 = arith.constant 64 : i32
        %scan3A_144 = arith.addi %scan3A_142, %scan3A_143 : i32
        %scan3A_145 = arith.constant 4 : i32
        scf.for %scan3A_157 = %scan3A_142 to %scan3A_144 step %scan3A_145  : i32 {
          %add3A_158 = vector.broadcast %scan3A_157 : i32 to vector<16xi32>
          %add3A_159 = arith.addi %add3A_158, %iota3A : vector<16xi32>
          %and3A = arith.constant 63 : i32
          %and3A_160 = vector.broadcast %and3A : i32 to vector<16xi32>
          %and3A_161 = arith.andi %add3A_159, %and3A_160 : vector<16xi32>
          %shift_right_logical3A = arith.constant 3 : i32
          %shift_right_logical3A_162 = vector.broadcast %shift_right_logical3A : i32 to vector<16xi32>
          %shift_right_logical3A_163 = arith.shrui %and3A_161, %shift_right_logical3A_162 : vector<16xi32>
          %and3A_164 = arith.constant 7 : i32
          %and3A_165 = vector.broadcast %and3A_164 : i32 to vector<16xi32>
          %and3A_166 = arith.andi %and3A_161, %and3A_165 : vector<16xi32>
          %add3A_167 = arith.constant 0 : i32
          %add3A_168 = vector.broadcast %add3A_167 : i32 to vector<16xi32>
          %add3A_169 = arith.addi %add3A_168, %iota3A : vector<16xi32>
          %gather3A = tpu.vector_load_idx %arg6[%add3A_140, %add3A_169, %and3A_161] : memref<2x128x128xf32, #tpu.memory_space<vmem>>[vector<16xi32>, vector<16xi32>, vector<16xi32>], vector<16xf32>,
          tpu.vector_store_idx %arg9[%shift_right_logical3A_163, %and3A_166, %add3A_169], %gather3A : memref<8x8x128xf32, #tpu.memory_space<vmem>>[vector<16xi32>, vector<16xi32>, vector<16xi32>], vector<16xf32>,
          %add3A_170 = arith.constant 16 : i32
          %add3A_171 = vector.broadcast %add3A_170 : i32 to vector<16xi32>
          %add3A_172 = arith.addi %add3A_171, %iota3A : vector<16xi32>
          %gather3A_173 = tpu.vector_load_idx %arg6[%add3A_140, %add3A_172, %and3A_161] : memref<2x128x128xf32, #tpu.memory_space<vmem>>[vector<16xi32>, vector<16xi32>, vector<16xi32>], vector<16xf32>,
          tpu.vector_store_idx %arg9[%shift_right_logical3A_163, %and3A_166, %add3A_172], %gather3A_173 : memref<8x8x128xf32, #tpu.memory_space<vmem>>[vector<16xi32>, vector<16xi32>, vector<16xi32>], vector<16xf32>,
          %add3A_174 = arith.constant 32 : i32
          %add3A_175 = vector.broadcast %add3A_174 : i32 to vector<16xi32>
          %add3A_176 = arith.addi %add3A_175, %iota3A : vector<16xi32>
          %gather3A_177 = tpu.vector_load_idx %arg6[%add3A_140, %add3A_176, %and3A_161] : memref<2x128x128xf32, #tpu.memory_space<vmem>>[vector<16xi32>, vector<16xi32>, vector<16xi32>], vector<16xf32>,
          tpu.vector_store_idx %arg9[%shift_right_logical3A_163, %and3A_166, %add3A_176], %gather3A_177 : memref<8x8x128xf32, #tpu.memory_space<vmem>>[vector<16xi32>, vector<16xi32>, vector<16xi32>], vector<16xf32>,
          %add3A_178 = arith.constant 48 : i32
          %add3A_179 = vector.broadcast %add3A_178 : i32 to vector<16xi32>
          %add3A_180 = arith.addi %add3A_179, %iota3A : vector<16xi32>
          %gather3A_181 = tpu.vector_load_idx %arg6[%add3A_140, %add3A_180, %and3A_161] : memref<2x128x128xf32, #tpu.memory_space<vmem>>[vector<16xi32>, vector<16xi32>, vector<16xi32>], vector<16xf32>,
          tpu.vector_store_idx %arg9[%shift_right_logical3A_163, %and3A_166, %add3A_180], %gather3A_181 : memref<8x8x128xf32, #tpu.memory_space<vmem>>[vector<16xi32>, vector<16xi32>, vector<16xi32>], vector<16xf32>,
          %add3A_182 = arith.constant 64 : i32
          %add3A_183 = vector.broadcast %add3A_182 : i32 to vector<16xi32>
          %add3A_184 = arith.addi %add3A_183, %iota3A : vector<16xi32>
          %gather3A_185 = tpu.vector_load_idx %arg6[%add3A_140, %add3A_184, %and3A_161] : memref<2x128x128xf32, #tpu.memory_space<vmem>>[vector<16xi32>, vector<16xi32>, vector<16xi32>], vector<16xf32>,
          tpu.vector_store_idx %arg9[%shift_right_logical3A_163, %and3A_166, %add3A_184], %gather3A_185 : memref<8x8x128xf32, #tpu.memory_space<vmem>>[vector<16xi32>, vector<16xi32>, vector<16xi32>], vector<16xf32>,
          %add3A_186 = arith.constant 80 : i32
          %add3A_187 = vector.broadcast %add3A_186 : i32 to vector<16xi32>
          %add3A_188 = arith.addi %add3A_187, %iota3A : vector<16xi32>
          %gather3A_189 = tpu.vector_load_idx %arg6[%add3A_140, %add3A_188, %and3A_161] : memref<2x128x128xf32, #tpu.memory_space<vmem>>[vector<16xi32>, vector<16xi32>, vector<16xi32>], vector<16xf32>,
          tpu.vector_store_idx %arg9[%shift_right_logical3A_163, %and3A_166, %add3A_188], %gather3A_189 : memref<8x8x128xf32, #tpu.memory_space<vmem>>[vector<16xi32>, vector<16xi32>, vector<16xi32>], vector<16xf32>,
          %add3A_190 = arith.constant 96 : i32
          %add3A_191 = vector.broadcast %add3A_190 : i32 to vector<16xi32>
          %add3A_192 = arith.addi %add3A_191, %iota3A : vector<16xi32>
          %gather3A_193 = tpu.vector_load_idx %arg6[%add3A_140, %add3A_192, %and3A_161] : memref<2x128x128xf32, #tpu.memory_space<vmem>>[vector<16xi32>, vector<16xi32>, vector<16xi32>], vector<16xf32>,
          tpu.vector_store_idx %arg9[%shift_right_logical3A_163, %and3A_166, %add3A_192], %gather3A_193 : memref<8x8x128xf32, #tpu.memory_space<vmem>>[vector<16xi32>, vector<16xi32>, vector<16xi32>], vector<16xf32>,
          %add3A_194 = arith.constant 112 : i32
          %add3A_195 = vector.broadcast %add3A_194 : i32 to vector<16xi32>
          %add3A_196 = arith.addi %add3A_195, %iota3A : vector<16xi32>
          %gather3A_197 = tpu.vector_load_idx %arg6[%add3A_140, %add3A_196, %and3A_161] : memref<2x128x128xf32, #tpu.memory_space<vmem>>[vector<16xi32>, vector<16xi32>, vector<16xi32>], vector<16xf32>,
          tpu.vector_store_idx %arg9[%shift_right_logical3A_163, %and3A_166, %add3A_196], %gather3A_197 : memref<8x8x128xf32, #tpu.memory_space<vmem>>[vector<16xi32>, vector<16xi32>, vector<16xi32>], vector<16xf32>,
          %scan3A_198 = arith.constant 1 : i32
          %scan3A_199 = arith.addi %scan3A_157, %scan3A_198 : i32
          %add3A_200 = vector.broadcast %scan3A_199 : i32 to vector<16xi32>
          %add3A_201 = arith.addi %add3A_200, %iota3A : vector<16xi32>
          %and3A_202 = arith.constant 63 : i32
          %and3A_203 = vector.broadcast %and3A_202 : i32 to vector<16xi32>
          %and3A_204 = arith.andi %add3A_201, %and3A_203 : vector<16xi32>
          %shift_right_logical3A_205 = arith.constant 3 : i32
          %shift_right_logical3A_206 = vector.broadcast %shift_right_logical3A_205 : i32 to vector<16xi32>
          %shift_right_logical3A_207 = arith.shrui %and3A_204, %shift_right_logical3A_206 : vector<16xi32>
          %and3A_208 = arith.constant 7 : i32
          %and3A_209 = vector.broadcast %and3A_208 : i32 to vector<16xi32>
          %and3A_210 = arith.andi %and3A_204, %and3A_209 : vector<16xi32>
          %add3A_211 = arith.constant 0 : i32
          %add3A_212 = vector.broadcast %add3A_211 : i32 to vector<16xi32>
          %add3A_213 = arith.addi %add3A_212, %iota3A : vector<16xi32>
          %gather3A_214 = tpu.vector_load_idx %arg6[%add3A_140, %add3A_213, %and3A_204] : memref<2x128x128xf32, #tpu.memory_space<vmem>>[vector<16xi32>, vector<16xi32>, vector<16xi32>], vector<16xf32>,
          tpu.vector_store_idx %arg9[%shift_right_logical3A_207, %and3A_210, %add3A_213], %gather3A_214 : memref<8x8x128xf32, #tpu.memory_space<vmem>>[vector<16xi32>, vector<16xi32>, vector<16xi32>], vector<16xf32>,
          %add3A_215 = arith.constant 16 : i32
          %add3A_216 = vector.broadcast %add3A_215 : i32 to vector<16xi32>
          %add3A_217 = arith.addi %add3A_216, %iota3A : vector<16xi32>
          %gather3A_218 = tpu.vector_load_idx %arg6[%add3A_140, %add3A_217, %and3A_204] : memref<2x128x128xf32, #tpu.memory_space<vmem>>[vector<16xi32>, vector<16xi32>, vector<16xi32>], vector<16xf32>,
          tpu.vector_store_idx %arg9[%shift_right_logical3A_207, %and3A_210, %add3A_217], %gather3A_218 : memref<8x8x128xf32, #tpu.memory_space<vmem>>[vector<16xi32>, vector<16xi32>, vector<16xi32>], vector<16xf32>,
          %add3A_219 = arith.constant 32 : i32
          %add3A_220 = vector.broadcast %add3A_219 : i32 to vector<16xi32>
          %add3A_221 = arith.addi %add3A_220, %iota3A : vector<16xi32>
          %gather3A_222 = tpu.vector_load_idx %arg6[%add3A_140, %add3A_221, %and3A_204] : memref<2x128x128xf32, #tpu.memory_space<vmem>>[vector<16xi32>, vector<16xi32>, vector<16xi32>], vector<16xf32>,
          tpu.vector_store_idx %arg9[%shift_right_logical3A_207, %and3A_210, %add3A_221], %gather3A_222 : memref<8x8x128xf32, #tpu.memory_space<vmem>>[vector<16xi32>, vector<16xi32>, vector<16xi32>], vector<16xf32>,
          %add3A_223 = arith.constant 48 : i32
          %add3A_224 = vector.broadcast %add3A_223 : i32 to vector<16xi32>
          %add3A_225 = arith.addi %add3A_224, %iota3A : vector<16xi32>
          %gather3A_226 = tpu.vector_load_idx %arg6[%add3A_140, %add3A_225, %and3A_204] : memref<2x128x128xf32, #tpu.memory_space<vmem>>[vector<16xi32>, vector<16xi32>, vector<16xi32>], vector<16xf32>,
          tpu.vector_store_idx %arg9[%shift_right_logical3A_207, %and3A_210, %add3A_225], %gather3A_226 : memref<8x8x128xf32, #tpu.memory_space<vmem>>[vector<16xi32>, vector<16xi32>, vector<16xi32>], vector<16xf32>,
          %add3A_227 = arith.constant 64 : i32
          %add3A_228 = vector.broadcast %add3A_227 : i32 to vector<16xi32>
          %add3A_229 = arith.addi %add3A_228, %iota3A : vector<16xi32>
          %gather3A_230 = tpu.vector_load_idx %arg6[%add3A_140, %add3A_229, %and3A_204] : memref<2x128x128xf32, #tpu.memory_space<vmem>>[vector<16xi32>, vector<16xi32>, vector<16xi32>], vector<16xf32>,
          tpu.vector_store_idx %arg9[%shift_right_logical3A_207, %and3A_210, %add3A_229], %gather3A_230 : memref<8x8x128xf32, #tpu.memory_space<vmem>>[vector<16xi32>, vector<16xi32>, vector<16xi32>], vector<16xf32>,
          %add3A_231 = arith.constant 80 : i32
          %add3A_232 = vector.broadcast %add3A_231 : i32 to vector<16xi32>
          %add3A_233 = arith.addi %add3A_232, %iota3A : vector<16xi32>
          %gather3A_234 = tpu.vector_load_idx %arg6[%add3A_140, %add3A_233, %and3A_204] : memref<2x128x128xf32, #tpu.memory_space<vmem>>[vector<16xi32>, vector<16xi32>, vector<16xi32>], vector<16xf32>,
          tpu.vector_store_idx %arg9[%shift_right_logical3A_207, %and3A_210, %add3A_233], %gather3A_234 : memref<8x8x128xf32, #tpu.memory_space<vmem>>[vector<16xi32>, vector<16xi32>, vector<16xi32>], vector<16xf32>,
          %add3A_235 = arith.constant 96 : i32
          %add3A_236 = vector.broadcast %add3A_235 : i32 to vector<16xi32>
          %add3A_237 = arith.addi %add3A_236, %iota3A : vector<16xi32>
          %gather3A_238 = tpu.vector_load_idx %arg6[%add3A_140, %add3A_237, %and3A_204] : memref<2x128x128xf32, #tpu.memory_space<vmem>>[vector<16xi32>, vector<16xi32>, vector<16xi32>], vector<16xf32>,
          tpu.vector_store_idx %arg9[%shift_right_logical3A_207, %and3A_210, %add3A_237], %gather3A_238 : memref<8x8x128xf32, #tpu.memory_space<vmem>>[vector<16xi32>, vector<16xi32>, vector<16xi32>], vector<16xf32>,
          %add3A_239 = arith.constant 112 : i32
          %add3A_240 = vector.broadcast %add3A_239 : i32 to vector<16xi32>
          %add3A_241 = arith.addi %add3A_240, %iota3A : vector<16xi32>
          %gather3A_242 = tpu.vector_load_idx %arg6[%add3A_140, %add3A_241, %and3A_204] : memref<2x128x128xf32, #tpu.memory_space<vmem>>[vector<16xi32>, vector<16xi32>, vector<16xi32>], vector<16xf32>,
          tpu.vector_store_idx %arg9[%shift_right_logical3A_207, %and3A_210, %add3A_241], %gather3A_242 : memref<8x8x128xf32, #tpu.memory_space<vmem>>[vector<16xi32>, vector<16xi32>, vector<16xi32>], vector<16xf32>,
          %scan3A_243 = arith.constant 2 : i32
          %scan3A_244 = arith.addi %scan3A_157, %scan3A_243 : i32
          %add3A_245 = vector.broadcast %scan3A_244 : i32 to vector<16xi32>
          %add3A_246 = arith.addi %add3A_245, %iota3A : vector<16xi32>
          %and3A_247 = arith.constant 63 : i32
          %and3A_248 = vector.broadcast %and3A_247 : i32 to vector<16xi32>
          %and3A_249 = arith.andi %add3A_246, %and3A_248 : vector<16xi32>
          %shift_right_logical3A_250 = arith.constant 3 : i32
          %shift_right_logical3A_251 = vector.broadcast %shift_right_logical3A_250 : i32 to vector<16xi32>
          %shift_right_logical3A_252 = arith.shrui %and3A_249, %shift_right_logical3A_251 : vector<16xi32>
          %and3A_253 = arith.constant 7 : i32
          %and3A_254 = vector.broadcast %and3A_253 : i32 to vector<16xi32>
          %and3A_255 = arith.andi %and3A_249, %and3A_254 : vector<16xi32>
          %add3A_256 = arith.constant 0 : i32
          %add3A_257 = vector.broadcast %add3A_256 : i32 to vector<16xi32>
          %add3A_258 = arith.addi %add3A_257, %iota3A : vector<16xi32>
          %gather3A_259 = tpu.vector_load_idx %arg6[%add3A_140, %add3A_258, %and3A_249] : memref<2x128x128xf32, #tpu.memory_space<vmem>>[vector<16xi32>, vector<16xi32>, vector<16xi32>], vector<16xf32>,
          tpu.vector_store_idx %arg9[%shift_right_logical3A_252, %and3A_255, %add3A_258], %gather3A_259 : memref<8x8x128xf32, #tpu.memory_space<vmem>>[vector<16xi32>, vector<16xi32>, vector<16xi32>], vector<16xf32>,
          %add3A_260 = arith.constant 16 : i32
          %add3A_261 = vector.broadcast %add3A_260 : i32 to vector<16xi32>
          %add3A_262 = arith.addi %add3A_261, %iota3A : vector<16xi32>
          %gather3A_263 = tpu.vector_load_idx %arg6[%add3A_140, %add3A_262, %and3A_249] : memref<2x128x128xf32, #tpu.memory_space<vmem>>[vector<16xi32>, vector<16xi32>, vector<16xi32>], vector<16xf32>,
          tpu.vector_store_idx %arg9[%shift_right_logical3A_252, %and3A_255, %add3A_262], %gather3A_263 : memref<8x8x128xf32, #tpu.memory_space<vmem>>[vector<16xi32>, vector<16xi32>, vector<16xi32>], vector<16xf32>,
          %add3A_264 = arith.constant 32 : i32
          %add3A_265 = vector.broadcast %add3A_264 : i32 to vector<16xi32>
          %add3A_266 = arith.addi %add3A_265, %iota3A : vector<16xi32>
          %gather3A_267 = tpu.vector_load_idx %arg6[%add3A_140, %add3A_266, %and3A_249] : memref<2x128x128xf32, #tpu.memory_space<vmem>>[vector<16xi32>, vector<16xi32>, vector<16xi32>], vector<16xf32>,
          tpu.vector_store_idx %arg9[%shift_right_logical3A_252, %and3A_255, %add3A_266], %gather3A_267 : memref<8x8x128xf32, #tpu.memory_space<vmem>>[vector<16xi32>, vector<16xi32>, vector<16xi32>], vector<16xf32>,
          %add3A_268 = arith.constant 48 : i32
          %add3A_269 = vector.broadcast %add3A_268 : i32 to vector<16xi32>
          %add3A_270 = arith.addi %add3A_269, %iota3A : vector<16xi32>
          %gather3A_271 = tpu.vector_load_idx %arg6[%add3A_140, %add3A_270, %and3A_249] : memref<2x128x128xf32, #tpu.memory_space<vmem>>[vector<16xi32>, vector<16xi32>, vector<16xi32>], vector<16xf32>,
          tpu.vector_store_idx %arg9[%shift_right_logical3A_252, %and3A_255, %add3A_270], %gather3A_271 : memref<8x8x128xf32, #tpu.memory_space<vmem>>[vector<16xi32>, vector<16xi32>, vector<16xi32>], vector<16xf32>,
          %add3A_272 = arith.constant 64 : i32
          %add3A_273 = vector.broadcast %add3A_272 : i32 to vector<16xi32>
          %add3A_274 = arith.addi %add3A_273, %iota3A : vector<16xi32>
          %gather3A_275 = tpu.vector_load_idx %arg6[%add3A_140, %add3A_274, %and3A_249] : memref<2x128x128xf32, #tpu.memory_space<vmem>>[vector<16xi32>, vector<16xi32>, vector<16xi32>], vector<16xf32>,
          tpu.vector_store_idx %arg9[%shift_right_logical3A_252, %and3A_255, %add3A_274], %gather3A_275 : memref<8x8x128xf32, #tpu.memory_space<vmem>>[vector<16xi32>, vector<16xi32>, vector<16xi32>], vector<16xf32>,
          %add3A_276 = arith.constant 80 : i32
          %add3A_277 = vector.broadcast %add3A_276 : i32 to vector<16xi32>
          %add3A_278 = arith.addi %add3A_277, %iota3A : vector<16xi32>
          %gather3A_279 = tpu.vector_load_idx %arg6[%add3A_140, %add3A_278, %and3A_249] : memref<2x128x128xf32, #tpu.memory_space<vmem>>[vector<16xi32>, vector<16xi32>, vector<16xi32>], vector<16xf32>,
          tpu.vector_store_idx %arg9[%shift_right_logical3A_252, %and3A_255, %add3A_278], %gather3A_279 : memref<8x8x128xf32, #tpu.memory_space<vmem>>[vector<16xi32>, vector<16xi32>, vector<16xi32>], vector<16xf32>,
          %add3A_280 = arith.constant 96 : i32
          %add3A_281 = vector.broadcast %add3A_280 : i32 to vector<16xi32>
          %add3A_282 = arith.addi %add3A_281, %iota3A : vector<16xi32>
          %gather3A_283 = tpu.vector_load_idx %arg6[%add3A_140, %add3A_282, %and3A_249] : memref<2x128x128xf32, #tpu.memory_space<vmem>>[vector<16xi32>, vector<16xi32>, vector<16xi32>], vector<16xf32>,
          tpu.vector_store_idx %arg9[%shift_right_logical3A_252, %and3A_255, %add3A_282], %gather3A_283 : memref<8x8x128xf32, #tpu.memory_space<vmem>>[vector<16xi32>, vector<16xi32>, vector<16xi32>], vector<16xf32>,
          %add3A_284 = arith.constant 112 : i32
          %add3A_285 = vector.broadcast %add3A_284 : i32 to vector<16xi32>
          %add3A_286 = arith.addi %add3A_285, %iota3A : vector<16xi32>
          %gather3A_287 = tpu.vector_load_idx %arg6[%add3A_140, %add3A_286, %and3A_249] : memref<2x128x128xf32, #tpu.memory_space<vmem>>[vector<16xi32>, vector<16xi32>, vector<16xi32>], vector<16xf32>,
          tpu.vector_store_idx %arg9[%shift_right_logical3A_252, %and3A_255, %add3A_286], %gather3A_287 : memref<8x8x128xf32, #tpu.memory_space<vmem>>[vector<16xi32>, vector<16xi32>, vector<16xi32>], vector<16xf32>,
          %scan3A_288 = arith.constant 3 : i32
          %scan3A_289 = arith.addi %scan3A_157, %scan3A_288 : i32
          %add3A_290 = vector.broadcast %scan3A_289 : i32 to vector<16xi32>
          %add3A_291 = arith.addi %add3A_290, %iota3A : vector<16xi32>
          %and3A_292 = arith.constant 63 : i32
          %and3A_293 = vector.broadcast %and3A_292 : i32 to vector<16xi32>
          %and3A_294 = arith.andi %add3A_291, %and3A_293 : vector<16xi32>
          %shift_right_logical3A_295 = arith.constant 3 : i32
          %shift_right_logical3A_296 = vector.broadcast %shift_right_logical3A_295 : i32 to vector<16xi32>
          %shift_right_logical3A_297 = arith.shrui %and3A_294, %shift_right_logical3A_296 : vector<16xi32>
          %and3A_298 = arith.constant 7 : i32
          %and3A_299 = vector.broadcast %and3A_298 : i32 to vector<16xi32>
          %and3A_300 = arith.andi %and3A_294, %and3A_299 : vector<16xi32>
          %add3A_301 = arith.constant 0 : i32
          %add3A_302 = vector.broadcast %add3A_301 : i32 to vector<16xi32>
          %add3A_303 = arith.addi %add3A_302, %iota3A : vector<16xi32>
          %gather3A_304 = tpu.vector_load_idx %arg6[%add3A_140, %add3A_303, %and3A_294] : memref<2x128x128xf32, #tpu.memory_space<vmem>>[vector<16xi32>, vector<16xi32>, vector<16xi32>], vector<16xf32>,
          tpu.vector_store_idx %arg9[%shift_right_logical3A_297, %and3A_300, %add3A_303], %gather3A_304 : memref<8x8x128xf32, #tpu.memory_space<vmem>>[vector<16xi32>, vector<16xi32>, vector<16xi32>], vector<16xf32>,
          %add3A_305 = arith.constant 16 : i32
          %add3A_306 = vector.broadcast %add3A_305 : i32 to vector<16xi32>
          %add3A_307 = arith.addi %add3A_306, %iota3A : vector<16xi32>
          %gather3A_308 = tpu.vector_load_idx %arg6[%add3A_140, %add3A_307, %and3A_294] : memref<2x128x128xf32, #tpu.memory_space<vmem>>[vector<16xi32>, vector<16xi32>, vector<16xi32>], vector<16xf32>,
          tpu.vector_store_idx %arg9[%shift_right_logical3A_297, %and3A_300, %add3A_307], %gather3A_308 : memref<8x8x128xf32, #tpu.memory_space<vmem>>[vector<16xi32>, vector<16xi32>, vector<16xi32>], vector<16xf32>,
          %add3A_309 = arith.constant 32 : i32
          %add3A_310 = vector.broadcast %add3A_309 : i32 to vector<16xi32>
          %add3A_311 = arith.addi %add3A_310, %iota3A : vector<16xi32>
          %gather3A_312 = tpu.vector_load_idx %arg6[%add3A_140, %add3A_311, %and3A_294] : memref<2x128x128xf32, #tpu.memory_space<vmem>>[vector<16xi32>, vector<16xi32>, vector<16xi32>], vector<16xf32>,
          tpu.vector_store_idx %arg9[%shift_right_logical3A_297, %and3A_300, %add3A_311], %gather3A_312 : memref<8x8x128xf32, #tpu.memory_space<vmem>>[vector<16xi32>, vector<16xi32>, vector<16xi32>], vector<16xf32>,
          %add3A_313 = arith.constant 48 : i32
          %add3A_314 = vector.broadcast %add3A_313 : i32 to vector<16xi32>
          %add3A_315 = arith.addi %add3A_314, %iota3A : vector<16xi32>
          %gather3A_316 = tpu.vector_load_idx %arg6[%add3A_140, %add3A_315, %and3A_294] : memref<2x128x128xf32, #tpu.memory_space<vmem>>[vector<16xi32>, vector<16xi32>, vector<16xi32>], vector<16xf32>,
          tpu.vector_store_idx %arg9[%shift_right_logical3A_297, %and3A_300, %add3A_315], %gather3A_316 : memref<8x8x128xf32, #tpu.memory_space<vmem>>[vector<16xi32>, vector<16xi32>, vector<16xi32>], vector<16xf32>,
          %add3A_317 = arith.constant 64 : i32
          %add3A_318 = vector.broadcast %add3A_317 : i32 to vector<16xi32>
          %add3A_319 = arith.addi %add3A_318, %iota3A : vector<16xi32>
          %gather3A_320 = tpu.vector_load_idx %arg6[%add3A_140, %add3A_319, %and3A_294] : memref<2x128x128xf32, #tpu.memory_space<vmem>>[vector<16xi32>, vector<16xi32>, vector<16xi32>], vector<16xf32>,
          tpu.vector_store_idx %arg9[%shift_right_logical3A_297, %and3A_300, %add3A_319], %gather3A_320 : memref<8x8x128xf32, #tpu.memory_space<vmem>>[vector<16xi32>, vector<16xi32>, vector<16xi32>], vector<16xf32>,
          %add3A_321 = arith.constant 80 : i32
          %add3A_322 = vector.broadcast %add3A_321 : i32 to vector<16xi32>
          %add3A_323 = arith.addi %add3A_322, %iota3A : vector<16xi32>
          %gather3A_324 = tpu.vector_load_idx %arg6[%add3A_140, %add3A_323, %and3A_294] : memref<2x128x128xf32, #tpu.memory_space<vmem>>[vector<16xi32>, vector<16xi32>, vector<16xi32>], vector<16xf32>,
          tpu.vector_store_idx %arg9[%shift_right_logical3A_297, %and3A_300, %add3A_323], %gather3A_324 : memref<8x8x128xf32, #tpu.memory_space<vmem>>[vector<16xi32>, vector<16xi32>, vector<16xi32>], vector<16xf32>,
          %add3A_325 = arith.constant 96 : i32
          %add3A_326 = vector.broadcast %add3A_325 : i32 to vector<16xi32>
          %add3A_327 = arith.addi %add3A_326, %iota3A : vector<16xi32>
          %gather3A_328 = tpu.vector_load_idx %arg6[%add3A_140, %add3A_327, %and3A_294] : memref<2x128x128xf32, #tpu.memory_space<vmem>>[vector<16xi32>, vector<16xi32>, vector<16xi32>], vector<16xf32>,
          tpu.vector_store_idx %arg9[%shift_right_logical3A_297, %and3A_300, %add3A_327], %gather3A_328 : memref<8x8x128xf32, #tpu.memory_space<vmem>>[vector<16xi32>, vector<16xi32>, vector<16xi32>], vector<16xf32>,
          %add3A_329 = arith.constant 112 : i32
          %add3A_330 = vector.broadcast %add3A_329 : i32 to vector<16xi32>
          %add3A_331 = arith.addi %add3A_330, %iota3A : vector<16xi32>
          %gather3A_332 = tpu.vector_load_idx %arg6[%add3A_140, %add3A_331, %and3A_294] : memref<2x128x128xf32, #tpu.memory_space<vmem>>[vector<16xi32>, vector<16xi32>, vector<16xi32>], vector<16xf32>,
          tpu.vector_store_idx %arg9[%shift_right_logical3A_297, %and3A_300, %add3A_331], %gather3A_332 : memref<8x8x128xf32, #tpu.memory_space<vmem>>[vector<16xi32>, vector<16xi32>, vector<16xi32>], vector<16xf32>,
        }
        %scan3A_146 = arith.constant 64 : i32
        %dma_start3A_147 = arith.constant 0 : i32
        %dma_start3A_148 = arith.constant 0 : i32
        %dma_start3A_149 = arith.constant 0 : i32
        %dma_start3A_150 = tpu.memref_slice %arg4[%add3A_132, %dma_start3A_147, %add3A, %dma_start3A_148, %dma_start3A_149] : memref<200x8x32x8x128xf32, #tpu.memory_space<hbm>> -> memref<1x8x1x8x128xf32, #tpu.memory_space<hbm>>
        %dma_start3A_151 = tpu.memref_squeeze %dma_start3A_150 : memref<1x8x1x8x128xf32, #tpu.memory_space<hbm>> -> memref<8x8x128xf32, #tpu.memory_space<hbm>>
        %dma_start3A_152 = arith.constant 0 : i32
        %dma_start3A_153 = arith.constant 0 : i32
        %dma_start3A_154 = arith.constant 0 : i32
        %dma_start3A_155 = tpu.memref_slice %arg4[%add3A_132, %dma_start3A_152, %add3A, %dma_start3A_153, %dma_start3A_154] : memref<200x8x32x8x128xf32, #tpu.memory_space<hbm>> -> memref<1x8x1x8x128xf32, #tpu.memory_space<hbm>>
        %dma_start3A_156 = tpu.memref_squeeze %dma_start3A_155 : memref<1x8x1x8x128xf32, #tpu.memory_space<hbm>> -> memref<8x8x128xf32, #tpu.memory_space<hbm>>
        tpu.enqueue_dma source(%arg9 : memref<8x8x128xf32, #tpu.memory_space<vmem>>) target(%dma_start3A_156 : memref<8x8x128xf32, #tpu.memory_space<hbm>>) target_semaphore(%arg13 : memref<!tpu.dma_semaphore, #tpu.memory_space<semaphore_mem>>)
      } else {
      }
      %rem3A_59 = arith.constant 2 : i32
      %rem3A_60 = arith.remsi %scan3A_55, %rem3A_59 : i32
      %eq3A_61 = arith.constant 1 : i32
      %eq3A_62 = arith.cmpi eq, %rem3A_60, %eq3A_61 : i32
      %convert_element_type3A_63 = arith.extui %eq3A_62 : i1 to i32
      %cond3A_64 = arith.constant 0 : i32
      %cond3A_65 = arith.cmpi ne, %convert_element_type3A_63, %cond3A_64 : i32
      scf.if %cond3A_65 {
        %mul3A_66 = arith.constant 2 : i32
        %mul3A_67 = arith.muli %mul3A_66, %scan3A_55 : i32
        %add3A_68 = arith.constant 0 : i32
        %add3A_69 = arith.addi %mul3A_67, %add3A_68 : i32
        %dma_wait3A_70 = arith.constant 0 : i32
        %dma_wait3A_71 = arith.constant 0 : i32
        %dma_wait3A_72 = arith.constant 0 : i32
        %dma_wait3A_73 = tpu.memref_slice %arg7[%dma_wait3A_70, %dma_wait3A_71, %dma_wait3A_72] : memref<2x128x128xf32, #tpu.memory_space<vmem>> -> memref<1x128x128xf32, #tpu.memory_space<vmem>>
        %dma_wait3A_74 = tpu.memref_squeeze %dma_wait3A_73 : memref<1x128x128xf32, #tpu.memory_space<vmem>> -> memref<128x128xf32, #tpu.memory_space<vmem>>
        %dma_wait3A_75 = arith.constant 0 : i32
        %dma_wait3A_76 = tpu.memref_slice %arg5[%add3A_69, %dma_wait3A_75] : memref<200x128xi32, #tpu.memory_space<vmem>> -> memref<1x128xi32, #tpu.memory_space<vmem>>
        %dma_wait3A_77 = tpu.memref_squeeze %dma_wait3A_76 : memref<1x128xi32, #tpu.memory_space<vmem>> -> memref<128xi32, #tpu.memory_space<vmem>>
        %dma_wait3A_78 = arith.constant 0 : i32
        %dma_wait3A_79 = arith.constant 0 : i32
        %dma_wait3A_80 = tpu.memref_slice %arg3[%dma_wait3A_78, %dma_wait3A_79] : memref<1000000x128xf32, #tpu.memory_space<hbm>> -> memref<1000000x128xf32, #tpu.memory_space<hbm>>
        tpu.wait_indirect_dma semaphore(%arg11 : memref<!tpu.dma_semaphore, #tpu.memory_space<semaphore_mem>>) src(%dma_wait3A_80 : memref<1000000x128xf32, #tpu.memory_space<hbm>>) dst(%dma_wait3A_74 : memref<128x128xf32, #tpu.memory_space<vmem>>)
        %mul3A_81 = arith.constant 2 : i32
        %mul3A_82 = arith.muli %mul3A_81, %scan3A_55 : i32
        %add3A_83 = arith.constant 1 : i32
        %add3A_84 = arith.addi %mul3A_82, %add3A_83 : i32
        %dma_wait3A_85 = arith.constant 1 : i32
        %dma_wait3A_86 = arith.constant 0 : i32
        %dma_wait3A_87 = arith.constant 0 : i32
        %dma_wait3A_88 = tpu.memref_slice %arg7[%dma_wait3A_85, %dma_wait3A_86, %dma_wait3A_87] : memref<2x128x128xf32, #tpu.memory_space<vmem>> -> memref<1x128x128xf32, #tpu.memory_space<vmem>>
        %dma_wait3A_89 = tpu.memref_squeeze %dma_wait3A_88 : memref<1x128x128xf32, #tpu.memory_space<vmem>> -> memref<128x128xf32, #tpu.memory_space<vmem>>
        %dma_wait3A_90 = arith.constant 0 : i32
        %dma_wait3A_91 = tpu.memref_slice %arg5[%add3A_84, %dma_wait3A_90] : memref<200x128xi32, #tpu.memory_space<vmem>> -> memref<1x128xi32, #tpu.memory_space<vmem>>
        %dma_wait3A_92 = tpu.memref_squeeze %dma_wait3A_91 : memref<1x128xi32, #tpu.memory_space<vmem>> -> memref<128xi32, #tpu.memory_space<vmem>>
        %dma_wait3A_93 = arith.constant 0 : i32
        %dma_wait3A_94 = arith.constant 0 : i32
        %dma_wait3A_95 = tpu.memref_slice %arg3[%dma_wait3A_93, %dma_wait3A_94] : memref<1000000x128xf32, #tpu.memory_space<hbm>> -> memref<1000000x128xf32, #tpu.memory_space<hbm>>
        tpu.wait_indirect_dma semaphore(%arg11 : memref<!tpu.dma_semaphore, #tpu.memory_space<semaphore_mem>>) src(%dma_wait3A_95 : memref<1000000x128xf32, #tpu.memory_space<hbm>>) dst(%dma_wait3A_89 : memref<128x128xf32, #tpu.memory_space<vmem>>)
        %add3A_96 = arith.constant 1 : i32
        %add3A_97 = arith.addi %scan3A_55, %add3A_96 : i32
        %lt3A = arith.constant 100 : i32
        %lt3A_98 = arith.cmpi slt, %add3A_97, %lt3A : i32
        %convert_element_type3A_99 = arith.extui %lt3A_98 : i1 to i32
        %cond3A_100 = arith.constant 0 : i32
        %cond3A_101 = arith.cmpi ne, %convert_element_type3A_99, %cond3A_100 : i32
        scf.if %cond3A_101 {
          %add3A_157 = arith.constant 1 : i32
          %add3A_158 = arith.addi %scan3A_55, %add3A_157 : i32
          %mul3A_159 = arith.constant 2 : i32
          %mul3A_160 = arith.muli %mul3A_159, %add3A_158 : i32
          %add3A_161 = arith.constant 0 : i32
          %add3A_162 = arith.addi %mul3A_160, %add3A_161 : i32
          %dma_start3A_163 = arith.constant 0 : i32
          %dma_start3A_164 = arith.constant 0 : i32
          %dma_start3A_165 = arith.constant 0 : i32
          %dma_start3A_166 = tpu.memref_slice %arg6[%dma_start3A_163, %dma_start3A_164, %dma_start3A_165] : memref<2x128x128xf32, #tpu.memory_space<vmem>> -> memref<1x128x128xf32, #tpu.memory_space<vmem>>
          %dma_start3A_167 = tpu.memref_squeeze %dma_start3A_166 : memref<1x128x128xf32, #tpu.memory_space<vmem>> -> memref<128x128xf32, #tpu.memory_space<vmem>>
          %dma_start3A_168 = arith.constant 0 : i32
          %dma_start3A_169 = tpu.memref_slice %arg5[%add3A_162, %dma_start3A_168] : memref<200x128xi32, #tpu.memory_space<vmem>> -> memref<1x128xi32, #tpu.memory_space<vmem>>
          %dma_start3A_170 = tpu.memref_squeeze %dma_start3A_169 : memref<1x128xi32, #tpu.memory_space<vmem>> -> memref<128xi32, #tpu.memory_space<vmem>>
          %dma_start3A_171 = arith.constant 0 : i32
          %dma_start3A_172 = arith.constant 0 : i32
          %dma_start3A_173 = tpu.memref_slice %arg3[%dma_start3A_171, %dma_start3A_172] : memref<1000000x128xf32, #tpu.memory_space<hbm>> -> memref<1000000x128xf32, #tpu.memory_space<hbm>>
          tpu.enqueue_indirect_dma source(%dma_start3A_173 : memref<1000000x128xf32, #tpu.memory_space<hbm>>) target(%dma_start3A_167 : memref<128x128xf32, #tpu.memory_space<vmem>>) offsets(%dma_start3A_170 : memref<128xi32, #tpu.memory_space<vmem>>) semaphore(%arg10 : memref<!tpu.dma_semaphore, #tpu.memory_space<semaphore_mem>>)
          %mul3A_174 = arith.constant 2 : i32
          %mul3A_175 = arith.muli %mul3A_174, %add3A_158 : i32
          %add3A_176 = arith.constant 1 : i32
          %add3A_177 = arith.addi %mul3A_175, %add3A_176 : i32
          %dma_start3A_178 = arith.constant 1 : i32
          %dma_start3A_179 = arith.constant 0 : i32
          %dma_start3A_180 = arith.constant 0 : i32
          %dma_start3A_181 = tpu.memref_slice %arg6[%dma_start3A_178, %dma_start3A_179, %dma_start3A_180] : memref<2x128x128xf32, #tpu.memory_space<vmem>> -> memref<1x128x128xf32, #tpu.memory_space<vmem>>
          %dma_start3A_182 = tpu.memref_squeeze %dma_start3A_181 : memref<1x128x128xf32, #tpu.memory_space<vmem>> -> memref<128x128xf32, #tpu.memory_space<vmem>>
          %dma_start3A_183 = arith.constant 0 : i32
          %dma_start3A_184 = tpu.memref_slice %arg5[%add3A_177, %dma_start3A_183] : memref<200x128xi32, #tpu.memory_space<vmem>> -> memref<1x128xi32, #tpu.memory_space<vmem>>
          %dma_start3A_185 = tpu.memref_squeeze %dma_start3A_184 : memref<1x128xi32, #tpu.memory_space<vmem>> -> memref<128xi32, #tpu.memory_space<vmem>>
          %dma_start3A_186 = arith.constant 0 : i32
          %dma_start3A_187 = arith.constant 0 : i32
          %dma_start3A_188 = tpu.memref_slice %arg3[%dma_start3A_186, %dma_start3A_187] : memref<1000000x128xf32, #tpu.memory_space<hbm>> -> memref<1000000x128xf32, #tpu.memory_space<hbm>>
          tpu.enqueue_indirect_dma source(%dma_start3A_188 : memref<1000000x128xf32, #tpu.memory_space<hbm>>) target(%dma_start3A_182 : memref<128x128xf32, #tpu.memory_space<vmem>>) offsets(%dma_start3A_185 : memref<128xi32, #tpu.memory_space<vmem>>) semaphore(%arg10 : memref<!tpu.dma_semaphore, #tpu.memory_space<semaphore_mem>>)
        } else {
        }
        %mul3A_102 = arith.constant 2 : i32
        %mul3A_103 = arith.muli %mul3A_102, %scan3A_55 : i32
        %add3A_104 = arith.constant 0 : i32
        %add3A_105 = arith.addi %mul3A_103, %add3A_104 : i32
        %ge3A = arith.constant 1 : i32
        %ge3A_106 = arith.cmpi sge, %scan3A_55, %ge3A : i32
        %convert_element_type3A_107 = arith.extui %ge3A_106 : i1 to i32
        %cond3A_108 = arith.constant 0 : i32
        %cond3A_109 = arith.cmpi ne, %convert_element_type3A_107, %cond3A_108 : i32
        scf.if %cond3A_109 {
          %sub3A = arith.constant 2 : i32
          %sub3A_157 = arith.subi %add3A_105, %sub3A : i32
          %dma_wait3A_158 = arith.constant 0 : i32
          %dma_wait3A_159 = arith.constant 0 : i32
          %dma_wait3A_160 = arith.constant 0 : i32
          %dma_wait3A_161 = tpu.memref_slice %arg4[%sub3A_157, %dma_wait3A_158, %add3A, %dma_wait3A_159, %dma_wait3A_160] : memref<200x8x32x8x128xf32, #tpu.memory_space<hbm>> -> memref<1x8x1x8x128xf32, #tpu.memory_space<hbm>>
          %dma_wait3A_162 = tpu.memref_squeeze %dma_wait3A_161 : memref<1x8x1x8x128xf32, #tpu.memory_space<hbm>> -> memref<8x8x128xf32, #tpu.memory_space<hbm>>
          %dma_wait3A_163 = arith.constant 0 : i32
          %dma_wait3A_164 = arith.constant 0 : i32
          %dma_wait3A_165 = arith.constant 0 : i32
          %dma_wait3A_166 = tpu.memref_slice %arg4[%sub3A_157, %dma_wait3A_163, %add3A, %dma_wait3A_164, %dma_wait3A_165] : memref<200x8x32x8x128xf32, #tpu.memory_space<hbm>> -> memref<1x8x1x8x128xf32, #tpu.memory_space<hbm>>
          %dma_wait3A_167 = tpu.memref_squeeze %dma_wait3A_166 : memref<1x8x1x8x128xf32, #tpu.memory_space<hbm>> -> memref<8x8x128xf32, #tpu.memory_space<hbm>>
          tpu.wait_dma2 semaphore(%arg12 : memref<!tpu.dma_semaphore, #tpu.memory_space<semaphore_mem>>) src(%arg8 : memref<8x8x128xf32, #tpu.memory_space<vmem>>) dst(%dma_wait3A_167 : memref<8x8x128xf32, #tpu.memory_space<hbm>>)
        } else {
        }
        %add3A_110 = arith.constant 0 : i32
        %add3A_111 = vector.broadcast %add3A_110 : i32 to vector<16xi32>
        %add3A_112 = arith.addi %mul3A_5, %add3A_111 : vector<16xi32>
        %scan3A_113 = arith.constant 0 : i32
        %scan3A_114 = arith.constant 0 : i32
        %scan3A_115 = arith.constant 64 : i32
        %scan3A_116 = arith.addi %scan3A_114, %scan3A_115 : i32
        %scan3A_117 = arith.constant 4 : i32
        scf.for %scan3A_157 = %scan3A_114 to %scan3A_116 step %scan3A_117  : i32 {
          %add3A_158 = vector.broadcast %scan3A_157 : i32 to vector<16xi32>
          %add3A_159 = arith.addi %add3A_158, %iota3A : vector<16xi32>
          %and3A = arith.constant 63 : i32
          %and3A_160 = vector.broadcast %and3A : i32 to vector<16xi32>
          %and3A_161 = arith.andi %add3A_159, %and3A_160 : vector<16xi32>
          %shift_right_logical3A = arith.constant 3 : i32
          %shift_right_logical3A_162 = vector.broadcast %shift_right_logical3A : i32 to vector<16xi32>
          %shift_right_logical3A_163 = arith.shrui %and3A_161, %shift_right_logical3A_162 : vector<16xi32>
          %and3A_164 = arith.constant 7 : i32
          %and3A_165 = vector.broadcast %and3A_164 : i32 to vector<16xi32>
          %and3A_166 = arith.andi %and3A_161, %and3A_165 : vector<16xi32>
          %add3A_167 = arith.constant 0 : i32
          %add3A_168 = vector.broadcast %add3A_167 : i32 to vector<16xi32>
          %add3A_169 = arith.addi %add3A_168, %iota3A : vector<16xi32>
          %gather3A = tpu.vector_load_idx %arg7[%add3A_112, %add3A_169, %and3A_161] : memref<2x128x128xf32, #tpu.memory_space<vmem>>[vector<16xi32>, vector<16xi32>, vector<16xi32>], vector<16xf32>,
          tpu.vector_store_idx %arg8[%shift_right_logical3A_163, %and3A_166, %add3A_169], %gather3A : memref<8x8x128xf32, #tpu.memory_space<vmem>>[vector<16xi32>, vector<16xi32>, vector<16xi32>], vector<16xf32>,
          %add3A_170 = arith.constant 16 : i32
          %add3A_171 = vector.broadcast %add3A_170 : i32 to vector<16xi32>
          %add3A_172 = arith.addi %add3A_171, %iota3A : vector<16xi32>
          %gather3A_173 = tpu.vector_load_idx %arg7[%add3A_112, %add3A_172, %and3A_161] : memref<2x128x128xf32, #tpu.memory_space<vmem>>[vector<16xi32>, vector<16xi32>, vector<16xi32>], vector<16xf32>,
          tpu.vector_store_idx %arg8[%shift_right_logical3A_163, %and3A_166, %add3A_172], %gather3A_173 : memref<8x8x128xf32, #tpu.memory_space<vmem>>[vector<16xi32>, vector<16xi32>, vector<16xi32>], vector<16xf32>,
          %add3A_174 = arith.constant 32 : i32
          %add3A_175 = vector.broadcast %add3A_174 : i32 to vector<16xi32>
          %add3A_176 = arith.addi %add3A_175, %iota3A : vector<16xi32>
          %gather3A_177 = tpu.vector_load_idx %arg7[%add3A_112, %add3A_176, %and3A_161] : memref<2x128x128xf32, #tpu.memory_space<vmem>>[vector<16xi32>, vector<16xi32>, vector<16xi32>], vector<16xf32>,
          tpu.vector_store_idx %arg8[%shift_right_logical3A_163, %and3A_166, %add3A_176], %gather3A_177 : memref<8x8x128xf32, #tpu.memory_space<vmem>>[vector<16xi32>, vector<16xi32>, vector<16xi32>], vector<16xf32>,
          %add3A_178 = arith.constant 48 : i32
          %add3A_179 = vector.broadcast %add3A_178 : i32 to vector<16xi32>
          %add3A_180 = arith.addi %add3A_179, %iota3A : vector<16xi32>
          %gather3A_181 = tpu.vector_load_idx %arg7[%add3A_112, %add3A_180, %and3A_161] : memref<2x128x128xf32, #tpu.memory_space<vmem>>[vector<16xi32>, vector<16xi32>, vector<16xi32>], vector<16xf32>,
          tpu.vector_store_idx %arg8[%shift_right_logical3A_163, %and3A_166, %add3A_180], %gather3A_181 : memref<8x8x128xf32, #tpu.memory_space<vmem>>[vector<16xi32>, vector<16xi32>, vector<16xi32>], vector<16xf32>,
          %add3A_182 = arith.constant 64 : i32
          %add3A_183 = vector.broadcast %add3A_182 : i32 to vector<16xi32>
          %add3A_184 = arith.addi %add3A_183, %iota3A : vector<16xi32>
          %gather3A_185 = tpu.vector_load_idx %arg7[%add3A_112, %add3A_184, %and3A_161] : memref<2x128x128xf32, #tpu.memory_space<vmem>>[vector<16xi32>, vector<16xi32>, vector<16xi32>], vector<16xf32>,
          tpu.vector_store_idx %arg8[%shift_right_logical3A_163, %and3A_166, %add3A_184], %gather3A_185 : memref<8x8x128xf32, #tpu.memory_space<vmem>>[vector<16xi32>, vector<16xi32>, vector<16xi32>], vector<16xf32>,
          %add3A_186 = arith.constant 80 : i32
          %add3A_187 = vector.broadcast %add3A_186 : i32 to vector<16xi32>
          %add3A_188 = arith.addi %add3A_187, %iota3A : vector<16xi32>
          %gather3A_189 = tpu.vector_load_idx %arg7[%add3A_112, %add3A_188, %and3A_161] : memref<2x128x128xf32, #tpu.memory_space<vmem>>[vector<16xi32>, vector<16xi32>, vector<16xi32>], vector<16xf32>,
          tpu.vector_store_idx %arg8[%shift_right_logical3A_163, %and3A_166, %add3A_188], %gather3A_189 : memref<8x8x128xf32, #tpu.memory_space<vmem>>[vector<16xi32>, vector<16xi32>, vector<16xi32>], vector<16xf32>,
          %add3A_190 = arith.constant 96 : i32
          %add3A_191 = vector.broadcast %add3A_190 : i32 to vector<16xi32>
          %add3A_192 = arith.addi %add3A_191, %iota3A : vector<16xi32>
          %gather3A_193 = tpu.vector_load_idx %arg7[%add3A_112, %add3A_192, %and3A_161] : memref<2x128x128xf32, #tpu.memory_space<vmem>>[vector<16xi32>, vector<16xi32>, vector<16xi32>], vector<16xf32>,
          tpu.vector_store_idx %arg8[%shift_right_logical3A_163, %and3A_166, %add3A_192], %gather3A_193 : memref<8x8x128xf32, #tpu.memory_space<vmem>>[vector<16xi32>, vector<16xi32>, vector<16xi32>], vector<16xf32>,
          %add3A_194 = arith.constant 112 : i32
          %add3A_195 = vector.broadcast %add3A_194 : i32 to vector<16xi32>
          %add3A_196 = arith.addi %add3A_195, %iota3A : vector<16xi32>
          %gather3A_197 = tpu.vector_load_idx %arg7[%add3A_112, %add3A_196, %and3A_161] : memref<2x128x128xf32, #tpu.memory_space<vmem>>[vector<16xi32>, vector<16xi32>, vector<16xi32>], vector<16xf32>,
          tpu.vector_store_idx %arg8[%shift_right_logical3A_163, %and3A_166, %add3A_196], %gather3A_197 : memref<8x8x128xf32, #tpu.memory_space<vmem>>[vector<16xi32>, vector<16xi32>, vector<16xi32>], vector<16xf32>,
          %scan3A_198 = arith.constant 1 : i32
          %scan3A_199 = arith.addi %scan3A_157, %scan3A_198 : i32
          %add3A_200 = vector.broadcast %scan3A_199 : i32 to vector<16xi32>
          %add3A_201 = arith.addi %add3A_200, %iota3A : vector<16xi32>
          %and3A_202 = arith.constant 63 : i32
          %and3A_203 = vector.broadcast %and3A_202 : i32 to vector<16xi32>
          %and3A_204 = arith.andi %add3A_201, %and3A_203 : vector<16xi32>
          %shift_right_logical3A_205 = arith.constant 3 : i32
          %shift_right_logical3A_206 = vector.broadcast %shift_right_logical3A_205 : i32 to vector<16xi32>
          %shift_right_logical3A_207 = arith.shrui %and3A_204, %shift_right_logical3A_206 : vector<16xi32>
          %and3A_208 = arith.constant 7 : i32
          %and3A_209 = vector.broadcast %and3A_208 : i32 to vector<16xi32>
          %and3A_210 = arith.andi %and3A_204, %and3A_209 : vector<16xi32>
          %add3A_211 = arith.constant 0 : i32
          %add3A_212 = vector.broadcast %add3A_211 : i32 to vector<16xi32>
          %add3A_213 = arith.addi %add3A_212, %iota3A : vector<16xi32>
          %gather3A_214 = tpu.vector_load_idx %arg7[%add3A_112, %add3A_213, %and3A_204] : memref<2x128x128xf32, #tpu.memory_space<vmem>>[vector<16xi32>, vector<16xi32>, vector<16xi32>], vector<16xf32>,
          tpu.vector_store_idx %arg8[%shift_right_logical3A_207, %and3A_210, %add3A_213], %gather3A_214 : memref<8x8x128xf32, #tpu.memory_space<vmem>>[vector<16xi32>, vector<16xi32>, vector<16xi32>], vector<16xf32>,
          %add3A_215 = arith.constant 16 : i32
          %add3A_216 = vector.broadcast %add3A_215 : i32 to vector<16xi32>
          %add3A_217 = arith.addi %add3A_216, %iota3A : vector<16xi32>
          %gather3A_218 = tpu.vector_load_idx %arg7[%add3A_112, %add3A_217, %and3A_204] : memref<2x128x128xf32, #tpu.memory_space<vmem>>[vector<16xi32>, vector<16xi32>, vector<16xi32>], vector<16xf32>,
          tpu.vector_store_idx %arg8[%shift_right_logical3A_207, %and3A_210, %add3A_217], %gather3A_218 : memref<8x8x128xf32, #tpu.memory_space<vmem>>[vector<16xi32>, vector<16xi32>, vector<16xi32>], vector<16xf32>,
          %add3A_219 = arith.constant 32 : i32
          %add3A_220 = vector.broadcast %add3A_219 : i32 to vector<16xi32>
          %add3A_221 = arith.addi %add3A_220, %iota3A : vector<16xi32>
          %gather3A_222 = tpu.vector_load_idx %arg7[%add3A_112, %add3A_221, %and3A_204] : memref<2x128x128xf32, #tpu.memory_space<vmem>>[vector<16xi32>, vector<16xi32>, vector<16xi32>], vector<16xf32>,
          tpu.vector_store_idx %arg8[%shift_right_logical3A_207, %and3A_210, %add3A_221], %gather3A_222 : memref<8x8x128xf32, #tpu.memory_space<vmem>>[vector<16xi32>, vector<16xi32>, vector<16xi32>], vector<16xf32>,
          %add3A_223 = arith.constant 48 : i32
          %add3A_224 = vector.broadcast %add3A_223 : i32 to vector<16xi32>
          %add3A_225 = arith.addi %add3A_224, %iota3A : vector<16xi32>
          %gather3A_226 = tpu.vector_load_idx %arg7[%add3A_112, %add3A_225, %and3A_204] : memref<2x128x128xf32, #tpu.memory_space<vmem>>[vector<16xi32>, vector<16xi32>, vector<16xi32>], vector<16xf32>,
          tpu.vector_store_idx %arg8[%shift_right_logical3A_207, %and3A_210, %add3A_225], %gather3A_226 : memref<8x8x128xf32, #tpu.memory_space<vmem>>[vector<16xi32>, vector<16xi32>, vector<16xi32>], vector<16xf32>,
          %add3A_227 = arith.constant 64 : i32
          %add3A_228 = vector.broadcast %add3A_227 : i32 to vector<16xi32>
          %add3A_229 = arith.addi %add3A_228, %iota3A : vector<16xi32>
          %gather3A_230 = tpu.vector_load_idx %arg7[%add3A_112, %add3A_229, %and3A_204] : memref<2x128x128xf32, #tpu.memory_space<vmem>>[vector<16xi32>, vector<16xi32>, vector<16xi32>], vector<16xf32>,
          tpu.vector_store_idx %arg8[%shift_right_logical3A_207, %and3A_210, %add3A_229], %gather3A_230 : memref<8x8x128xf32, #tpu.memory_space<vmem>>[vector<16xi32>, vector<16xi32>, vector<16xi32>], vector<16xf32>,
          %add3A_231 = arith.constant 80 : i32
          %add3A_232 = vector.broadcast %add3A_231 : i32 to vector<16xi32>
          %add3A_233 = arith.addi %add3A_232, %iota3A : vector<16xi32>
          %gather3A_234 = tpu.vector_load_idx %arg7[%add3A_112, %add3A_233, %and3A_204] : memref<2x128x128xf32, #tpu.memory_space<vmem>>[vector<16xi32>, vector<16xi32>, vector<16xi32>], vector<16xf32>,
          tpu.vector_store_idx %arg8[%shift_right_logical3A_207, %and3A_210, %add3A_233], %gather3A_234 : memref<8x8x128xf32, #tpu.memory_space<vmem>>[vector<16xi32>, vector<16xi32>, vector<16xi32>], vector<16xf32>,
          %add3A_235 = arith.constant 96 : i32
          %add3A_236 = vector.broadcast %add3A_235 : i32 to vector<16xi32>
          %add3A_237 = arith.addi %add3A_236, %iota3A : vector<16xi32>
          %gather3A_238 = tpu.vector_load_idx %arg7[%add3A_112, %add3A_237, %and3A_204] : memref<2x128x128xf32, #tpu.memory_space<vmem>>[vector<16xi32>, vector<16xi32>, vector<16xi32>], vector<16xf32>,
          tpu.vector_store_idx %arg8[%shift_right_logical3A_207, %and3A_210, %add3A_237], %gather3A_238 : memref<8x8x128xf32, #tpu.memory_space<vmem>>[vector<16xi32>, vector<16xi32>, vector<16xi32>], vector<16xf32>,
          %add3A_239 = arith.constant 112 : i32
          %add3A_240 = vector.broadcast %add3A_239 : i32 to vector<16xi32>
          %add3A_241 = arith.addi %add3A_240, %iota3A : vector<16xi32>
          %gather3A_242 = tpu.vector_load_idx %arg7[%add3A_112, %add3A_241, %and3A_204] : memref<2x128x128xf32, #tpu.memory_space<vmem>>[vector<16xi32>, vector<16xi32>, vector<16xi32>], vector<16xf32>,
          tpu.vector_store_idx %arg8[%shift_right_logical3A_207, %and3A_210, %add3A_241], %gather3A_242 : memref<8x8x128xf32, #tpu.memory_space<vmem>>[vector<16xi32>, vector<16xi32>, vector<16xi32>], vector<16xf32>,
          %scan3A_243 = arith.constant 2 : i32
          %scan3A_244 = arith.addi %scan3A_157, %scan3A_243 : i32
          %add3A_245 = vector.broadcast %scan3A_244 : i32 to vector<16xi32>
          %add3A_246 = arith.addi %add3A_245, %iota3A : vector<16xi32>
          %and3A_247 = arith.constant 63 : i32
          %and3A_248 = vector.broadcast %and3A_247 : i32 to vector<16xi32>
          %and3A_249 = arith.andi %add3A_246, %and3A_248 : vector<16xi32>
          %shift_right_logical3A_250 = arith.constant 3 : i32
          %shift_right_logical3A_251 = vector.broadcast %shift_right_logical3A_250 : i32 to vector<16xi32>
          %shift_right_logical3A_252 = arith.shrui %and3A_249, %shift_right_logical3A_251 : vector<16xi32>
          %and3A_253 = arith.constant 7 : i32
          %and3A_254 = vector.broadcast %and3A_253 : i32 to vector<16xi32>
          %and3A_255 = arith.andi %and3A_249, %and3A_254 : vector<16xi32>
          %add3A_256 = arith.constant 0 : i32
          %add3A_257 = vector.broadcast %add3A_256 : i32 to vector<16xi32>
          %add3A_258 = arith.addi %add3A_257, %iota3A : vector<16xi32>
          %gather3A_259 = tpu.vector_load_idx %arg7[%add3A_112, %add3A_258, %and3A_249] : memref<2x128x128xf32, #tpu.memory_space<vmem>>[vector<16xi32>, vector<16xi32>, vector<16xi32>], vector<16xf32>,
          tpu.vector_store_idx %arg8[%shift_right_logical3A_252, %and3A_255, %add3A_258], %gather3A_259 : memref<8x8x128xf32, #tpu.memory_space<vmem>>[vector<16xi32>, vector<16xi32>, vector<16xi32>], vector<16xf32>,
          %add3A_260 = arith.constant 16 : i32
          %add3A_261 = vector.broadcast %add3A_260 : i32 to vector<16xi32>
          %add3A_262 = arith.addi %add3A_261, %iota3A : vector<16xi32>
          %gather3A_263 = tpu.vector_load_idx %arg7[%add3A_112, %add3A_262, %and3A_249] : memref<2x128x128xf32, #tpu.memory_space<vmem>>[vector<16xi32>, vector<16xi32>, vector<16xi32>], vector<16xf32>,
          tpu.vector_store_idx %arg8[%shift_right_logical3A_252, %and3A_255, %add3A_262], %gather3A_263 : memref<8x8x128xf32, #tpu.memory_space<vmem>>[vector<16xi32>, vector<16xi32>, vector<16xi32>], vector<16xf32>,
          %add3A_264 = arith.constant 32 : i32
          %add3A_265 = vector.broadcast %add3A_264 : i32 to vector<16xi32>
          %add3A_266 = arith.addi %add3A_265, %iota3A : vector<16xi32>
          %gather3A_267 = tpu.vector_load_idx %arg7[%add3A_112, %add3A_266, %and3A_249] : memref<2x128x128xf32, #tpu.memory_space<vmem>>[vector<16xi32>, vector<16xi32>, vector<16xi32>], vector<16xf32>,
          tpu.vector_store_idx %arg8[%shift_right_logical3A_252, %and3A_255, %add3A_266], %gather3A_267 : memref<8x8x128xf32, #tpu.memory_space<vmem>>[vector<16xi32>, vector<16xi32>, vector<16xi32>], vector<16xf32>,
          %add3A_268 = arith.constant 48 : i32
          %add3A_269 = vector.broadcast %add3A_268 : i32 to vector<16xi32>
          %add3A_270 = arith.addi %add3A_269, %iota3A : vector<16xi32>
          %gather3A_271 = tpu.vector_load_idx %arg7[%add3A_112, %add3A_270, %and3A_249] : memref<2x128x128xf32, #tpu.memory_space<vmem>>[vector<16xi32>, vector<16xi32>, vector<16xi32>], vector<16xf32>,
          tpu.vector_store_idx %arg8[%shift_right_logical3A_252, %and3A_255, %add3A_270], %gather3A_271 : memref<8x8x128xf32, #tpu.memory_space<vmem>>[vector<16xi32>, vector<16xi32>, vector<16xi32>], vector<16xf32>,
          %add3A_272 = arith.constant 64 : i32
          %add3A_273 = vector.broadcast %add3A_272 : i32 to vector<16xi32>
          %add3A_274 = arith.addi %add3A_273, %iota3A : vector<16xi32>
          %gather3A_275 = tpu.vector_load_idx %arg7[%add3A_112, %add3A_274, %and3A_249] : memref<2x128x128xf32, #tpu.memory_space<vmem>>[vector<16xi32>, vector<16xi32>, vector<16xi32>], vector<16xf32>,
          tpu.vector_store_idx %arg8[%shift_right_logical3A_252, %and3A_255, %add3A_274], %gather3A_275 : memref<8x8x128xf32, #tpu.memory_space<vmem>>[vector<16xi32>, vector<16xi32>, vector<16xi32>], vector<16xf32>,
          %add3A_276 = arith.constant 80 : i32
          %add3A_277 = vector.broadcast %add3A_276 : i32 to vector<16xi32>
          %add3A_278 = arith.addi %add3A_277, %iota3A : vector<16xi32>
          %gather3A_279 = tpu.vector_load_idx %arg7[%add3A_112, %add3A_278, %and3A_249] : memref<2x128x128xf32, #tpu.memory_space<vmem>>[vector<16xi32>, vector<16xi32>, vector<16xi32>], vector<16xf32>,
          tpu.vector_store_idx %arg8[%shift_right_logical3A_252, %and3A_255, %add3A_278], %gather3A_279 : memref<8x8x128xf32, #tpu.memory_space<vmem>>[vector<16xi32>, vector<16xi32>, vector<16xi32>], vector<16xf32>,
          %add3A_280 = arith.constant 96 : i32
          %add3A_281 = vector.broadcast %add3A_280 : i32 to vector<16xi32>
          %add3A_282 = arith.addi %add3A_281, %iota3A : vector<16xi32>
          %gather3A_283 = tpu.vector_load_idx %arg7[%add3A_112, %add3A_282, %and3A_249] : memref<2x128x128xf32, #tpu.memory_space<vmem>>[vector<16xi32>, vector<16xi32>, vector<16xi32>], vector<16xf32>,
          tpu.vector_store_idx %arg8[%shift_right_logical3A_252, %and3A_255, %add3A_282], %gather3A_283 : memref<8x8x128xf32, #tpu.memory_space<vmem>>[vector<16xi32>, vector<16xi32>, vector<16xi32>], vector<16xf32>,
          %add3A_284 = arith.constant 112 : i32
          %add3A_285 = vector.broadcast %add3A_284 : i32 to vector<16xi32>
          %add3A_286 = arith.addi %add3A_285, %iota3A : vector<16xi32>
          %gather3A_287 = tpu.vector_load_idx %arg7[%add3A_112, %add3A_286, %and3A_249] : memref<2x128x128xf32, #tpu.memory_space<vmem>>[vector<16xi32>, vector<16xi32>, vector<16xi32>], vector<16xf32>,
          tpu.vector_store_idx %arg8[%shift_right_logical3A_252, %and3A_255, %add3A_286], %gather3A_287 : memref<8x8x128xf32, #tpu.memory_space<vmem>>[vector<16xi32>, vector<16xi32>, vector<16xi32>], vector<16xf32>,
          %scan3A_288 = arith.constant 3 : i32
          %scan3A_289 = arith.addi %scan3A_157, %scan3A_288 : i32
          %add3A_290 = vector.broadcast %scan3A_289 : i32 to vector<16xi32>
          %add3A_291 = arith.addi %add3A_290, %iota3A : vector<16xi32>
          %and3A_292 = arith.constant 63 : i32
          %and3A_293 = vector.broadcast %and3A_292 : i32 to vector<16xi32>
          %and3A_294 = arith.andi %add3A_291, %and3A_293 : vector<16xi32>
          %shift_right_logical3A_295 = arith.constant 3 : i32
          %shift_right_logical3A_296 = vector.broadcast %shift_right_logical3A_295 : i32 to vector<16xi32>
          %shift_right_logical3A_297 = arith.shrui %and3A_294, %shift_right_logical3A_296 : vector<16xi32>
          %and3A_298 = arith.constant 7 : i32
          %and3A_299 = vector.broadcast %and3A_298 : i32 to vector<16xi32>
          %and3A_300 = arith.andi %and3A_294, %and3A_299 : vector<16xi32>
          %add3A_301 = arith.constant 0 : i32
          %add3A_302 = vector.broadcast %add3A_301 : i32 to vector<16xi32>
          %add3A_303 = arith.addi %add3A_302, %iota3A : vector<16xi32>
          %gather3A_304 = tpu.vector_load_idx %arg7[%add3A_112, %add3A_303, %and3A_294] : memref<2x128x128xf32, #tpu.memory_space<vmem>>[vector<16xi32>, vector<16xi32>, vector<16xi32>], vector<16xf32>,
          tpu.vector_store_idx %arg8[%shift_right_logical3A_297, %and3A_300, %add3A_303], %gather3A_304 : memref<8x8x128xf32, #tpu.memory_space<vmem>>[vector<16xi32>, vector<16xi32>, vector<16xi32>], vector<16xf32>,
          %add3A_305 = arith.constant 16 : i32
          %add3A_306 = vector.broadcast %add3A_305 : i32 to vector<16xi32>
          %add3A_307 = arith.addi %add3A_306, %iota3A : vector<16xi32>
          %gather3A_308 = tpu.vector_load_idx %arg7[%add3A_112, %add3A_307, %and3A_294] : memref<2x128x128xf32, #tpu.memory_space<vmem>>[vector<16xi32>, vector<16xi32>, vector<16xi32>], vector<16xf32>,
          tpu.vector_store_idx %arg8[%shift_right_logical3A_297, %and3A_300, %add3A_307], %gather3A_308 : memref<8x8x128xf32, #tpu.memory_space<vmem>>[vector<16xi32>, vector<16xi32>, vector<16xi32>], vector<16xf32>,
          %add3A_309 = arith.constant 32 : i32
          %add3A_310 = vector.broadcast %add3A_309 : i32 to vector<16xi32>
          %add3A_311 = arith.addi %add3A_310, %iota3A : vector<16xi32>
          %gather3A_312 = tpu.vector_load_idx %arg7[%add3A_112, %add3A_311, %and3A_294] : memref<2x128x128xf32, #tpu.memory_space<vmem>>[vector<16xi32>, vector<16xi32>, vector<16xi32>], vector<16xf32>,
          tpu.vector_store_idx %arg8[%shift_right_logical3A_297, %and3A_300, %add3A_311], %gather3A_312 : memref<8x8x128xf32, #tpu.memory_space<vmem>>[vector<16xi32>, vector<16xi32>, vector<16xi32>], vector<16xf32>,
          %add3A_313 = arith.constant 48 : i32
          %add3A_314 = vector.broadcast %add3A_313 : i32 to vector<16xi32>
          %add3A_315 = arith.addi %add3A_314, %iota3A : vector<16xi32>
          %gather3A_316 = tpu.vector_load_idx %arg7[%add3A_112, %add3A_315, %and3A_294] : memref<2x128x128xf32, #tpu.memory_space<vmem>>[vector<16xi32>, vector<16xi32>, vector<16xi32>], vector<16xf32>,
          tpu.vector_store_idx %arg8[%shift_right_logical3A_297, %and3A_300, %add3A_315], %gather3A_316 : memref<8x8x128xf32, #tpu.memory_space<vmem>>[vector<16xi32>, vector<16xi32>, vector<16xi32>], vector<16xf32>,
          %add3A_317 = arith.constant 64 : i32
          %add3A_318 = vector.broadcast %add3A_317 : i32 to vector<16xi32>
          %add3A_319 = arith.addi %add3A_318, %iota3A : vector<16xi32>
          %gather3A_320 = tpu.vector_load_idx %arg7[%add3A_112, %add3A_319, %and3A_294] : memref<2x128x128xf32, #tpu.memory_space<vmem>>[vector<16xi32>, vector<16xi32>, vector<16xi32>], vector<16xf32>,
          tpu.vector_store_idx %arg8[%shift_right_logical3A_297, %and3A_300, %add3A_319], %gather3A_320 : memref<8x8x128xf32, #tpu.memory_space<vmem>>[vector<16xi32>, vector<16xi32>, vector<16xi32>], vector<16xf32>,
          %add3A_321 = arith.constant 80 : i32
          %add3A_322 = vector.broadcast %add3A_321 : i32 to vector<16xi32>
          %add3A_323 = arith.addi %add3A_322, %iota3A : vector<16xi32>
          %gather3A_324 = tpu.vector_load_idx %arg7[%add3A_112, %add3A_323, %and3A_294] : memref<2x128x128xf32, #tpu.memory_space<vmem>>[vector<16xi32>, vector<16xi32>, vector<16xi32>], vector<16xf32>,
          tpu.vector_store_idx %arg8[%shift_right_logical3A_297, %and3A_300, %add3A_323], %gather3A_324 : memref<8x8x128xf32, #tpu.memory_space<vmem>>[vector<16xi32>, vector<16xi32>, vector<16xi32>], vector<16xf32>,
          %add3A_325 = arith.constant 96 : i32
          %add3A_326 = vector.broadcast %add3A_325 : i32 to vector<16xi32>
          %add3A_327 = arith.addi %add3A_326, %iota3A : vector<16xi32>
          %gather3A_328 = tpu.vector_load_idx %arg7[%add3A_112, %add3A_327, %and3A_294] : memref<2x128x128xf32, #tpu.memory_space<vmem>>[vector<16xi32>, vector<16xi32>, vector<16xi32>], vector<16xf32>,
          tpu.vector_store_idx %arg8[%shift_right_logical3A_297, %and3A_300, %add3A_327], %gather3A_328 : memref<8x8x128xf32, #tpu.memory_space<vmem>>[vector<16xi32>, vector<16xi32>, vector<16xi32>], vector<16xf32>,
          %add3A_329 = arith.constant 112 : i32
          %add3A_330 = vector.broadcast %add3A_329 : i32 to vector<16xi32>
          %add3A_331 = arith.addi %add3A_330, %iota3A : vector<16xi32>
          %gather3A_332 = tpu.vector_load_idx %arg7[%add3A_112, %add3A_331, %and3A_294] : memref<2x128x128xf32, #tpu.memory_space<vmem>>[vector<16xi32>, vector<16xi32>, vector<16xi32>], vector<16xf32>,
          tpu.vector_store_idx %arg8[%shift_right_logical3A_297, %and3A_300, %add3A_331], %gather3A_332 : memref<8x8x128xf32, #tpu.memory_space<vmem>>[vector<16xi32>, vector<16xi32>, vector<16xi32>], vector<16xf32>,
        }
        %scan3A_118 = arith.constant 64 : i32
        %dma_start3A_119 = arith.constant 0 : i32
        %dma_start3A_120 = arith.constant 0 : i32
        %dma_start3A_121 = arith.constant 0 : i32
        %dma_start3A_122 = tpu.memref_slice %arg4[%add3A_105, %dma_start3A_119, %add3A, %dma_start3A_120, %dma_start3A_121] : memref<200x8x32x8x128xf32, #tpu.memory_space<hbm>> -> memref<1x8x1x8x128xf32, #tpu.memory_space<hbm>>
        %dma_start3A_123 = tpu.memref_squeeze %dma_start3A_122 : memref<1x8x1x8x128xf32, #tpu.memory_space<hbm>> -> memref<8x8x128xf32, #tpu.memory_space<hbm>>
        %dma_start3A_124 = arith.constant 0 : i32
        %dma_start3A_125 = arith.constant 0 : i32
        %dma_start3A_126 = arith.constant 0 : i32
        %dma_start3A_127 = tpu.memref_slice %arg4[%add3A_105, %dma_start3A_124, %add3A, %dma_start3A_125, %dma_start3A_126] : memref<200x8x32x8x128xf32, #tpu.memory_space<hbm>> -> memref<1x8x1x8x128xf32, #tpu.memory_space<hbm>>
        %dma_start3A_128 = tpu.memref_squeeze %dma_start3A_127 : memref<1x8x1x8x128xf32, #tpu.memory_space<hbm>> -> memref<8x8x128xf32, #tpu.memory_space<hbm>>
        tpu.enqueue_dma source(%arg8 : memref<8x8x128xf32, #tpu.memory_space<vmem>>) target(%dma_start3A_128 : memref<8x8x128xf32, #tpu.memory_space<hbm>>) target_semaphore(%arg12 : memref<!tpu.dma_semaphore, #tpu.memory_space<semaphore_mem>>)
        %mul3A_129 = arith.constant 2 : i32
        %mul3A_130 = arith.muli %mul3A_129, %scan3A_55 : i32
        %add3A_131 = arith.constant 1 : i32
        %add3A_132 = arith.addi %mul3A_130, %add3A_131 : i32
        %ge3A_133 = arith.constant 1 : i32
        %ge3A_134 = arith.cmpi sge, %scan3A_55, %ge3A_133 : i32
        %convert_element_type3A_135 = arith.extui %ge3A_134 : i1 to i32
        %cond3A_136 = arith.constant 0 : i32
        %cond3A_137 = arith.cmpi ne, %convert_element_type3A_135, %cond3A_136 : i32
        scf.if %cond3A_137 {
          %sub3A = arith.constant 2 : i32
          %sub3A_157 = arith.subi %add3A_132, %sub3A : i32
          %dma_wait3A_158 = arith.constant 0 : i32
          %dma_wait3A_159 = arith.constant 0 : i32
          %dma_wait3A_160 = arith.constant 0 : i32
          %dma_wait3A_161 = tpu.memref_slice %arg4[%sub3A_157, %dma_wait3A_158, %add3A, %dma_wait3A_159, %dma_wait3A_160] : memref<200x8x32x8x128xf32, #tpu.memory_space<hbm>> -> memref<1x8x1x8x128xf32, #tpu.memory_space<hbm>>
          %dma_wait3A_162 = tpu.memref_squeeze %dma_wait3A_161 : memref<1x8x1x8x128xf32, #tpu.memory_space<hbm>> -> memref<8x8x128xf32, #tpu.memory_space<hbm>>
          %dma_wait3A_163 = arith.constant 0 : i32
          %dma_wait3A_164 = arith.constant 0 : i32
          %dma_wait3A_165 = arith.constant 0 : i32
          %dma_wait3A_166 = tpu.memref_slice %arg4[%sub3A_157, %dma_wait3A_163, %add3A, %dma_wait3A_164, %dma_wait3A_165] : memref<200x8x32x8x128xf32, #tpu.memory_space<hbm>> -> memref<1x8x1x8x128xf32, #tpu.memory_space<hbm>>
          %dma_wait3A_167 = tpu.memref_squeeze %dma_wait3A_166 : memref<1x8x1x8x128xf32, #tpu.memory_space<hbm>> -> memref<8x8x128xf32, #tpu.memory_space<hbm>>
          tpu.wait_dma2 semaphore(%arg13 : memref<!tpu.dma_semaphore, #tpu.memory_space<semaphore_mem>>) src(%arg9 : memref<8x8x128xf32, #tpu.memory_space<vmem>>) dst(%dma_wait3A_167 : memref<8x8x128xf32, #tpu.memory_space<hbm>>)
        } else {
        }
        %add3A_138 = arith.constant 1 : i32
        %add3A_139 = vector.broadcast %add3A_138 : i32 to vector<16xi32>
        %add3A_140 = arith.addi %mul3A_5, %add3A_139 : vector<16xi32>
        %scan3A_141 = arith.constant 0 : i32
        %scan3A_142 = arith.constant 0 : i32
        %scan3A_143 = arith.constant 64 : i32
        %scan3A_144 = arith.addi %scan3A_142, %scan3A_143 : i32
        %scan3A_145 = arith.constant 4 : i32
        scf.for %scan3A_157 = %scan3A_142 to %scan3A_144 step %scan3A_145  : i32 {
          %add3A_158 = vector.broadcast %scan3A_157 : i32 to vector<16xi32>
          %add3A_159 = arith.addi %add3A_158, %iota3A : vector<16xi32>
          %and3A = arith.constant 63 : i32
          %and3A_160 = vector.broadcast %and3A : i32 to vector<16xi32>
          %and3A_161 = arith.andi %add3A_159, %and3A_160 : vector<16xi32>
          %shift_right_logical3A = arith.constant 3 : i32
          %shift_right_logical3A_162 = vector.broadcast %shift_right_logical3A : i32 to vector<16xi32>
          %shift_right_logical3A_163 = arith.shrui %and3A_161, %shift_right_logical3A_162 : vector<16xi32>
          %and3A_164 = arith.constant 7 : i32
          %and3A_165 = vector.broadcast %and3A_164 : i32 to vector<16xi32>
          %and3A_166 = arith.andi %and3A_161, %and3A_165 : vector<16xi32>
          %add3A_167 = arith.constant 0 : i32
          %add3A_168 = vector.broadcast %add3A_167 : i32 to vector<16xi32>
          %add3A_169 = arith.addi %add3A_168, %iota3A : vector<16xi32>
          %gather3A = tpu.vector_load_idx %arg7[%add3A_140, %add3A_169, %and3A_161] : memref<2x128x128xf32, #tpu.memory_space<vmem>>[vector<16xi32>, vector<16xi32>, vector<16xi32>], vector<16xf32>,
          tpu.vector_store_idx %arg9[%shift_right_logical3A_163, %and3A_166, %add3A_169], %gather3A : memref<8x8x128xf32, #tpu.memory_space<vmem>>[vector<16xi32>, vector<16xi32>, vector<16xi32>], vector<16xf32>,
          %add3A_170 = arith.constant 16 : i32
          %add3A_171 = vector.broadcast %add3A_170 : i32 to vector<16xi32>
          %add3A_172 = arith.addi %add3A_171, %iota3A : vector<16xi32>
          %gather3A_173 = tpu.vector_load_idx %arg7[%add3A_140, %add3A_172, %and3A_161] : memref<2x128x128xf32, #tpu.memory_space<vmem>>[vector<16xi32>, vector<16xi32>, vector<16xi32>], vector<16xf32>,
          tpu.vector_store_idx %arg9[%shift_right_logical3A_163, %and3A_166, %add3A_172], %gather3A_173 : memref<8x8x128xf32, #tpu.memory_space<vmem>>[vector<16xi32>, vector<16xi32>, vector<16xi32>], vector<16xf32>,
          %add3A_174 = arith.constant 32 : i32
          %add3A_175 = vector.broadcast %add3A_174 : i32 to vector<16xi32>
          %add3A_176 = arith.addi %add3A_175, %iota3A : vector<16xi32>
          %gather3A_177 = tpu.vector_load_idx %arg7[%add3A_140, %add3A_176, %and3A_161] : memref<2x128x128xf32, #tpu.memory_space<vmem>>[vector<16xi32>, vector<16xi32>, vector<16xi32>], vector<16xf32>,
          tpu.vector_store_idx %arg9[%shift_right_logical3A_163, %and3A_166, %add3A_176], %gather3A_177 : memref<8x8x128xf32, #tpu.memory_space<vmem>>[vector<16xi32>, vector<16xi32>, vector<16xi32>], vector<16xf32>,
          %add3A_178 = arith.constant 48 : i32
          %add3A_179 = vector.broadcast %add3A_178 : i32 to vector<16xi32>
          %add3A_180 = arith.addi %add3A_179, %iota3A : vector<16xi32>
          %gather3A_181 = tpu.vector_load_idx %arg7[%add3A_140, %add3A_180, %and3A_161] : memref<2x128x128xf32, #tpu.memory_space<vmem>>[vector<16xi32>, vector<16xi32>, vector<16xi32>], vector<16xf32>,
          tpu.vector_store_idx %arg9[%shift_right_logical3A_163, %and3A_166, %add3A_180], %gather3A_181 : memref<8x8x128xf32, #tpu.memory_space<vmem>>[vector<16xi32>, vector<16xi32>, vector<16xi32>], vector<16xf32>,
          %add3A_182 = arith.constant 64 : i32
          %add3A_183 = vector.broadcast %add3A_182 : i32 to vector<16xi32>
          %add3A_184 = arith.addi %add3A_183, %iota3A : vector<16xi32>
          %gather3A_185 = tpu.vector_load_idx %arg7[%add3A_140, %add3A_184, %and3A_161] : memref<2x128x128xf32, #tpu.memory_space<vmem>>[vector<16xi32>, vector<16xi32>, vector<16xi32>], vector<16xf32>,
          tpu.vector_store_idx %arg9[%shift_right_logical3A_163, %and3A_166, %add3A_184], %gather3A_185 : memref<8x8x128xf32, #tpu.memory_space<vmem>>[vector<16xi32>, vector<16xi32>, vector<16xi32>], vector<16xf32>,
          %add3A_186 = arith.constant 80 : i32
          %add3A_187 = vector.broadcast %add3A_186 : i32 to vector<16xi32>
          %add3A_188 = arith.addi %add3A_187, %iota3A : vector<16xi32>
          %gather3A_189 = tpu.vector_load_idx %arg7[%add3A_140, %add3A_188, %and3A_161] : memref<2x128x128xf32, #tpu.memory_space<vmem>>[vector<16xi32>, vector<16xi32>, vector<16xi32>], vector<16xf32>,
          tpu.vector_store_idx %arg9[%shift_right_logical3A_163, %and3A_166, %add3A_188], %gather3A_189 : memref<8x8x128xf32, #tpu.memory_space<vmem>>[vector<16xi32>, vector<16xi32>, vector<16xi32>], vector<16xf32>,
          %add3A_190 = arith.constant 96 : i32
          %add3A_191 = vector.broadcast %add3A_190 : i32 to vector<16xi32>
          %add3A_192 = arith.addi %add3A_191, %iota3A : vector<16xi32>
          %gather3A_193 = tpu.vector_load_idx %arg7[%add3A_140, %add3A_192, %and3A_161] : memref<2x128x128xf32, #tpu.memory_space<vmem>>[vector<16xi32>, vector<16xi32>, vector<16xi32>], vector<16xf32>,
          tpu.vector_store_idx %arg9[%shift_right_logical3A_163, %and3A_166, %add3A_192], %gather3A_193 : memref<8x8x128xf32, #tpu.memory_space<vmem>>[vector<16xi32>, vector<16xi32>, vector<16xi32>], vector<16xf32>,
          %add3A_194 = arith.constant 112 : i32
          %add3A_195 = vector.broadcast %add3A_194 : i32 to vector<16xi32>
          %add3A_196 = arith.addi %add3A_195, %iota3A : vector<16xi32>
          %gather3A_197 = tpu.vector_load_idx %arg7[%add3A_140, %add3A_196, %and3A_161] : memref<2x128x128xf32, #tpu.memory_space<vmem>>[vector<16xi32>, vector<16xi32>, vector<16xi32>], vector<16xf32>,
          tpu.vector_store_idx %arg9[%shift_right_logical3A_163, %and3A_166, %add3A_196], %gather3A_197 : memref<8x8x128xf32, #tpu.memory_space<vmem>>[vector<16xi32>, vector<16xi32>, vector<16xi32>], vector<16xf32>,
          %scan3A_198 = arith.constant 1 : i32
          %scan3A_199 = arith.addi %scan3A_157, %scan3A_198 : i32
          %add3A_200 = vector.broadcast %scan3A_199 : i32 to vector<16xi32>
          %add3A_201 = arith.addi %add3A_200, %iota3A : vector<16xi32>
          %and3A_202 = arith.constant 63 : i32
          %and3A_203 = vector.broadcast %and3A_202 : i32 to vector<16xi32>
          %and3A_204 = arith.andi %add3A_201, %and3A_203 : vector<16xi32>
          %shift_right_logical3A_205 = arith.constant 3 : i32
          %shift_right_logical3A_206 = vector.broadcast %shift_right_logical3A_205 : i32 to vector<16xi32>
          %shift_right_logical3A_207 = arith.shrui %and3A_204, %shift_right_logical3A_206 : vector<16xi32>
          %and3A_208 = arith.constant 7 : i32
          %and3A_209 = vector.broadcast %and3A_208 : i32 to vector<16xi32>
          %and3A_210 = arith.andi %and3A_204, %and3A_209 : vector<16xi32>
          %add3A_211 = arith.constant 0 : i32
          %add3A_212 = vector.broadcast %add3A_211 : i32 to vector<16xi32>
          %add3A_213 = arith.addi %add3A_212, %iota3A : vector<16xi32>
          %gather3A_214 = tpu.vector_load_idx %arg7[%add3A_140, %add3A_213, %and3A_204] : memref<2x128x128xf32, #tpu.memory_space<vmem>>[vector<16xi32>, vector<16xi32>, vector<16xi32>], vector<16xf32>,
          tpu.vector_store_idx %arg9[%shift_right_logical3A_207, %and3A_210, %add3A_213], %gather3A_214 : memref<8x8x128xf32, #tpu.memory_space<vmem>>[vector<16xi32>, vector<16xi32>, vector<16xi32>], vector<16xf32>,
          %add3A_215 = arith.constant 16 : i32
          %add3A_216 = vector.broadcast %add3A_215 : i32 to vector<16xi32>
          %add3A_217 = arith.addi %add3A_216, %iota3A : vector<16xi32>
          %gather3A_218 = tpu.vector_load_idx %arg7[%add3A_140, %add3A_217, %and3A_204] : memref<2x128x128xf32, #tpu.memory_space<vmem>>[vector<16xi32>, vector<16xi32>, vector<16xi32>], vector<16xf32>,
          tpu.vector_store_idx %arg9[%shift_right_logical3A_207, %and3A_210, %add3A_217], %gather3A_218 : memref<8x8x128xf32, #tpu.memory_space<vmem>>[vector<16xi32>, vector<16xi32>, vector<16xi32>], vector<16xf32>,
          %add3A_219 = arith.constant 32 : i32
          %add3A_220 = vector.broadcast %add3A_219 : i32 to vector<16xi32>
          %add3A_221 = arith.addi %add3A_220, %iota3A : vector<16xi32>
          %gather3A_222 = tpu.vector_load_idx %arg7[%add3A_140, %add3A_221, %and3A_204] : memref<2x128x128xf32, #tpu.memory_space<vmem>>[vector<16xi32>, vector<16xi32>, vector<16xi32>], vector<16xf32>,
          tpu.vector_store_idx %arg9[%shift_right_logical3A_207, %and3A_210, %add3A_221], %gather3A_222 : memref<8x8x128xf32, #tpu.memory_space<vmem>>[vector<16xi32>, vector<16xi32>, vector<16xi32>], vector<16xf32>,
          %add3A_223 = arith.constant 48 : i32
          %add3A_224 = vector.broadcast %add3A_223 : i32 to vector<16xi32>
          %add3A_225 = arith.addi %add3A_224, %iota3A : vector<16xi32>
          %gather3A_226 = tpu.vector_load_idx %arg7[%add3A_140, %add3A_225, %and3A_204] : memref<2x128x128xf32, #tpu.memory_space<vmem>>[vector<16xi32>, vector<16xi32>, vector<16xi32>], vector<16xf32>,
          tpu.vector_store_idx %arg9[%shift_right_logical3A_207, %and3A_210, %add3A_225], %gather3A_226 : memref<8x8x128xf32, #tpu.memory_space<vmem>>[vector<16xi32>, vector<16xi32>, vector<16xi32>], vector<16xf32>,
          %add3A_227 = arith.constant 64 : i32
          %add3A_228 = vector.broadcast %add3A_227 : i32 to vector<16xi32>
          %add3A_229 = arith.addi %add3A_228, %iota3A : vector<16xi32>
          %gather3A_230 = tpu.vector_load_idx %arg7[%add3A_140, %add3A_229, %and3A_204] : memref<2x128x128xf32, #tpu.memory_space<vmem>>[vector<16xi32>, vector<16xi32>, vector<16xi32>], vector<16xf32>,
          tpu.vector_store_idx %arg9[%shift_right_logical3A_207, %and3A_210, %add3A_229], %gather3A_230 : memref<8x8x128xf32, #tpu.memory_space<vmem>>[vector<16xi32>, vector<16xi32>, vector<16xi32>], vector<16xf32>,
          %add3A_231 = arith.constant 80 : i32
          %add3A_232 = vector.broadcast %add3A_231 : i32 to vector<16xi32>
          %add3A_233 = arith.addi %add3A_232, %iota3A : vector<16xi32>
          %gather3A_234 = tpu.vector_load_idx %arg7[%add3A_140, %add3A_233, %and3A_204] : memref<2x128x128xf32, #tpu.memory_space<vmem>>[vector<16xi32>, vector<16xi32>, vector<16xi32>], vector<16xf32>,
          tpu.vector_store_idx %arg9[%shift_right_logical3A_207, %and3A_210, %add3A_233], %gather3A_234 : memref<8x8x128xf32, #tpu.memory_space<vmem>>[vector<16xi32>, vector<16xi32>, vector<16xi32>], vector<16xf32>,
          %add3A_235 = arith.constant 96 : i32
          %add3A_236 = vector.broadcast %add3A_235 : i32 to vector<16xi32>
          %add3A_237 = arith.addi %add3A_236, %iota3A : vector<16xi32>
          %gather3A_238 = tpu.vector_load_idx %arg7[%add3A_140, %add3A_237, %and3A_204] : memref<2x128x128xf32, #tpu.memory_space<vmem>>[vector<16xi32>, vector<16xi32>, vector<16xi32>], vector<16xf32>,
          tpu.vector_store_idx %arg9[%shift_right_logical3A_207, %and3A_210, %add3A_237], %gather3A_238 : memref<8x8x128xf32, #tpu.memory_space<vmem>>[vector<16xi32>, vector<16xi32>, vector<16xi32>], vector<16xf32>,
          %add3A_239 = arith.constant 112 : i32
          %add3A_240 = vector.broadcast %add3A_239 : i32 to vector<16xi32>
          %add3A_241 = arith.addi %add3A_240, %iota3A : vector<16xi32>
          %gather3A_242 = tpu.vector_load_idx %arg7[%add3A_140, %add3A_241, %and3A_204] : memref<2x128x128xf32, #tpu.memory_space<vmem>>[vector<16xi32>, vector<16xi32>, vector<16xi32>], vector<16xf32>,
          tpu.vector_store_idx %arg9[%shift_right_logical3A_207, %and3A_210, %add3A_241], %gather3A_242 : memref<8x8x128xf32, #tpu.memory_space<vmem>>[vector<16xi32>, vector<16xi32>, vector<16xi32>], vector<16xf32>,
          %scan3A_243 = arith.constant 2 : i32
          %scan3A_244 = arith.addi %scan3A_157, %scan3A_243 : i32
          %add3A_245 = vector.broadcast %scan3A_244 : i32 to vector<16xi32>
          %add3A_246 = arith.addi %add3A_245, %iota3A : vector<16xi32>
          %and3A_247 = arith.constant 63 : i32
          %and3A_248 = vector.broadcast %and3A_247 : i32 to vector<16xi32>
          %and3A_249 = arith.andi %add3A_246, %and3A_248 : vector<16xi32>
          %shift_right_logical3A_250 = arith.constant 3 : i32
          %shift_right_logical3A_251 = vector.broadcast %shift_right_logical3A_250 : i32 to vector<16xi32>
          %shift_right_logical3A_252 = arith.shrui %and3A_249, %shift_right_logical3A_251 : vector<16xi32>
          %and3A_253 = arith.constant 7 : i32
          %and3A_254 = vector.broadcast %and3A_253 : i32 to vector<16xi32>
          %and3A_255 = arith.andi %and3A_249, %and3A_254 : vector<16xi32>
          %add3A_256 = arith.constant 0 : i32
          %add3A_257 = vector.broadcast %add3A_256 : i32 to vector<16xi32>
          %add3A_258 = arith.addi %add3A_257, %iota3A : vector<16xi32>
          %gather3A_259 = tpu.vector_load_idx %arg7[%add3A_140, %add3A_258, %and3A_249] : memref<2x128x128xf32, #tpu.memory_space<vmem>>[vector<16xi32>, vector<16xi32>, vector<16xi32>], vector<16xf32>,
          tpu.vector_store_idx %arg9[%shift_right_logical3A_252, %and3A_255, %add3A_258], %gather3A_259 : memref<8x8x128xf32, #tpu.memory_space<vmem>>[vector<16xi32>, vector<16xi32>, vector<16xi32>], vector<16xf32>,
          %add3A_260 = arith.constant 16 : i32
          %add3A_261 = vector.broadcast %add3A_260 : i32 to vector<16xi32>
          %add3A_262 = arith.addi %add3A_261, %iota3A : vector<16xi32>
          %gather3A_263 = tpu.vector_load_idx %arg7[%add3A_140, %add3A_262, %and3A_249] : memref<2x128x128xf32, #tpu.memory_space<vmem>>[vector<16xi32>, vector<16xi32>, vector<16xi32>], vector<16xf32>,
          tpu.vector_store_idx %arg9[%shift_right_logical3A_252, %and3A_255, %add3A_262], %gather3A_263 : memref<8x8x128xf32, #tpu.memory_space<vmem>>[vector<16xi32>, vector<16xi32>, vector<16xi32>], vector<16xf32>,
          %add3A_264 = arith.constant 32 : i32
          %add3A_265 = vector.broadcast %add3A_264 : i32 to vector<16xi32>
          %add3A_266 = arith.addi %add3A_265, %iota3A : vector<16xi32>
          %gather3A_267 = tpu.vector_load_idx %arg7[%add3A_140, %add3A_266, %and3A_249] : memref<2x128x128xf32, #tpu.memory_space<vmem>>[vector<16xi32>, vector<16xi32>, vector<16xi32>], vector<16xf32>,
          tpu.vector_store_idx %arg9[%shift_right_logical3A_252, %and3A_255, %add3A_266], %gather3A_267 : memref<8x8x128xf32, #tpu.memory_space<vmem>>[vector<16xi32>, vector<16xi32>, vector<16xi32>], vector<16xf32>,
          %add3A_268 = arith.constant 48 : i32
          %add3A_269 = vector.broadcast %add3A_268 : i32 to vector<16xi32>
          %add3A_270 = arith.addi %add3A_269, %iota3A : vector<16xi32>
          %gather3A_271 = tpu.vector_load_idx %arg7[%add3A_140, %add3A_270, %and3A_249] : memref<2x128x128xf32, #tpu.memory_space<vmem>>[vector<16xi32>, vector<16xi32>, vector<16xi32>], vector<16xf32>,
          tpu.vector_store_idx %arg9[%shift_right_logical3A_252, %and3A_255, %add3A_270], %gather3A_271 : memref<8x8x128xf32, #tpu.memory_space<vmem>>[vector<16xi32>, vector<16xi32>, vector<16xi32>], vector<16xf32>,
          %add3A_272 = arith.constant 64 : i32
          %add3A_273 = vector.broadcast %add3A_272 : i32 to vector<16xi32>
          %add3A_274 = arith.addi %add3A_273, %iota3A : vector<16xi32>
          %gather3A_275 = tpu.vector_load_idx %arg7[%add3A_140, %add3A_274, %and3A_249] : memref<2x128x128xf32, #tpu.memory_space<vmem>>[vector<16xi32>, vector<16xi32>, vector<16xi32>], vector<16xf32>,
          tpu.vector_store_idx %arg9[%shift_right_logical3A_252, %and3A_255, %add3A_274], %gather3A_275 : memref<8x8x128xf32, #tpu.memory_space<vmem>>[vector<16xi32>, vector<16xi32>, vector<16xi32>], vector<16xf32>,
          %add3A_276 = arith.constant 80 : i32
          %add3A_277 = vector.broadcast %add3A_276 : i32 to vector<16xi32>
          %add3A_278 = arith.addi %add3A_277, %iota3A : vector<16xi32>
          %gather3A_279 = tpu.vector_load_idx %arg7[%add3A_140, %add3A_278, %and3A_249] : memref<2x128x128xf32, #tpu.memory_space<vmem>>[vector<16xi32>, vector<16xi32>, vector<16xi32>], vector<16xf32>,
          tpu.vector_store_idx %arg9[%shift_right_logical3A_252, %and3A_255, %add3A_278], %gather3A_279 : memref<8x8x128xf32, #tpu.memory_space<vmem>>[vector<16xi32>, vector<16xi32>, vector<16xi32>], vector<16xf32>,
          %add3A_280 = arith.constant 96 : i32
          %add3A_281 = vector.broadcast %add3A_280 : i32 to vector<16xi32>
          %add3A_282 = arith.addi %add3A_281, %iota3A : vector<16xi32>
          %gather3A_283 = tpu.vector_load_idx %arg7[%add3A_140, %add3A_282, %and3A_249] : memref<2x128x128xf32, #tpu.memory_space<vmem>>[vector<16xi32>, vector<16xi32>, vector<16xi32>], vector<16xf32>,
          tpu.vector_store_idx %arg9[%shift_right_logical3A_252, %and3A_255, %add3A_282], %gather3A_283 : memref<8x8x128xf32, #tpu.memory_space<vmem>>[vector<16xi32>, vector<16xi32>, vector<16xi32>], vector<16xf32>,
          %add3A_284 = arith.constant 112 : i32
          %add3A_285 = vector.broadcast %add3A_284 : i32 to vector<16xi32>
          %add3A_286 = arith.addi %add3A_285, %iota3A : vector<16xi32>
          %gather3A_287 = tpu.vector_load_idx %arg7[%add3A_140, %add3A_286, %and3A_249] : memref<2x128x128xf32, #tpu.memory_space<vmem>>[vector<16xi32>, vector<16xi32>, vector<16xi32>], vector<16xf32>,
          tpu.vector_store_idx %arg9[%shift_right_logical3A_252, %and3A_255, %add3A_286], %gather3A_287 : memref<8x8x128xf32, #tpu.memory_space<vmem>>[vector<16xi32>, vector<16xi32>, vector<16xi32>], vector<16xf32>,
          %scan3A_288 = arith.constant 3 : i32
          %scan3A_289 = arith.addi %scan3A_157, %scan3A_288 : i32
          %add3A_290 = vector.broadcast %scan3A_289 : i32 to vector<16xi32>
          %add3A_291 = arith.addi %add3A_290, %iota3A : vector<16xi32>
          %and3A_292 = arith.constant 63 : i32
          %and3A_293 = vector.broadcast %and3A_292 : i32 to vector<16xi32>
          %and3A_294 = arith.andi %add3A_291, %and3A_293 : vector<16xi32>
          %shift_right_logical3A_295 = arith.constant 3 : i32
          %shift_right_logical3A_296 = vector.broadcast %shift_right_logical3A_295 : i32 to vector<16xi32>
          %shift_right_logical3A_297 = arith.shrui %and3A_294, %shift_right_logical3A_296 : vector<16xi32>
          %and3A_298 = arith.constant 7 : i32
          %and3A_299 = vector.broadcast %and3A_298 : i32 to vector<16xi32>
          %and3A_300 = arith.andi %and3A_294, %and3A_299 : vector<16xi32>
          %add3A_301 = arith.constant 0 : i32
          %add3A_302 = vector.broadcast %add3A_301 : i32 to vector<16xi32>
          %add3A_303 = arith.addi %add3A_302, %iota3A : vector<16xi32>
          %gather3A_304 = tpu.vector_load_idx %arg7[%add3A_140, %add3A_303, %and3A_294] : memref<2x128x128xf32, #tpu.memory_space<vmem>>[vector<16xi32>, vector<16xi32>, vector<16xi32>], vector<16xf32>,
          tpu.vector_store_idx %arg9[%shift_right_logical3A_297, %and3A_300, %add3A_303], %gather3A_304 : memref<8x8x128xf32, #tpu.memory_space<vmem>>[vector<16xi32>, vector<16xi32>, vector<16xi32>], vector<16xf32>,
          %add3A_305 = arith.constant 16 : i32
          %add3A_306 = vector.broadcast %add3A_305 : i32 to vector<16xi32>
          %add3A_307 = arith.addi %add3A_306, %iota3A : vector<16xi32>
          %gather3A_308 = tpu.vector_load_idx %arg7[%add3A_140, %add3A_307, %and3A_294] : memref<2x128x128xf32, #tpu.memory_space<vmem>>[vector<16xi32>, vector<16xi32>, vector<16xi32>], vector<16xf32>,
          tpu.vector_store_idx %arg9[%shift_right_logical3A_297, %and3A_300, %add3A_307], %gather3A_308 : memref<8x8x128xf32, #tpu.memory_space<vmem>>[vector<16xi32>, vector<16xi32>, vector<16xi32>], vector<16xf32>,
          %add3A_309 = arith.constant 32 : i32
          %add3A_310 = vector.broadcast %add3A_309 : i32 to vector<16xi32>
          %add3A_311 = arith.addi %add3A_310, %iota3A : vector<16xi32>
          %gather3A_312 = tpu.vector_load_idx %arg7[%add3A_140, %add3A_311, %and3A_294] : memref<2x128x128xf32, #tpu.memory_space<vmem>>[vector<16xi32>, vector<16xi32>, vector<16xi32>], vector<16xf32>,
          tpu.vector_store_idx %arg9[%shift_right_logical3A_297, %and3A_300, %add3A_311], %gather3A_312 : memref<8x8x128xf32, #tpu.memory_space<vmem>>[vector<16xi32>, vector<16xi32>, vector<16xi32>], vector<16xf32>,
          %add3A_313 = arith.constant 48 : i32
          %add3A_314 = vector.broadcast %add3A_313 : i32 to vector<16xi32>
          %add3A_315 = arith.addi %add3A_314, %iota3A : vector<16xi32>
          %gather3A_316 = tpu.vector_load_idx %arg7[%add3A_140, %add3A_315, %and3A_294] : memref<2x128x128xf32, #tpu.memory_space<vmem>>[vector<16xi32>, vector<16xi32>, vector<16xi32>], vector<16xf32>,
          tpu.vector_store_idx %arg9[%shift_right_logical3A_297, %and3A_300, %add3A_315], %gather3A_316 : memref<8x8x128xf32, #tpu.memory_space<vmem>>[vector<16xi32>, vector<16xi32>, vector<16xi32>], vector<16xf32>,
          %add3A_317 = arith.constant 64 : i32
          %add3A_318 = vector.broadcast %add3A_317 : i32 to vector<16xi32>
          %add3A_319 = arith.addi %add3A_318, %iota3A : vector<16xi32>
          %gather3A_320 = tpu.vector_load_idx %arg7[%add3A_140, %add3A_319, %and3A_294] : memref<2x128x128xf32, #tpu.memory_space<vmem>>[vector<16xi32>, vector<16xi32>, vector<16xi32>], vector<16xf32>,
          tpu.vector_store_idx %arg9[%shift_right_logical3A_297, %and3A_300, %add3A_319], %gather3A_320 : memref<8x8x128xf32, #tpu.memory_space<vmem>>[vector<16xi32>, vector<16xi32>, vector<16xi32>], vector<16xf32>,
          %add3A_321 = arith.constant 80 : i32
          %add3A_322 = vector.broadcast %add3A_321 : i32 to vector<16xi32>
          %add3A_323 = arith.addi %add3A_322, %iota3A : vector<16xi32>
          %gather3A_324 = tpu.vector_load_idx %arg7[%add3A_140, %add3A_323, %and3A_294] : memref<2x128x128xf32, #tpu.memory_space<vmem>>[vector<16xi32>, vector<16xi32>, vector<16xi32>], vector<16xf32>,
          tpu.vector_store_idx %arg9[%shift_right_logical3A_297, %and3A_300, %add3A_323], %gather3A_324 : memref<8x8x128xf32, #tpu.memory_space<vmem>>[vector<16xi32>, vector<16xi32>, vector<16xi32>], vector<16xf32>,
          %add3A_325 = arith.constant 96 : i32
          %add3A_326 = vector.broadcast %add3A_325 : i32 to vector<16xi32>
          %add3A_327 = arith.addi %add3A_326, %iota3A : vector<16xi32>
          %gather3A_328 = tpu.vector_load_idx %arg7[%add3A_140, %add3A_327, %and3A_294] : memref<2x128x128xf32, #tpu.memory_space<vmem>>[vector<16xi32>, vector<16xi32>, vector<16xi32>], vector<16xf32>,
          tpu.vector_store_idx %arg9[%shift_right_logical3A_297, %and3A_300, %add3A_327], %gather3A_328 : memref<8x8x128xf32, #tpu.memory_space<vmem>>[vector<16xi32>, vector<16xi32>, vector<16xi32>], vector<16xf32>,
          %add3A_329 = arith.constant 112 : i32
          %add3A_330 = vector.broadcast %add3A_329 : i32 to vector<16xi32>
          %add3A_331 = arith.addi %add3A_330, %iota3A : vector<16xi32>
          %gather3A_332 = tpu.vector_load_idx %arg7[%add3A_140, %add3A_331, %and3A_294] : memref<2x128x128xf32, #tpu.memory_space<vmem>>[vector<16xi32>, vector<16xi32>, vector<16xi32>], vector<16xf32>,
          tpu.vector_store_idx %arg9[%shift_right_logical3A_297, %and3A_300, %add3A_331], %gather3A_332 : memref<8x8x128xf32, #tpu.memory_space<vmem>>[vector<16xi32>, vector<16xi32>, vector<16xi32>], vector<16xf32>,
        }
        %scan3A_146 = arith.constant 64 : i32
        %dma_start3A_147 = arith.constant 0 : i32
        %dma_start3A_148 = arith.constant 0 : i32
        %dma_start3A_149 = arith.constant 0 : i32
        %dma_start3A_150 = tpu.memref_slice %arg4[%add3A_132, %dma_start3A_147, %add3A, %dma_start3A_148, %dma_start3A_149] : memref<200x8x32x8x128xf32, #tpu.memory_space<hbm>> -> memref<1x8x1x8x128xf32, #tpu.memory_space<hbm>>
        %dma_start3A_151 = tpu.memref_squeeze %dma_start3A_150 : memref<1x8x1x8x128xf32, #tpu.memory_space<hbm>> -> memref<8x8x128xf32, #tpu.memory_space<hbm>>
        %dma_start3A_152 = arith.constant 0 : i32
        %dma_start3A_153 = arith.constant 0 : i32
        %dma_start3A_154 = arith.constant 0 : i32
        %dma_start3A_155 = tpu.memref_slice %arg4[%add3A_132, %dma_start3A_152, %add3A, %dma_start3A_153, %dma_start3A_154] : memref<200x8x32x8x128xf32, #tpu.memory_space<hbm>> -> memref<1x8x1x8x128xf32, #tpu.memory_space<hbm>>
        %dma_start3A_156 = tpu.memref_squeeze %dma_start3A_155 : memref<1x8x1x8x128xf32, #tpu.memory_space<hbm>> -> memref<8x8x128xf32, #tpu.memory_space<hbm>>
        tpu.enqueue_dma source(%arg9 : memref<8x8x128xf32, #tpu.memory_space<vmem>>) target(%dma_start3A_156 : memref<8x8x128xf32, #tpu.memory_space<hbm>>) target_semaphore(%arg13 : memref<!tpu.dma_semaphore, #tpu.memory_space<semaphore_mem>>)
      } else {
      }
    }
    %scan3A_33 = arith.constant 100 : i32
    %dma_wait3A = arith.constant 0 : i32
    %dma_wait3A_34 = arith.constant 0 : i32
    %dma_wait3A_35 = arith.constant 0 : i32
    %dma_wait3A_36 = arith.constant 0 : i32
    %dma_wait3A_37 = tpu.memref_slice %arg4[%dma_wait3A, %dma_wait3A_34, %add3A, %dma_wait3A_35, %dma_wait3A_36] : memref<200x8x32x8x128xf32, #tpu.memory_space<hbm>> -> memref<1x8x1x8x128xf32, #tpu.memory_space<hbm>>
    %dma_wait3A_38 = tpu.memref_squeeze %dma_wait3A_37 : memref<1x8x1x8x128xf32, #tpu.memory_space<hbm>> -> memref<8x8x128xf32, #tpu.memory_space<hbm>>
    %dma_wait3A_39 = arith.constant 0 : i32
    %dma_wait3A_40 = arith.constant 0 : i32
    %dma_wait3A_41 = arith.constant 0 : i32
    %dma_wait3A_42 = tpu.memref_slice %arg4[%dma_wait3A, %dma_wait3A_39, %add3A, %dma_wait3A_40, %dma_wait3A_41] : memref<200x8x32x8x128xf32, #tpu.memory_space<hbm>> -> memref<1x8x1x8x128xf32, #tpu.memory_space<hbm>>
    %dma_wait3A_43 = tpu.memref_squeeze %dma_wait3A_42 : memref<1x8x1x8x128xf32, #tpu.memory_space<hbm>> -> memref<8x8x128xf32, #tpu.memory_space<hbm>>
    tpu.wait_dma2 semaphore(%arg12 : memref<!tpu.dma_semaphore, #tpu.memory_space<semaphore_mem>>) src(%arg8 : memref<8x8x128xf32, #tpu.memory_space<vmem>>) dst(%dma_wait3A_43 : memref<8x8x128xf32, #tpu.memory_space<hbm>>)
    %dma_wait3A_44 = arith.constant 1 : i32
    %dma_wait3A_45 = arith.constant 0 : i32
    %dma_wait3A_46 = arith.constant 0 : i32
    %dma_wait3A_47 = arith.constant 0 : i32
    %dma_wait3A_48 = tpu.memref_slice %arg4[%dma_wait3A_44, %dma_wait3A_45, %add3A, %dma_wait3A_46, %dma_wait3A_47] : memref<200x8x32x8x128xf32, #tpu.memory_space<hbm>> -> memref<1x8x1x8x128xf32, #tpu.memory_space<hbm>>
    %dma_wait3A_49 = tpu.memref_squeeze %dma_wait3A_48 : memref<1x8x1x8x128xf32, #tpu.memory_space<hbm>> -> memref<8x8x128xf32, #tpu.memory_space<hbm>>
    %dma_wait3A_50 = arith.constant 0 : i32
    %dma_wait3A_51 = arith.constant 0 : i32
    %dma_wait3A_52 = arith.constant 0 : i32
    %dma_wait3A_53 = tpu.memref_slice %arg4[%dma_wait3A_44, %dma_wait3A_50, %add3A, %dma_wait3A_51, %dma_wait3A_52] : memref<200x8x32x8x128xf32, #tpu.memory_space<hbm>> -> memref<1x8x1x8x128xf32, #tpu.memory_space<hbm>>
    %dma_wait3A_54 = tpu.memref_squeeze %dma_wait3A_53 : memref<1x8x1x8x128xf32, #tpu.memory_space<hbm>> -> memref<8x8x128xf32, #tpu.memory_space<hbm>>
    tpu.wait_dma2 semaphore(%arg13 : memref<!tpu.dma_semaphore, #tpu.memory_space<semaphore_mem>>) src(%arg9 : memref<8x8x128xf32, #tpu.memory_space<vmem>>) dst(%dma_wait3A_54 : memref<8x8x128xf32, #tpu.memory_space<hbm>>)
    return
  }
}

</mosaic_0001>

<sc_bundles>
// kernel: kernel.3.cloned.1.call-start
scs
__scs_entry_jumppad:
0x0: {  	(pc) =	sbr.rel $0x88, $3  }
0x1: {  	(tag) =	ssettag $0x0;
	lr =	simm.s32 $0x1  }
0x2: {  	[smem:$0x3F9F] =	sst lr;
	_ =	strace $0xD0000000  }
0x3: {  	_ = 	snop  }
0x4: {  	_ = 	snop  }
0x5: {  	_ = 	snop  }
0x6: {  	_ = 	snop  }
0x7: {  	_ = 	snop  }
__scs_overlays_trampoline_lowered:
0x8: {  	[smem:$0x3FAE] =	sst s0  }
0x9: {  	[smem:$0x3FAF] =	sst s1  }
0xa: {  	[smem:$0x3FB0] =	sst s2  }
0xb: {  	[smem:$0x3FB1] =	sst s3  }
0xc: {  	[smem:$0x3FB2] =	sst s4  }
0xd: {  	[smem:$0x3FB3] =	sst s5  }
0xe: {  	[smem:$0x3FB4] =	sst s6  }
0xf: {  	[smem:$0x3FB5] =	sst s7  }
0x10: {  	[smem:$0x3FB6] =	sst s8  }
0x11: {  	[smem:$0x3FB7] =	sst s9;
	s0 =	simm.s32 @!p0 $0x0  }
0x12: {  	s1 =	sld [smem:$0x3F9D];
	s0 =	simm.s32 @p0 $0x1  }
0x13: {  	[smem:$0x3FB8] =	sst s0;
	s0 =	simm.s32 @!p1 $0x0  }
0x14: {  	s2 =	sld [smem:$0x3F9C];
	s0 =	simm.s32 @p1 $0x1  }
0x15: {  	[smem:$0x3FB9] =	sst s0;
	s0 =	simm.s32 @!p2 $0x0  }
0x16: {  	s3 =	sld [smem:$0x3FDB];
	s0 =	simm.s32 @p2 $0x1  }
0x17: {  	s4 =	simm.s32 $0x1BF5;
	[smem:$0x3FBB] =	sst s0  }
0x18: {  	s0 =	sld [smem:$0x3F9E];
	_ =	swait.ge [sflag:s4], $0x0  }
0x19: {  	s7 =	sld [smem:$0x3F9F]  }
0x1a: {  	s8 =	sadd.s32 $0xFFFFE003, lr  }
0x1b: {  	s9 =	sadd.s32 $0xFFFFFEF7, lr;
	s5 =	simm.s32 $0xFFFFFFFF;
	p2 =	slt.u32 s8, $0xFFFFF086  }
0x1c: {  	p1 =	slt.u32 s9, $0xF7A;
	s5 =	simm.s32 @!p2 $0x0  }
0x1d: {  	s5 =	simm.s32 @p1 $0x1;
	p0 =	seq.s32 s7, s2  }
0x1e: {  	s7 =	smul.u32 @!p0 $0xF7A, s2;
	p2 =	seq.s32 @!p0 s5, $0x0  }
0x1f: {  	s9 =	smul.u32 $0xF7A, s1;
	s8 =	simm.s32 @!p0 $0x1BF5;
	p2 =	por !p2, p0  }
0x20: {  	[sflag:s8] =	ssyncset.s32 @!p0 $0xFFFFF086;
	s6 =	sadd.s32 @!p0 s3, s7;
	s7 =	simm.s32 @!p0 $0x108  }
0x21: {  	s3 =	sadd.s32 s3, s9;
	s6 =	sadd.s32 @!p0 $0x88, s6;
	s7 =	simm.s32 @p2 $0x1082  }
0x22: {  	[simem:s7], [sflag:s8] =	dma.local @!p0 [hbm:s6], $0xF7A  }
0x23: {  	s9 =	sor.u32 $0xD0000000, s2;
	s6 =	simm.s32 $0x108;
	_ =	swait.ge @!p0 [sflag:s8], $0x0  }
0x24: {  	s3 =	sadd.s32 $0x88, s3;
	s6 =	simm.s32 @!p1 $0x1082;
	[sflag:s4] =	ssyncset.s32 $0xFFFFF086  }
0x25: {  	[simem:s6], [sflag:s4] =	dma.local [hbm:s3], $0xF7A  }
0x26: {  	[smem:$0x3F9F] =	sst s1;
	(tag) =	ssettag s2;
	_ =	strace s9  }
0x27: {  	s1 =	sld [smem:$0x3FAF]  }
0x28: {  	s2 =	sld [smem:$0x3FB0]  }
0x29: {  	s4 =	sld [smem:$0x3FB2]  }
0x2a: {  	p0 =	seq.s32 s5, $0x0;
	s5 =	sld [smem:$0x3FB3]  }
0x2b: {  	s6 =	sld [smem:$0x3FB4]  }
0x2c: {  	s7 =	sld [smem:$0x3FB5]  }
0x2d: {  	s3 =	simm.s32 $0x108;
	s8 =	sld [smem:$0x3FB6]  }
0x2e: {  	s3 =	simm.s32 @!p0 $0x1082;
	s9 =	sld [smem:$0x3FB7]  }
0x2f: {  	lr =	sadd.s32 s0, s3;
	s0 =	sld [smem:$0x3FAE]  }
0x30: {  	s3 =	sld [smem:$0x3FB1]  }
0x31: {  	[smem:$0x3FBA] =	sst s10  }
0x32: {  	s10 =	sld [smem:$0x3FB8];
	_ =	sdelay $0x3  }
0x33: {  	p0 =	seq.s32 s10, $0x1;
	s10 =	sld [smem:$0x3FBA];
	_ =	sdelay $0x3  }
0x34: {  	[smem:$0x3FBA] =	sst s10  }
0x35: {  	s10 =	sld [smem:$0x3FB9];
	_ =	sdelay $0x3  }
0x36: {  	p1 =	seq.s32 s10, $0x1;
	s10 =	sld [smem:$0x3FBA];
	_ =	sdelay $0x3  }
0x37: {  	[smem:$0x3FBA] =	sst s10  }
0x38: {  	s10 =	sld [smem:$0x3FBB]  }
0x39: {  	_ = 	snop;
	(pc) =	sbr.ind lr, $3  }
0x3a: {  	_ = 	snop  }
0x3b: {  	_ = 	snop  }
0x3c: {  	p2 =	seq.s32 s10, $0x1;
	s10 =	sld [smem:$0x3FBA]  }
0x3d: {  	_ =	shalt  }
0x3e: {  	_ =	shalt  }
0x3f: {  	_ =	shalt  }
0x40: {  	_ =	shalt  }
0x41: {  	_ =	shalt  }
0x42: {  	_ =	shalt  }
0x43: {  	_ =	shalt  }
0x44: {  	_ =	shalt  }
0x45: {  	_ =	shalt  }
0x46: {  	_ =	shalt  }
0x47: {  	_ =	shalt  }
0x48: {  	_ =	shalt  }
0x49: {  	_ =	shalt  }
0x4a: {  	_ =	shalt  }
0x4b: {  	_ =	shalt  }
0x4c: {  	_ =	shalt  }
0x4d: {  	_ =	shalt  }
0x4e: {  	_ =	shalt  }
0x4f: {  	_ =	shalt  }
0x50: {  	_ =	shalt  }
0x51: {  	_ =	shalt  }
0x52: {  	_ =	shalt  }
0x53: {  	_ =	shalt  }
0x54: {  	_ =	shalt  }
0x55: {  	_ =	shalt  }
0x56: {  	_ =	shalt  }
0x57: {  	_ =	shalt  }
0x58: {  	_ =	shalt  }
0x59: {  	_ =	shalt  }
0x5a: {  	_ =	shalt  }
0x5b: {  	_ =	shalt  }
0x5c: {  	_ =	shalt  }
0x5d: {  	_ =	shalt  }
0x5e: {  	_ =	shalt  }
0x5f: {  	_ =	shalt  }
0x60: {  	_ =	shalt  }
0x61: {  	_ =	shalt  }
0x62: {  	_ =	shalt  }
0x63: {  	_ =	shalt  }
0x64: {  	_ =	shalt  }
0x65: {  	_ =	shalt  }
0x66: {  	_ =	shalt  }
0x67: {  	_ =	shalt  }
0x68: {  	_ =	shalt  }
0x69: {  	_ =	shalt  }
0x6a: {  	_ =	shalt  }
0x6b: {  	_ =	shalt  }
0x6c: {  	_ =	shalt  }
0x6d: {  	_ =	shalt  }
0x6e: {  	_ =	shalt  }
0x6f: {  	_ =	shalt  }
0x70: {  	_ =	shalt  }
0x71: {  	_ =	shalt  }
0x72: {  	_ =	shalt  }
0x73: {  	_ =	shalt  }
0x74: {  	_ =	shalt  }
0x75: {  	_ =	shalt  }
0x76: {  	_ =	shalt  }
0x77: {  	_ =	shalt  }
0x78: {  	_ =	shalt  }
0x79: {  	_ =	shalt  }
0x7a: {  	_ =	shalt  }
0x7b: {  	_ =	shalt  }
0x7c: {  	_ =	shalt  }
0x7d: {  	_ =	shalt  }
0x7e: {  	_ =	shalt  }
0x7f: {  	_ =	shalt  }
0x80: {  	_ =	shalt  }
0x81: {  	_ =	shalt  }
0x82: {  	_ =	shalt  }
0x83: {  	_ =	shalt  }
0x84: {  	_ =	shalt  }
0x85: {  	_ =	shalt  }
0x86: {  	_ =	shalt  }
0x87: {  	_ =	shalt  }
.Lfunc_end0:
.L_simem_size_0:
called_computation_lowered:
.L_overlay_start_0:
0x88: {  	s2 =	sld [smem:$0x3FD9]  }
0x89: {  	s3 =	sld [smem:$0x3FFE];
	_ =	sdelay $0x1  }
0x8a: {  	s1 =	srdreg.scid  }
0x8b: {  	s0 =	sand.u32 $0x1, s1  }
0x8c: {  	s17 =	sshll.u32 s0, $0xA;
	s2 =	sadd.s32 s3, s2  }
0x8d: {  	s2 =	sadd.s32 s2, s17  }
0x8e: {  	[smem:$0x3FC6] =	sst s2  }
0x8f: {  	_ = 	snop  }
0x90: {  	s2 =	sld [smem:$0x3FC9]  }
0x91: {  	s18 =	sld [smem:$0x3FD0];
	(tm) =	ssettm $0x1  }
0x92: {  	s4 =	sld [smem:$0x3FFB];
	_ =	sdelay $0x3  }
0x93: {  	_ =	strace s4  }
0x94: {  	s4 =	sld [smem:$0x3FFC];
	_ =	sdelay $0x3  }
0x95: {  	_ =	strace s4  }
0x96: {  	s4 =	sld [smem:$0x3FFD];
	_ =	sdelay $0x3  }
0x97: {  	_ =	strace s4  }
0x98: {  	_ =	strace $0x8FFFFFFF  }
0x99: {  	s19 =	sld [smem:$0x3FDB];
	_ =	sdelay $0x1  }
0x9a: {  	s5 =	simm.s32 $_scs_section_size  }
0x9b: {  	s6 =	simm.s32 $_size__tile_overlayer_lowered;
	s7 =	simm.s32 $_tile_overlayer_lowered  }
0x9c: {  	s22 =	simm.s32 $0x1BFF;
	s21 =	sshll.u32 s7, $0x1;
	s4 =	sadd.s32 s5, s19  }
0x9d: {  	s8 =	simm.s32 $0x0;
	s20 =	sshll.u32 s6, $0x1;
	s6 =	sadd.s32 s21, s4  }
0x9e: {  	[timem:s8], [sflag:s22] =	dma.local [hbm:s6], s20  }
0x9f: {  	_ =	swait.ge [sflag:s22], s20  }
0xa0: {  	s5 =	ssub.s32 $0x0, s20;
	[sflag:s22] =	ssyncset.done $0x0  }
0xa1: {  	[sflag:s22] =	ssyncadd.s32 s5;
	_ =	sdelay $0x1  }
0xa2: {  	s23 =	simm.s32 $0x1B8B  }
0xa3: {  	_ =	swait.ge [sflag:s23], $0x1  }
0xa4: {  	[sflag:s23] =	ssyncset.done $0x0  }
0xa5: {  	s25 =	simm.s32 $0x1B8E;
	s24 =	sld [smem:$0x3FFE];
	[sflag:s23] =	ssyncadd.s32 $0xFFFFFFFF  }
0xa6: {  	s26 =	simm.s32 $execute0_lowered;
	[smem:$0x3FD2] =	sst s25  }
0xa7: {  	s6 =	sshll.u32 s26, $0x1;
	_ =	strace $0x80000046;
	[dreg:$0x1] =	wrdreg $0xFFFFFFFF  }
0xa8: {  	s28 =	simm.s32 $_size_execute0_lowered;
	s4 =	sadd.s32 s4, s6;
	[dreg:$0x0] =	wrdreg $0x0  }
0xa9: {  	s6 =	sshll.u32 s28, $0x1;
	[dreg:$0x2] =	wrdreg s4  }
0xaa: {  	[dreg:$0x3] =	wrdreg s6  }
0xab: {  	[dreg:$0x4] =	wrdreg $0xC0  }
0xac: {  	_ =	task [dreg:s8], $0x5FFFF  }
0xad: {  	[dreg:$0x1] =	wrdreg $0xFFFFFFFF  }
0xae: {  	[dreg:$0x0] =	wrdreg $0x60  }
0xaf: {  	[dreg:$0x2] =	wrdreg s2  }
0xb0: {  	[dreg:$0x3] =	wrdreg s24  }
0xb1: {  	[dreg:$0x4] =	wrdreg s18  }
0xb2: {  	[dreg:$0x5] =	wrdreg $0x9  }
0xb3: {  	_ =	task.clear_ibuf [dreg:s8], $0x6FFFF;
	_ =	strace $0x90000046  }
0xb4: {  	s29 =	simm.s32 $0x9;
	_ =	strace $0x80000048  }
0xb5: {  	_ =	swait.ge [sflag:s29], $0x1  }
0xb6: {  	[sflag:s29] =	ssyncadd.s32 $0xFFFFFFFF  }
0xb7: {  	_ =	strace $0x90000048  }
0xb8: {  	_ =	sfence  }
0xb9: {  	s30 =	sld [smem:$0x0];
	_ =	sdelay $0x2  }
0xba: {  	s31 =	sshll.u32 s1, $0xD;
	s1 =	sshrl.u32 s1, $0x2  }
0xbb: {  	s3 =	sand.u32 $0x4000, s31;
	s1 =	sadd.s32 s1, s30  }
0xbc: {  	s0 =	sor.u32 s3, s0;
	s1 =	sshll.u32 s1, $0x11  }
0xbd: {  	s0 =	sor.u32 s1, s0  }
0xbe: {  	s0 =	sadd.s32 $0x8F2B, s0  }
0xbf: {  	[sflag:s0] =	ssyncadd.remote.s32 $0x1  }
0xc0: {  	_ =	sfence.sel $0xFFFF  }
0xc1: {  	[dreg:$0x0] =	wrdreg $0xFFFFFFFF;
	(pc) =	sbr.abs _section_cstart, $3  }
0xc2: {  	[dreg:$0x1] =	wrdreg $0xFFFFFFFF  }
0xc3: {  	_ =	task.clear_ibuf [dreg:s8], $0x2FFFF;
	_ =	strace $0x9FFFFFFF  }
0xc4: {  	(tm) =	ssettm $0x7FFFFFFF  }
0xc5: {  	_ =	shalt  }
tec
execute0_lowered:
.L_overlay_start_1:
0x0: {  	(tag) =	ssettag $0x1  }
0x1: {  	s6 =	rddreg [dreg:$0x0]  }
0x2: {  	s5 =	rddreg [dreg:$0x1]  }
0x3: {  	s2 =	rddreg [dreg:$0x2]  }
0x4: {  	s0 =	rddreg [dreg:$0x3]  }
0x5: {  	s4 =	srdreg.scid;
	s1 =	stileid.u32;
	s3 =	simm.s32 $0x0  }
0x6: {  	s10 =	simm.s32 $0x400;
	s11 =	simm.s32 $0x8000;
	s12 =	simm.s32 $0x5  }
0x7: {  	v0 =	vlaneseq.u32;
	s13 =	simm.s32 $0x80;
	s14 =	simm.s32 $0x6400;
	s15 =	simm.s32 $0xA400  }
0x8: {  	s16 =	simm.s32 $0x2;
	s17 =	simm.s32 $0x3;
	s18 =	simm.s32 $0xE400;
	v1 =	vmul.u32 $0x80, v0;
	v3 =	vor.u32 $0x10, v0  }
0x9: {  	s19 =	simm.s32 $0x16400;
	s20 =	simm.s32 $0x4;
	s21 =	simm.s32 $0x18400;
	v5 =	vor.u32 $0x20, v0;
	v7 =	vor.u32 $0x30, v0;
	v9 =	vor.u32 $0x40, v0  }
0xa: {  	s22 =	simm.s32 $0x1;
	s23 =	simm.s32 $0x12400;
	s24 =	simm.s32 $0x0;
	v11 =	vor.u32 $0x50, v0;
	v13 =	vor.u32 $0x60, v0;
	v15 =	vor.u32 $0x70, v0  }
.Ltmp0:
0xb: {  	s4 =	sand.u32 $0x1, s4;
	s7 =	sshll.u32 s1, $0x1;
	v2 =	vor.u32 $0x800, v1;
	v4 =	vor.u32 $0x1000, v1;
	v6 =	vor.u32 $0x1800, v1;
	(pc) =	sbr.rel .LBB2_1-.Ltmp0, $4  }
0xc: {  	[smem:$0x7FF] =	sst s3;
	s5 =	sadd.s32 $0xF42800, s5;
	s8 =	ssub.s32 $0x2, s4;
	v8 =	vor.u32 $0x2000, v1;
	v10 =	vor.u32 $0x2800, v1;
	v12 =	vor.u32 $0x3000, v1  }
0xd: {  	s7 =	sor.u32 s4, s7;
	_ =	strace $0x80000047;
	s9 =	sshrl.u32 s8, $0x1;
	v14 =	vor.u32 $0x3800, v1;
	v16 =	vor.u32 $0x4000, v1;
	v17 =	vor.u32 $0x4800, v1  }
0xe: {  	s4 =	sshll.u32 s7, $0x7;
	s7 =	sshll.u32 s7, $0xA;
	v18 =	vor.u32 $0x5000, v1;
	v19 =	vor.u32 $0x5800, v1;
	v20 =	vor.u32 $0x6000, v1;
	s9 =	ssub.s32 s8, s9  }
0xf: {  	v21 =	vor.u32 $0x6800, v1;
	v22 =	vor.u32 $0x7000, v1;
	v23 =	vor.u32 $0x7800, v1;
	s6 =	sadd.s32 s6, s4;
	s8 =	sadd.s32 $0x8000, s2;
	s9 =	smax.u32 s9, $0x1  }
.LBB2_14:
0x10: {  	s24 =	sadd.s32 $0x1, s24  }
0x11: {  	_ =	swait.ge [sflag:s17], $0x2000;
	p0 =	sne.s32 s24, s9  }
.Ltmp1:
0x12: {  	[sflag:s17] =	ssyncset.done $0x0;
	(pc) =	sbr.rel @!p0 .LBB2_15-.Ltmp1, $4  }
0x13: {  	[sflag:s17] =	ssyncadd.s32 $0xFFFFE000  }
0x14: {  	_ =	swait.ge [sflag:s20], $0x2000  }
0x15: {  	[sflag:s20] =	ssyncset.done $0x0  }
0x16: {  	[sflag:s20] =	ssyncadd.s32 $0xFFFFE000  }
.LBB2_1:
0x17: {  	[tilespmem:s3], [sflag:$0x5] =	stream.strided.gather [hbm4b:s6+s10], $0x6400, s11, s10, $0x38;
	[tilespmem:$0x1A400] =	vst v63  }
0x18: {  	_ =	swait.ge [sflag:s12], $0x6400  }
.Ltmp2:
0x19: {  	[sflag:s12] =	ssyncset.done $0x0;
	(pc) =	sbr.rel .LBB2_2-.Ltmp2, $4  }
0x1a: {  	[sflag:s12] =	ssyncadd.s32 $0xFFFF9C00  }
0x1b: {  	[tilespmem:s14], [sflag:$0x1] =	stream.indirect.gather [hbm4b:s5+s13], $0x80, s3, s13, $0xb8;
	[tilespmem:$0x1A400] =	vst v63  }
0x1c: {  	s25 =	simm.s32 $0x0  }
0x1d: {  	[tilespmem:s15], [sflag:$0x1] =	stream.indirect.gather [hbm4b:s5+s13], $0x80, s13, s13, $0xb8;
	[tilespmem:$0x1A400] =	vst v63  }
.LBB2_7:
0x1e: {  	v27 =	vand.u32 $0x3F, v25;
	v24 =	vor.u32 v15, v24  }
0x1f: {  	v28 =	vor.u32 v16, v27;
	_ =	sdelay $0x2  }
0x20: {  	v58 =	vshll.u32 v25, $0x7  }
0x21: {  	v59 =	vand.u32 $0x1F80, v58;
	[tilespmem:v24+s21+$0x0] =	vst.idx.msk $0xffff, v26  }
0x22: {  	v61 =	vor.u32 v0, v59;
	v60 =	vld.idx.msk [tilespmem:v28+s14+$0x0], $0xffff  }
0x23: {  	v62 =	vor.u32 v17, v27;
	_ =	sdelay $0x3  }
0x24: {  	[tilespmem:v61+s21+$0x0] =	vst.idx.msk $0xffff, v60  }
0x25: {  	v63 =	vor.u32 v3, v59;
	v25 =	vld.idx.msk [tilespmem:v62+s14+$0x0], $0xffff  }
0x26: {  	v32 =	vor.u32 v18, v27;
	_ =	sdelay $0x3  }
0x27: {  	[tilespmem:v63+s21+$0x0] =	vst.idx.msk $0xffff, v25  }
0x28: {  	v33 =	vor.u32 v5, v59;
	v25 =	vld.idx.msk [tilespmem:v32+s14+$0x0], $0xffff  }
0x29: {  	v34 =	vor.u32 v19, v27;
	_ =	sdelay $0x3  }
0x2a: {  	[tilespmem:v33+s21+$0x0] =	vst.idx.msk $0xffff, v25  }
0x2b: {  	v35 =	vor.u32 v7, v59;
	v25 =	vld.idx.msk [tilespmem:v34+s14+$0x0], $0xffff  }
0x2c: {  	v36 =	vor.u32 v20, v27;
	_ =	sdelay $0x3  }
0x2d: {  	[tilespmem:v35+s21+$0x0] =	vst.idx.msk $0xffff, v25  }
0x2e: {  	v37 =	vor.u32 v9, v59;
	v25 =	vld.idx.msk [tilespmem:v36+s14+$0x0], $0xffff  }
0x2f: {  	v38 =	vor.u32 v21, v27;
	_ =	sdelay $0x3  }
0x30: {  	[tilespmem:v37+s21+$0x0] =	vst.idx.msk $0xffff, v25  }
0x31: {  	v39 =	vor.u32 v11, v59;
	v25 =	vld.idx.msk [tilespmem:v38+s14+$0x0], $0xffff  }
0x32: {  	v40 =	vor.u32 v22, v27;
	_ =	sdelay $0x3  }
0x33: {  	[tilespmem:v39+s21+$0x0] =	vst.idx.msk $0xffff, v25  }
0x34: {  	v41 =	vor.u32 v13, v59;
	v25 =	vld.idx.msk [tilespmem:v40+s14+$0x0], $0xffff  }
0x35: {  	v27 =	vor.u32 v23, v27;
	_ =	sdelay $0x2  }
0x36: {  	s29 =	sadd.s32 $0x1, s28  }
0x37: {  	v42 =	vadd.s32 s29, v0;
	[tilespmem:v41+s21+$0x0] =	vst.idx.msk $0xffff, v25  }
0x38: {  	v43 =	vand.u32 $0x3F, v42;
	v24 =	vor.u32 v15, v59;
	v26 =	vld.idx.msk [tilespmem:v27+s14+$0x0], $0xffff  }
0x39: {  	v44 =	vor.u32 v16, v43;
	_ =	sdelay $0x2  }
0x3a: {  	v25 =	vshll.u32 v42, $0x7  }
0x3b: {  	v45 =	vand.u32 $0x1F80, v25;
	[tilespmem:v24+s21+$0x0] =	vst.idx.msk $0xffff, v26  }
0x3c: {  	v47 =	vor.u32 v0, v45;
	v46 =	vld.idx.msk [tilespmem:v44+s14+$0x0], $0xffff  }
0x3d: {  	v48 =	vor.u32 v17, v43;
	_ =	sdelay $0x3  }
0x3e: {  	[tilespmem:v47+s21+$0x0] =	vst.idx.msk $0xffff, v46  }
0x3f: {  	v49 =	vor.u32 v3, v45;
	v25 =	vld.idx.msk [tilespmem:v48+s14+$0x0], $0xffff  }
0x40: {  	v50 =	vor.u32 v18, v43;
	_ =	sdelay $0x3  }
0x41: {  	[tilespmem:v49+s21+$0x0] =	vst.idx.msk $0xffff, v25  }
0x42: {  	v51 =	vor.u32 v5, v45;
	v25 =	vld.idx.msk [tilespmem:v50+s14+$0x0], $0xffff  }
0x43: {  	v52 =	vor.u32 v19, v43;
	_ =	sdelay $0x3  }
0x44: {  	[tilespmem:v51+s21+$0x0] =	vst.idx.msk $0xffff, v25  }
0x45: {  	v53 =	vor.u32 v7, v45;
	v25 =	vld.idx.msk [tilespmem:v52+s14+$0x0], $0xffff  }
0x46: {  	v54 =	vor.u32 v20, v43;
	_ =	sdelay $0x3  }
0x47: {  	[tilespmem:v53+s21+$0x0] =	vst.idx.msk $0xffff, v25  }
0x48: {  	v55 =	vor.u32 v9, v45;
	v25 =	vld.idx.msk [tilespmem:v54+s14+$0x0], $0xffff  }
0x49: {  	v56 =	vor.u32 v21, v43;
	_ =	sdelay $0x3  }
0x4a: {  	[tilespmem:v55+s21+$0x0] =	vst.idx.msk $0xffff, v25  }
0x4b: {  	v57 =	vor.u32 v11, v45;
	v25 =	vld.idx.msk [tilespmem:v56+s14+$0x0], $0xffff  }
0x4c: {  	v58 =	vor.u32 v22, v43;
	_ =	sdelay $0x3  }
0x4d: {  	[tilespmem:v57+s21+$0x0] =	vst.idx.msk $0xffff, v25  }
0x4e: {  	v59 =	vor.u32 v13, v45;
	v25 =	vld.idx.msk [tilespmem:v58+s14+$0x0], $0xffff  }
0x4f: {  	v27 =	vor.u32 v23, v43;
	_ =	sdelay $0x2  }
0x50: {  	s30 =	sadd.s32 $0x2, s28  }
0x51: {  	v60 =	vadd.s32 s30, v0;
	[tilespmem:v59+s21+$0x0] =	vst.idx.msk $0xffff, v25  }
0x52: {  	v61 =	vand.u32 $0x3F, v60;
	v24 =	vor.u32 v15, v45;
	v26 =	vld.idx.msk [tilespmem:v27+s14+$0x0], $0xffff  }
0x53: {  	v62 =	vor.u32 v16, v61;
	_ =	sdelay $0x2  }
0x54: {  	v25 =	vshll.u32 v60, $0x7  }
0x55: {  	v63 =	vand.u32 $0x1F80, v25;
	[tilespmem:v24+s21+$0x0] =	vst.idx.msk $0xffff, v26  }
0x56: {  	v33 =	vor.u32 v0, v63;
	v32 =	vld.idx.msk [tilespmem:v62+s14+$0x0], $0xffff  }
0x57: {  	v34 =	vor.u32 v17, v61;
	_ =	sdelay $0x3  }
0x58: {  	[tilespmem:v33+s21+$0x0] =	vst.idx.msk $0xffff, v32  }
0x59: {  	v35 =	vor.u32 v3, v63;
	v25 =	vld.idx.msk [tilespmem:v34+s14+$0x0], $0xffff  }
0x5a: {  	v36 =	vor.u32 v18, v61;
	_ =	sdelay $0x3  }
0x5b: {  	[tilespmem:v35+s21+$0x0] =	vst.idx.msk $0xffff, v25  }
0x5c: {  	v37 =	vor.u32 v5, v63;
	v25 =	vld.idx.msk [tilespmem:v36+s14+$0x0], $0xffff  }
0x5d: {  	v38 =	vor.u32 v19, v61;
	_ =	sdelay $0x3  }
0x5e: {  	[tilespmem:v37+s21+$0x0] =	vst.idx.msk $0xffff, v25  }
0x5f: {  	v39 =	vor.u32 v7, v63;
	v25 =	vld.idx.msk [tilespmem:v38+s14+$0x0], $0xffff  }
0x60: {  	v40 =	vor.u32 v20, v61;
	_ =	sdelay $0x3  }
0x61: {  	[tilespmem:v39+s21+$0x0] =	vst.idx.msk $0xffff, v25  }
0x62: {  	v41 =	vor.u32 v9, v63;
	v25 =	vld.idx.msk [tilespmem:v40+s14+$0x0], $0xffff  }
0x63: {  	v42 =	vor.u32 v21, v61;
	_ =	sdelay $0x3  }
0x64: {  	[tilespmem:v41+s21+$0x0] =	vst.idx.msk $0xffff, v25  }
0x65: {  	v43 =	vor.u32 v11, v63;
	v25 =	vld.idx.msk [tilespmem:v42+s14+$0x0], $0xffff  }
0x66: {  	v44 =	vor.u32 v22, v61;
	_ =	sdelay $0x3  }
0x67: {  	[tilespmem:v43+s21+$0x0] =	vst.idx.msk $0xffff, v25  }
0x68: {  	v45 =	vor.u32 v13, v63;
	v25 =	vld.idx.msk [tilespmem:v44+s14+$0x0], $0xffff  }
0x69: {  	v27 =	vor.u32 v23, v61;
	_ =	sdelay $0x2  }
0x6a: {  	s31 =	sadd.s32 $0x3, s28  }
0x6b: {  	v46 =	vadd.s32 s31, v0;
	[tilespmem:v45+s21+$0x0] =	vst.idx.msk $0xffff, v25  }
0x6c: {  	v47 =	vand.u32 $0x3F, v46;
	v24 =	vor.u32 v15, v63;
	v26 =	vld.idx.msk [tilespmem:v27+s14+$0x0], $0xffff  }
0x6d: {  	v48 =	vor.u32 v16, v47;
	_ =	sdelay $0x2  }
0x6e: {  	v25 =	vshll.u32 v46, $0x7  }
0x6f: {  	v49 =	vand.u32 $0x1F80, v25;
	[tilespmem:v24+s21+$0x0] =	vst.idx.msk $0xffff, v26  }
0x70: {  	v51 =	vor.u32 v0, v49;
	v50 =	vld.idx.msk [tilespmem:v48+s14+$0x0], $0xffff  }
0x71: {  	v52 =	vor.u32 v17, v47;
	_ =	sdelay $0x3  }
0x72: {  	[tilespmem:v51+s21+$0x0] =	vst.idx.msk $0xffff, v50  }
0x73: {  	v53 =	vor.u32 v3, v49;
	v25 =	vld.idx.msk [tilespmem:v52+s14+$0x0], $0xffff  }
0x74: {  	v54 =	vor.u32 v18, v47;
	_ =	sdelay $0x3  }
0x75: {  	[tilespmem:v53+s21+$0x0] =	vst.idx.msk $0xffff, v25  }
0x76: {  	v55 =	vor.u32 v5, v49;
	v25 =	vld.idx.msk [tilespmem:v54+s14+$0x0], $0xffff  }
0x77: {  	v56 =	vor.u32 v19, v47;
	_ =	sdelay $0x3  }
0x78: {  	[tilespmem:v55+s21+$0x0] =	vst.idx.msk $0xffff, v25  }
0x79: {  	v57 =	vor.u32 v7, v49;
	v25 =	vld.idx.msk [tilespmem:v56+s14+$0x0], $0xffff  }
0x7a: {  	v58 =	vor.u32 v20, v47;
	_ =	sdelay $0x3  }
0x7b: {  	[tilespmem:v57+s21+$0x0] =	vst.idx.msk $0xffff, v25  }
0x7c: {  	v59 =	vor.u32 v9, v49;
	v25 =	vld.idx.msk [tilespmem:v58+s14+$0x0], $0xffff  }
0x7d: {  	v60 =	vor.u32 v21, v47;
	_ =	sdelay $0x3  }
0x7e: {  	[tilespmem:v59+s21+$0x0] =	vst.idx.msk $0xffff, v25  }
0x7f: {  	v61 =	vor.u32 v11, v49;
	v25 =	vld.idx.msk [tilespmem:v60+s14+$0x0], $0xffff  }
0x80: {  	v62 =	vor.u32 v22, v47;
	_ =	sdelay $0x3  }
0x81: {  	[tilespmem:v61+s21+$0x0] =	vst.idx.msk $0xffff, v25  }
0x82: {  	v63 =	vor.u32 v13, v49;
	v25 =	vld.idx.msk [tilespmem:v62+s14+$0x0], $0xffff  }
0x83: {  	v27 =	vor.u32 v23, v47;
	_ =	sdelay $0x3  }
0x84: {  	[tilespmem:v63+s21+$0x0] =	vst.idx.msk $0xffff, v25  }
0x85: {  	v24 =	vor.u32 v15, v49;
	v25 =	vld.idx.msk [tilespmem:v27+s14+$0x0], $0xffff;
	_ =	sdelay $0x4  }
0x86: {  	[tilespmem:v24+s21+$0x0] =	vst.idx.msk $0xffff, v25  }
.LBB2_13:
0x87: {  	s25 =	sadd.s32 $0x1, s25  }
0x88: {  	p0 =	sne.s32 s25, $0x64  }
.Ltmp3:
0x89: {  	_ = 	snop;
	(pc) =	sbr.rel @!p0 .LBB2_14-.Ltmp3, $3  }
0x8a: {  	_ =	sdelay $0x1  }
0x8b: {  	s26 =	sadd.s32 s26, s8  }
0x8c: {  	[hbm4b:s26+s10] =	stream.strided.scatter [tilespmem:s21], [sflag:$0x4], $0x2000, s11, s10, $0x38;
	[tilespmem:$0x1A400] =	vst v63  }
.LBB2_2:
0x8d: {  	s26 =	sand.u32 $0x1, s25  }
0x8e: {  	p0 =	seq.s32 s26, $0x1  }
.Ltmp4:
0x8f: {  	_ = 	snop;
	(pc) =	sbr.rel @!p0 .LBB2_3-.Ltmp4, $1  }
0x90: {  	_ =	sdelay $0x3  }
0x91: {  	_ =	swait.ge [sflag:s16], $0x4000  }
0x92: {  	[sflag:s16] =	ssyncset.done $0x0  }
0x93: {  	p0 =	seq.s32 s25, $0x63;
	[sflag:s16] =	ssyncadd.s32 $0xFFFFC000  }
0x94: {  	s28 =	simm.s32 $0x0;
	s26 =	sshll.u32 @!p0 s25, $0x8;
	_ =	swait.ge [sflag:s16], $0x4000  }
0x95: {  	s30 =	simm.s32 @!p0 $0x80;
	s26 =	sand.u32 @!p0 $0x3FFFFF00, s26;
	[sflag:s16] =	ssyncset.done $0x0  }
0x96: {  	v24 =	vadd.s32 s28, v0;
	s28 =	simm.s32 @!p0 $0x6400;
	s29 =	sadd.s32 @!p0 $0x100, s26;
	[sflag:s16] =	ssyncadd.s32 $0xFFFFC000  }
0x97: {  	v25 =	vand.u32 $0x3F, v24;
	[tilespmem:s28], [sflag:$0x1] =	stream.indirect.gather @!p0 [hbm4b:s5+s30], $0x80, s29, s30, $0xb8;
	[tilespmem:$0x1A400] =	vst v63  }
0x98: {  	s26 =	sadd.s32 @!p0 $0x180, s26;
	v26 =	vor.u32 v1, v25;
	s28 =	simm.s32 @!p0 $0xA400  }
0x99: {  	[tilespmem:s28], [sflag:$0x1] =	stream.indirect.gather @!p0 [hbm4b:s5+s30], $0x80, s26, s30, $0xb8;
	[tilespmem:$0x1A400] =	vst v63  }
0x9a: {  	_ =	swait.ge [sflag:s17], $0x2000  }
0x9b: {  	v24 =	vshll.u32 v24, $0x7;
	[sflag:s17] =	ssyncset.done $0x0  }
0x9c: {  	v24 =	vand.u32 $0x1F80, v24;
	[sflag:s17] =	ssyncadd.s32 $0xFFFFE000  }
0x9d: {  	v27 =	vor.u32 v0, v24;
	v26 =	vld.idx.msk [tilespmem:v26+s18+$0x0], $0xffff  }
0x9e: {  	v28 =	vor.u32 v2, v25;
	_ =	sdelay $0x3  }
0x9f: {  	[tilespmem:v27+s19+$0x0] =	vst.idx.msk $0xffff, v26  }
0xa0: {  	v27 =	vor.u32 v3, v24;
	v26 =	vld.idx.msk [tilespmem:v28+s18+$0x0], $0xffff  }
0xa1: {  	v38 =	vor.u32 v4, v25;
	_ =	sdelay $0x3  }
0xa2: {  	[tilespmem:v27+s19+$0x0] =	vst.idx.msk $0xffff, v26  }
0xa3: {  	v27 =	vor.u32 v5, v24;
	v26 =	vld.idx.msk [tilespmem:v38+s18+$0x0], $0xffff  }
0xa4: {  	v39 =	vor.u32 v6, v25;
	_ =	sdelay $0x3  }
0xa5: {  	[tilespmem:v27+s19+$0x0] =	vst.idx.msk $0xffff, v26  }
0xa6: {  	v27 =	vor.u32 v7, v24;
	v26 =	vld.idx.msk [tilespmem:v39+s18+$0x0], $0xffff  }
0xa7: {  	v40 =	vor.u32 v8, v25;
	_ =	sdelay $0x3  }
0xa8: {  	[tilespmem:v27+s19+$0x0] =	vst.idx.msk $0xffff, v26  }
0xa9: {  	v27 =	vor.u32 v9, v24;
	v26 =	vld.idx.msk [tilespmem:v40+s18+$0x0], $0xffff  }
0xaa: {  	v41 =	vor.u32 v10, v25;
	_ =	sdelay $0x3  }
0xab: {  	[tilespmem:v27+s19+$0x0] =	vst.idx.msk $0xffff, v26  }
0xac: {  	v27 =	vor.u32 v11, v24;
	v26 =	vld.idx.msk [tilespmem:v41+s18+$0x0], $0xffff  }
0xad: {  	v42 =	vor.u32 v12, v25;
	_ =	sdelay $0x3  }
0xae: {  	[tilespmem:v27+s19+$0x0] =	vst.idx.msk $0xffff, v26  }
0xaf: {  	v27 =	vor.u32 v13, v24;
	v26 =	vld.idx.msk [tilespmem:v42+s18+$0x0], $0xffff  }
0xb0: {  	v25 =	vor.u32 v14, v25;
	_ =	sdelay $0x2  }
0xb1: {  	s29 =	simm.s32 $0x1  }
0xb2: {  	[tilespmem:v27+s19+$0x0] =	vst.idx.msk $0xffff, v26;
	v26 =	vadd.s32 s29, v0  }
0xb3: {  	v24 =	vor.u32 v15, v24;
	v25 =	vld.idx.msk [tilespmem:v25+s18+$0x0], $0xffff;
	v27 =	vand.u32 $0x3F, v26  }
0xb4: {  	v43 =	vor.u32 v1, v27;
	_ =	sdelay $0x2  }
0xb5: {  	v26 =	vshll.u32 v26, $0x7  }
0xb6: {  	[tilespmem:v24+s19+$0x0] =	vst.idx.msk $0xffff, v25;
	v24 =	vand.u32 $0x1F80, v26  }
0xb7: {  	v25 =	vld.idx.msk [tilespmem:v43+s18+$0x0], $0xffff;
	v26 =	vor.u32 v0, v24  }
0xb8: {  	v44 =	vor.u32 v2, v27;
	_ =	sdelay $0x3  }
0xb9: {  	[tilespmem:v26+s19+$0x0] =	vst.idx.msk $0xffff, v25  }
0xba: {  	v26 =	vor.u32 v3, v24;
	v25 =	vld.idx.msk [tilespmem:v44+s18+$0x0], $0xffff  }
0xbb: {  	v45 =	vor.u32 v4, v27;
	_ =	sdelay $0x3  }
0xbc: {  	[tilespmem:v26+s19+$0x0] =	vst.idx.msk $0xffff, v25  }
0xbd: {  	v26 =	vor.u32 v5, v24;
	v25 =	vld.idx.msk [tilespmem:v45+s18+$0x0], $0xffff  }
0xbe: {  	v46 =	vor.u32 v6, v27;
	_ =	sdelay $0x3  }
0xbf: {  	[tilespmem:v26+s19+$0x0] =	vst.idx.msk $0xffff, v25  }
0xc0: {  	v26 =	vor.u32 v7, v24;
	v25 =	vld.idx.msk [tilespmem:v46+s18+$0x0], $0xffff  }
0xc1: {  	v47 =	vor.u32 v8, v27;
	_ =	sdelay $0x3  }
0xc2: {  	[tilespmem:v26+s19+$0x0] =	vst.idx.msk $0xffff, v25  }
0xc3: {  	v26 =	vor.u32 v9, v24;
	v25 =	vld.idx.msk [tilespmem:v47+s18+$0x0], $0xffff  }
0xc4: {  	v48 =	vor.u32 v10, v27;
	_ =	sdelay $0x3  }
0xc5: {  	[tilespmem:v26+s19+$0x0] =	vst.idx.msk $0xffff, v25  }
0xc6: {  	v26 =	vor.u32 v11, v24;
	v25 =	vld.idx.msk [tilespmem:v48+s18+$0x0], $0xffff  }
0xc7: {  	v49 =	vor.u32 v12, v27;
	_ =	sdelay $0x3  }
0xc8: {  	[tilespmem:v26+s19+$0x0] =	vst.idx.msk $0xffff, v25  }
0xc9: {  	v26 =	vor.u32 v13, v24;
	v25 =	vld.idx.msk [tilespmem:v49+s18+$0x0], $0xffff  }
0xca: {  	v27 =	vor.u32 v14, v27;
	_ =	sdelay $0x2  }
0xcb: {  	s30 =	simm.s32 $0x2  }
0xcc: {  	[tilespmem:v26+s19+$0x0] =	vst.idx.msk $0xffff, v25;
	v25 =	vadd.s32 s30, v0  }
0xcd: {  	v24 =	vor.u32 v15, v24;
	v26 =	vld.idx.msk [tilespmem:v27+s18+$0x0], $0xffff;
	v27 =	vand.u32 $0x3F, v25  }
0xce: {  	v50 =	vor.u32 v1, v27;
	_ =	sdelay $0x2  }
0xcf: {  	v25 =	vshll.u32 v25, $0x7  }
0xd0: {  	[tilespmem:v24+s19+$0x0] =	vst.idx.msk $0xffff, v26;
	v24 =	vand.u32 $0x1F80, v25  }
0xd1: {  	v25 =	vld.idx.msk [tilespmem:v50+s18+$0x0], $0xffff;
	v26 =	vor.u32 v0, v24  }
0xd2: {  	v51 =	vor.u32 v2, v27;
	_ =	sdelay $0x3  }
0xd3: {  	[tilespmem:v26+s19+$0x0] =	vst.idx.msk $0xffff, v25  }
0xd4: {  	v26 =	vor.u32 v3, v24;
	v25 =	vld.idx.msk [tilespmem:v51+s18+$0x0], $0xffff  }
0xd5: {  	v52 =	vor.u32 v4, v27;
	_ =	sdelay $0x3  }
0xd6: {  	[tilespmem:v26+s19+$0x0] =	vst.idx.msk $0xffff, v25  }
0xd7: {  	v26 =	vor.u32 v5, v24;
	v25 =	vld.idx.msk [tilespmem:v52+s18+$0x0], $0xffff  }
0xd8: {  	v53 =	vor.u32 v6, v27;
	_ =	sdelay $0x3  }
0xd9: {  	[tilespmem:v26+s19+$0x0] =	vst.idx.msk $0xffff, v25  }
0xda: {  	v26 =	vor.u32 v7, v24;
	v25 =	vld.idx.msk [tilespmem:v53+s18+$0x0], $0xffff  }
0xdb: {  	v54 =	vor.u32 v8, v27;
	_ =	sdelay $0x3  }
0xdc: {  	[tilespmem:v26+s19+$0x0] =	vst.idx.msk $0xffff, v25  }
0xdd: {  	v26 =	vor.u32 v9, v24;
	v25 =	vld.idx.msk [tilespmem:v54+s18+$0x0], $0xffff  }
0xde: {  	v55 =	vor.u32 v10, v27;
	_ =	sdelay $0x3  }
0xdf: {  	[tilespmem:v26+s19+$0x0] =	vst.idx.msk $0xffff, v25  }
0xe0: {  	v26 =	vor.u32 v11, v24;
	v25 =	vld.idx.msk [tilespmem:v55+s18+$0x0], $0xffff  }
0xe1: {  	v56 =	vor.u32 v12, v27;
	_ =	sdelay $0x3  }
0xe2: {  	[tilespmem:v26+s19+$0x0] =	vst.idx.msk $0xffff, v25  }
0xe3: {  	v26 =	vor.u32 v13, v24;
	v25 =	vld.idx.msk [tilespmem:v56+s18+$0x0], $0xffff  }
0xe4: {  	v27 =	vor.u32 v14, v27;
	_ =	sdelay $0x2  }
0xe5: {  	s31 =	simm.s32 $0x3  }
0xe6: {  	[tilespmem:v26+s19+$0x0] =	vst.idx.msk $0xffff, v25;
	v25 =	vadd.s32 s31, v0  }
0xe7: {  	v24 =	vor.u32 v15, v24;
	v26 =	vld.idx.msk [tilespmem:v27+s18+$0x0], $0xffff;
	v27 =	vand.u32 $0x3F, v25  }
0xe8: {  	v57 =	vor.u32 v1, v27;
	_ =	sdelay $0x2  }
0xe9: {  	v25 =	vshll.u32 v25, $0x7  }
0xea: {  	[tilespmem:v24+s19+$0x0] =	vst.idx.msk $0xffff, v26;
	v24 =	vand.u32 $0x1F80, v25  }
0xeb: {  	v25 =	vld.idx.msk [tilespmem:v57+s18+$0x0], $0xffff;
	v26 =	vor.u32 v0, v24  }
0xec: {  	v58 =	vor.u32 v2, v27;
	_ =	sdelay $0x3  }
0xed: {  	[tilespmem:v26+s19+$0x0] =	vst.idx.msk $0xffff, v25  }
0xee: {  	v26 =	vor.u32 v3, v24;
	v25 =	vld.idx.msk [tilespmem:v58+s18+$0x0], $0xffff  }
0xef: {  	v59 =	vor.u32 v4, v27;
	_ =	sdelay $0x3  }
0xf0: {  	[tilespmem:v26+s19+$0x0] =	vst.idx.msk $0xffff, v25  }
0xf1: {  	v26 =	vor.u32 v5, v24;
	v25 =	vld.idx.msk [tilespmem:v59+s18+$0x0], $0xffff  }
0xf2: {  	v60 =	vor.u32 v6, v27;
	_ =	sdelay $0x3  }
0xf3: {  	[tilespmem:v26+s19+$0x0] =	vst.idx.msk $0xffff, v25  }
0xf4: {  	v26 =	vor.u32 v7, v24;
	v25 =	vld.idx.msk [tilespmem:v60+s18+$0x0], $0xffff  }
0xf5: {  	v61 =	vor.u32 v8, v27;
	_ =	sdelay $0x3  }
0xf6: {  	[tilespmem:v26+s19+$0x0] =	vst.idx.msk $0xffff, v25  }
0xf7: {  	v26 =	vor.u32 v9, v24;
	v25 =	vld.idx.msk [tilespmem:v61+s18+$0x0], $0xffff  }
0xf8: {  	v62 =	vor.u32 v10, v27;
	_ =	sdelay $0x3  }
0xf9: {  	[tilespmem:v26+s19+$0x0] =	vst.idx.msk $0xffff, v25  }
0xfa: {  	v26 =	vor.u32 v11, v24;
	v25 =	vld.idx.msk [tilespmem:v62+s18+$0x0], $0xffff  }
0xfb: {  	v63 =	vor.u32 v12, v27;
	_ =	sdelay $0x3  }
0xfc: {  	[tilespmem:v26+s19+$0x0] =	vst.idx.msk $0xffff, v25  }
0xfd: {  	v26 =	vor.u32 v13, v24;
	v25 =	vld.idx.msk [tilespmem:v63+s18+$0x0], $0xffff  }
0xfe: {  	v27 =	vor.u32 v14, v27;
	_ =	sdelay $0x3  }
0xff: {  	s26 =	simm.s32 $0x4;
	[tilespmem:v26+s19+$0x0] =	vst.idx.msk $0xffff, v25  }
0x100: {  	s28 =	simm.s32 $0x8;
	v25 =	vadd.s32 s26, v0;
	v26 =	vld.idx.msk [tilespmem:v27+s18+$0x0], $0xffff  }
.LBB2_9:
0x101: {  	p0 =	slt.u32 s28, $0x3C;
	v27 =	vand.u32 $0x3F, v25;
	v24 =	vor.u32 v15, v24  }
0x102: {  	v28 =	vor.u32 v1, v27;
	_ =	sdelay $0x3  }
0x103: {  	v25 =	vshll.u32 v25, $0x7;
	[tilespmem:v24+s19+$0x0] =	vst.idx.msk $0xffff, v26  }
0x104: {  	v25 =	vand.u32 $0x1F80, v25;
	v24 =	vld.idx.msk [tilespmem:v28+s18+$0x0], $0xffff  }
0x105: {  	v26 =	vor.u32 v0, v25  }
0x106: {  	v28 =	vor.u32 v2, v27;
	_ =	sdelay $0x3  }
0x107: {  	[tilespmem:v26+s19+$0x0] =	vst.idx.msk $0xffff, v24  }
0x108: {  	v24 =	vld.idx.msk [tilespmem:v28+s18+$0x0], $0xffff  }
0x109: {  	v26 =	vor.u32 v3, v25  }
0x10a: {  	v28 =	vor.u32 v4, v27;
	_ =	sdelay $0x3  }
0x10b: {  	[tilespmem:v26+s19+$0x0] =	vst.idx.msk $0xffff, v24  }
0x10c: {  	v24 =	vld.idx.msk [tilespmem:v28+s18+$0x0], $0xffff  }
0x10d: {  	v26 =	vor.u32 v5, v25  }
0x10e: {  	v28 =	vor.u32 v6, v27;
	_ =	sdelay $0x3  }
0x10f: {  	[tilespmem:v26+s19+$0x0] =	vst.idx.msk $0xffff, v24  }
0x110: {  	v24 =	vld.idx.msk [tilespmem:v28+s18+$0x0], $0xffff  }
0x111: {  	v26 =	vor.u32 v7, v25  }
0x112: {  	v28 =	vor.u32 v8, v27;
	_ =	sdelay $0x3  }
0x113: {  	[tilespmem:v26+s19+$0x0] =	vst.idx.msk $0xffff, v24  }
0x114: {  	v24 =	vld.idx.msk [tilespmem:v28+s18+$0x0], $0xffff  }
0x115: {  	v26 =	vor.u32 v9, v25  }
0x116: {  	v28 =	vor.u32 v10, v27;
	_ =	sdelay $0x3  }
0x117: {  	[tilespmem:v26+s19+$0x0] =	vst.idx.msk $0xffff, v24  }
0x118: {  	v24 =	vld.idx.msk [tilespmem:v28+s18+$0x0], $0xffff  }
0x119: {  	v26 =	vor.u32 v11, v25  }
0x11a: {  	v28 =	vor.u32 v12, v27;
	_ =	sdelay $0x3  }
0x11b: {  	[tilespmem:v26+s19+$0x0] =	vst.idx.msk $0xffff, v24  }
0x11c: {  	v24 =	vld.idx.msk [tilespmem:v28+s18+$0x0], $0xffff  }
0x11d: {  	v26 =	vor.u32 v13, v25  }
0x11e: {  	v27 =	vor.u32 v14, v27;
	_ =	sdelay $0x3  }
0x11f: {  	s29 =	sadd.s32 $0x1, s26;
	[tilespmem:v26+s19+$0x0] =	vst.idx.msk $0xffff, v24  }
0x120: {  	v26 =	vadd.s32 s29, v0;
	v24 =	vld.idx.msk [tilespmem:v27+s18+$0x0], $0xffff  }
0x121: {  	v25 =	vor.u32 v15, v25;
	v27 =	vand.u32 $0x3F, v26  }
0x122: {  	v28 =	vor.u32 v1, v27;
	_ =	sdelay $0x3  }
0x123: {  	[tilespmem:v25+s19+$0x0] =	vst.idx.msk $0xffff, v24;
	v24 =	vshll.u32 v26, $0x7  }
0x124: {  	v25 =	vld.idx.msk [tilespmem:v28+s18+$0x0], $0xffff;
	v24 =	vand.u32 $0x1F80, v24  }
0x125: {  	v26 =	vor.u32 v0, v24  }
0x126: {  	v28 =	vor.u32 v2, v27;
	_ =	sdelay $0x3  }
0x127: {  	[tilespmem:v26+s19+$0x0] =	vst.idx.msk $0xffff, v25  }
0x128: {  	v25 =	vld.idx.msk [tilespmem:v28+s18+$0x0], $0xffff  }
0x129: {  	v26 =	vor.u32 v3, v24  }
0x12a: {  	v28 =	vor.u32 v4, v27;
	_ =	sdelay $0x3  }
0x12b: {  	[tilespmem:v26+s19+$0x0] =	vst.idx.msk $0xffff, v25  }
0x12c: {  	v25 =	vld.idx.msk [tilespmem:v28+s18+$0x0], $0xffff  }
0x12d: {  	v26 =	vor.u32 v5, v24  }
0x12e: {  	v28 =	vor.u32 v6, v27;
	_ =	sdelay $0x3  }
0x12f: {  	[tilespmem:v26+s19+$0x0] =	vst.idx.msk $0xffff, v25  }
0x130: {  	v25 =	vld.idx.msk [tilespmem:v28+s18+$0x0], $0xffff  }
0x131: {  	v26 =	vor.u32 v7, v24  }
0x132: {  	v28 =	vor.u32 v8, v27;
	_ =	sdelay $0x3  }
0x133: {  	[tilespmem:v26+s19+$0x0] =	vst.idx.msk $0xffff, v25  }
0x134: {  	v25 =	vld.idx.msk [tilespmem:v28+s18+$0x0], $0xffff  }
0x135: {  	v26 =	vor.u32 v9, v24  }
0x136: {  	v28 =	vor.u32 v10, v27;
	_ =	sdelay $0x3  }
0x137: {  	[tilespmem:v26+s19+$0x0] =	vst.idx.msk $0xffff, v25  }
0x138: {  	v25 =	vld.idx.msk [tilespmem:v28+s18+$0x0], $0xffff  }
0x139: {  	v26 =	vor.u32 v11, v24  }
0x13a: {  	v28 =	vor.u32 v12, v27;
	_ =	sdelay $0x3  }
0x13b: {  	[tilespmem:v26+s19+$0x0] =	vst.idx.msk $0xffff, v25  }
0x13c: {  	v25 =	vld.idx.msk [tilespmem:v28+s18+$0x0], $0xffff  }
0x13d: {  	v26 =	vor.u32 v13, v24  }
0x13e: {  	v27 =	vor.u32 v14, v27;
	_ =	sdelay $0x3  }
0x13f: {  	s29 =	sadd.s32 $0x2, s26;
	[tilespmem:v26+s19+$0x0] =	vst.idx.msk $0xffff, v25  }
0x140: {  	v26 =	vadd.s32 s29, v0;
	v25 =	vld.idx.msk [tilespmem:v27+s18+$0x0], $0xffff  }
0x141: {  	v24 =	vor.u32 v15, v24;
	v27 =	vand.u32 $0x3F, v26  }
0x142: {  	v28 =	vor.u32 v1, v27;
	_ =	sdelay $0x3  }
0x143: {  	[tilespmem:v24+s19+$0x0] =	vst.idx.msk $0xffff, v25;
	v24 =	vshll.u32 v26, $0x7  }
0x144: {  	v25 =	vld.idx.msk [tilespmem:v28+s18+$0x0], $0xffff;
	v24 =	vand.u32 $0x1F80, v24  }
0x145: {  	v26 =	vor.u32 v0, v24  }
0x146: {  	v28 =	vor.u32 v2, v27;
	_ =	sdelay $0x3  }
0x147: {  	[tilespmem:v26+s19+$0x0] =	vst.idx.msk $0xffff, v25  }
0x148: {  	v25 =	vld.idx.msk [tilespmem:v28+s18+$0x0], $0xffff  }
0x149: {  	v26 =	vor.u32 v3, v24  }
0x14a: {  	v28 =	vor.u32 v4, v27;
	_ =	sdelay $0x3  }
0x14b: {  	[tilespmem:v26+s19+$0x0] =	vst.idx.msk $0xffff, v25  }
0x14c: {  	v25 =	vld.idx.msk [tilespmem:v28+s18+$0x0], $0xffff  }
0x14d: {  	v26 =	vor.u32 v5, v24  }
0x14e: {  	v28 =	vor.u32 v6, v27;
	_ =	sdelay $0x3  }
0x14f: {  	[tilespmem:v26+s19+$0x0] =	vst.idx.msk $0xffff, v25  }
0x150: {  	v25 =	vld.idx.msk [tilespmem:v28+s18+$0x0], $0xffff  }
0x151: {  	v26 =	vor.u32 v7, v24  }
0x152: {  	v28 =	vor.u32 v8, v27;
	_ =	sdelay $0x3  }
0x153: {  	[tilespmem:v26+s19+$0x0] =	vst.idx.msk $0xffff, v25  }
0x154: {  	v25 =	vld.idx.msk [tilespmem:v28+s18+$0x0], $0xffff  }
0x155: {  	v26 =	vor.u32 v9, v24  }
0x156: {  	v28 =	vor.u32 v10, v27;
	_ =	sdelay $0x3  }
0x157: {  	[tilespmem:v26+s19+$0x0] =	vst.idx.msk $0xffff, v25  }
0x158: {  	v25 =	vld.idx.msk [tilespmem:v28+s18+$0x0], $0xffff  }
0x159: {  	v26 =	vor.u32 v11, v24  }
0x15a: {  	v28 =	vor.u32 v12, v27;
	_ =	sdelay $0x3  }
0x15b: {  	[tilespmem:v26+s19+$0x0] =	vst.idx.msk $0xffff, v25  }
0x15c: {  	v25 =	vld.idx.msk [tilespmem:v28+s18+$0x0], $0xffff  }
0x15d: {  	v26 =	vor.u32 v13, v24  }
0x15e: {  	v27 =	vor.u32 v14, v27;
	_ =	sdelay $0x3  }
0x15f: {  	s29 =	sadd.s32 $0x3, s26;
	s26 =	smov.u32 s28;
	[tilespmem:v26+s19+$0x0] =	vst.idx.msk $0xffff, v25  }
0x160: {  	v26 =	vadd.s32 s29, v0;
	v25 =	vld.idx.msk [tilespmem:v27+s18+$0x0], $0xffff  }
0x161: {  	v24 =	vor.u32 v15, v24;
	v27 =	vand.u32 $0x3F, v26  }
0x162: {  	v28 =	vor.u32 v1, v27;
	_ =	sdelay $0x3  }
0x163: {  	[tilespmem:v24+s19+$0x0] =	vst.idx.msk $0xffff, v25;
	v24 =	vshll.u32 v26, $0x7  }
0x164: {  	v25 =	vld.idx.msk [tilespmem:v28+s18+$0x0], $0xffff;
	v24 =	vand.u32 $0x1F80, v24  }
0x165: {  	v26 =	vor.u32 v0, v24  }
0x166: {  	v28 =	vor.u32 v2, v27;
	_ =	sdelay $0x3  }
0x167: {  	[tilespmem:v26+s19+$0x0] =	vst.idx.msk $0xffff, v25  }
0x168: {  	v25 =	vld.idx.msk [tilespmem:v28+s18+$0x0], $0xffff  }
0x169: {  	v26 =	vor.u32 v3, v24  }
0x16a: {  	v28 =	vor.u32 v4, v27;
	_ =	sdelay $0x3  }
0x16b: {  	[tilespmem:v26+s19+$0x0] =	vst.idx.msk $0xffff, v25  }
0x16c: {  	v25 =	vld.idx.msk [tilespmem:v28+s18+$0x0], $0xffff  }
0x16d: {  	v26 =	vor.u32 v5, v24  }
0x16e: {  	v28 =	vor.u32 v6, v27;
	_ =	sdelay $0x3  }
0x16f: {  	[tilespmem:v26+s19+$0x0] =	vst.idx.msk $0xffff, v25  }
0x170: {  	v25 =	vld.idx.msk [tilespmem:v28+s18+$0x0], $0xffff  }
0x171: {  	v26 =	vor.u32 v7, v24  }
0x172: {  	v28 =	vor.u32 v8, v27;
	_ =	sdelay $0x3  }
0x173: {  	[tilespmem:v26+s19+$0x0] =	vst.idx.msk $0xffff, v25  }
0x174: {  	v25 =	vld.idx.msk [tilespmem:v28+s18+$0x0], $0xffff  }
0x175: {  	v26 =	vor.u32 v9, v24  }
0x176: {  	v28 =	vor.u32 v10, v27;
	_ =	sdelay $0x3  }
0x177: {  	[tilespmem:v26+s19+$0x0] =	vst.idx.msk $0xffff, v25  }
0x178: {  	v25 =	vld.idx.msk [tilespmem:v28+s18+$0x0], $0xffff  }
0x179: {  	v26 =	vor.u32 v11, v24  }
0x17a: {  	v28 =	vor.u32 v12, v27;
	_ =	sdelay $0x3  }
0x17b: {  	[tilespmem:v26+s19+$0x0] =	vst.idx.msk $0xffff, v25  }
0x17c: {  	v25 =	vld.idx.msk [tilespmem:v28+s18+$0x0], $0xffff  }
0x17d: {  	v26 =	vor.u32 v13, v24  }
0x17e: {  	v27 =	vor.u32 v14, v27  }
.Ltmp5:
0x17f: {  	(pc) =	sbr.rel @p0 .LBB2_9-.Ltmp5, $3  }
0x180: {  	_ =	sdelay $0x1  }
0x181: {  	[tilespmem:v26+s19+$0x0] =	vst.idx.msk $0xffff, v25  }
0x182: {  	s28 =	sadd.s32 $0x4, s28;
	v25 =	vadd.s32 s26, v0;
	v26 =	vld.idx.msk [tilespmem:v27+s18+$0x0], $0xffff  }
0x183: {  	v27 =	vand.u32 $0x3F, v25;
	v24 =	vor.u32 v15, v24  }
0x184: {  	v28 =	vor.u32 v1, v27;
	_ =	sdelay $0x2  }
0x185: {  	v25 =	vshll.u32 v25, $0x7  }
0x186: {  	[tilespmem:v24+s19+$0x0] =	vst.idx.msk $0xffff, v26;
	v24 =	vand.u32 $0x1F80, v25  }
0x187: {  	v25 =	vld.idx.msk [tilespmem:v28+s18+$0x0], $0xffff;
	v26 =	vor.u32 v0, v24  }
0x188: {  	v42 =	vor.u32 v2, v27;
	_ =	sdelay $0x3  }
0x189: {  	[tilespmem:v26+s19+$0x0] =	vst.idx.msk $0xffff, v25  }
0x18a: {  	v26 =	vor.u32 v3, v24;
	v25 =	vld.idx.msk [tilespmem:v42+s18+$0x0], $0xffff  }
0x18b: {  	v43 =	vor.u32 v4, v27;
	_ =	sdelay $0x3  }
0x18c: {  	[tilespmem:v26+s19+$0x0] =	vst.idx.msk $0xffff, v25  }
0x18d: {  	v26 =	vor.u32 v5, v24;
	v25 =	vld.idx.msk [tilespmem:v43+s18+$0x0], $0xffff  }
0x18e: {  	v44 =	vor.u32 v6, v27;
	_ =	sdelay $0x3  }
0x18f: {  	[tilespmem:v26+s19+$0x0] =	vst.idx.msk $0xffff, v25  }
0x190: {  	v26 =	vor.u32 v7, v24;
	v25 =	vld.idx.msk [tilespmem:v44+s18+$0x0], $0xffff  }
0x191: {  	v45 =	vor.u32 v8, v27;
	_ =	sdelay $0x3  }
0x192: {  	[tilespmem:v26+s19+$0x0] =	vst.idx.msk $0xffff, v25  }
0x193: {  	v26 =	vor.u32 v9, v24;
	v25 =	vld.idx.msk [tilespmem:v45+s18+$0x0], $0xffff  }
0x194: {  	v46 =	vor.u32 v10, v27;
	_ =	sdelay $0x3  }
0x195: {  	[tilespmem:v26+s19+$0x0] =	vst.idx.msk $0xffff, v25  }
0x196: {  	v26 =	vor.u32 v11, v24;
	v25 =	vld.idx.msk [tilespmem:v46+s18+$0x0], $0xffff  }
0x197: {  	v47 =	vor.u32 v12, v27;
	_ =	sdelay $0x3  }
0x198: {  	[tilespmem:v26+s19+$0x0] =	vst.idx.msk $0xffff, v25  }
0x199: {  	v26 =	vor.u32 v13, v24;
	v25 =	vld.idx.msk [tilespmem:v47+s18+$0x0], $0xffff  }
0x19a: {  	v27 =	vor.u32 v14, v27;
	_ =	sdelay $0x2  }
0x19b: {  	s28 =	sadd.s32 $0x1, s26  }
0x19c: {  	[tilespmem:v26+s19+$0x0] =	vst.idx.msk $0xffff, v25;
	v25 =	vadd.s32 s28, v0  }
0x19d: {  	v24 =	vor.u32 v15, v24;
	v26 =	vld.idx.msk [tilespmem:v27+s18+$0x0], $0xffff;
	v27 =	vand.u32 $0x3F, v25  }
0x19e: {  	v48 =	vor.u32 v1, v27;
	_ =	sdelay $0x2  }
0x19f: {  	v25 =	vshll.u32 v25, $0x7  }
0x1a0: {  	[tilespmem:v24+s19+$0x0] =	vst.idx.msk $0xffff, v26;
	v24 =	vand.u32 $0x1F80, v25  }
0x1a1: {  	v25 =	vld.idx.msk [tilespmem:v48+s18+$0x0], $0xffff;
	v26 =	vor.u32 v0, v24  }
0x1a2: {  	v49 =	vor.u32 v2, v27;
	_ =	sdelay $0x3  }
0x1a3: {  	[tilespmem:v26+s19+$0x0] =	vst.idx.msk $0xffff, v25  }
0x1a4: {  	v26 =	vor.u32 v3, v24;
	v25 =	vld.idx.msk [tilespmem:v49+s18+$0x0], $0xffff  }
0x1a5: {  	v50 =	vor.u32 v4, v27;
	_ =	sdelay $0x3  }
0x1a6: {  	[tilespmem:v26+s19+$0x0] =	vst.idx.msk $0xffff, v25  }
0x1a7: {  	v26 =	vor.u32 v5, v24;
	v25 =	vld.idx.msk [tilespmem:v50+s18+$0x0], $0xffff  }
0x1a8: {  	v51 =	vor.u32 v6, v27;
	_ =	sdelay $0x3  }
0x1a9: {  	[tilespmem:v26+s19+$0x0] =	vst.idx.msk $0xffff, v25  }
0x1aa: {  	v26 =	vor.u32 v7, v24;
	v25 =	vld.idx.msk [tilespmem:v51+s18+$0x0], $0xffff  }
0x1ab: {  	v52 =	vor.u32 v8, v27;
	_ =	sdelay $0x3  }
0x1ac: {  	[tilespmem:v26+s19+$0x0] =	vst.idx.msk $0xffff, v25  }
0x1ad: {  	v26 =	vor.u32 v9, v24;
	v25 =	vld.idx.msk [tilespmem:v52+s18+$0x0], $0xffff  }
0x1ae: {  	v53 =	vor.u32 v10, v27;
	_ =	sdelay $0x3  }
0x1af: {  	[tilespmem:v26+s19+$0x0] =	vst.idx.msk $0xffff, v25  }
0x1b0: {  	v26 =	vor.u32 v11, v24;
	v25 =	vld.idx.msk [tilespmem:v53+s18+$0x0], $0xffff  }
0x1b1: {  	v54 =	vor.u32 v12, v27;
	_ =	sdelay $0x3  }
0x1b2: {  	[tilespmem:v26+s19+$0x0] =	vst.idx.msk $0xffff, v25  }
0x1b3: {  	v26 =	vor.u32 v13, v24;
	v25 =	vld.idx.msk [tilespmem:v54+s18+$0x0], $0xffff  }
0x1b4: {  	v27 =	vor.u32 v14, v27;
	_ =	sdelay $0x2  }
0x1b5: {  	s28 =	sadd.s32 $0x2, s26  }
0x1b6: {  	[tilespmem:v26+s19+$0x0] =	vst.idx.msk $0xffff, v25;
	v25 =	vadd.s32 s28, v0  }
0x1b7: {  	v24 =	vor.u32 v15, v24;
	v26 =	vld.idx.msk [tilespmem:v27+s18+$0x0], $0xffff;
	v27 =	vand.u32 $0x3F, v25  }
0x1b8: {  	v55 =	vor.u32 v1, v27;
	_ =	sdelay $0x2  }
0x1b9: {  	v25 =	vshll.u32 v25, $0x7  }
0x1ba: {  	[tilespmem:v24+s19+$0x0] =	vst.idx.msk $0xffff, v26;
	v24 =	vand.u32 $0x1F80, v25  }
0x1bb: {  	v25 =	vld.idx.msk [tilespmem:v55+s18+$0x0], $0xffff;
	v26 =	vor.u32 v0, v24  }
0x1bc: {  	v56 =	vor.u32 v2, v27;
	_ =	sdelay $0x3  }
0x1bd: {  	[tilespmem:v26+s19+$0x0] =	vst.idx.msk $0xffff, v25  }
0x1be: {  	v26 =	vor.u32 v3, v24;
	v25 =	vld.idx.msk [tilespmem:v56+s18+$0x0], $0xffff  }
0x1bf: {  	v57 =	vor.u32 v4, v27;
	_ =	sdelay $0x3  }
0x1c0: {  	[tilespmem:v26+s19+$0x0] =	vst.idx.msk $0xffff, v25  }
0x1c1: {  	v26 =	vor.u32 v5, v24;
	v25 =	vld.idx.msk [tilespmem:v57+s18+$0x0], $0xffff  }
0x1c2: {  	v58 =	vor.u32 v6, v27;
	_ =	sdelay $0x3  }
0x1c3: {  	[tilespmem:v26+s19+$0x0] =	vst.idx.msk $0xffff, v25  }
0x1c4: {  	v26 =	vor.u32 v7, v24;
	v25 =	vld.idx.msk [tilespmem:v58+s18+$0x0], $0xffff  }
0x1c5: {  	v59 =	vor.u32 v8, v27;
	_ =	sdelay $0x3  }
0x1c6: {  	[tilespmem:v26+s19+$0x0] =	vst.idx.msk $0xffff, v25  }
0x1c7: {  	v26 =	vor.u32 v9, v24;
	v25 =	vld.idx.msk [tilespmem:v59+s18+$0x0], $0xffff  }
0x1c8: {  	v60 =	vor.u32 v10, v27;
	_ =	sdelay $0x3  }
0x1c9: {  	[tilespmem:v26+s19+$0x0] =	vst.idx.msk $0xffff, v25  }
0x1ca: {  	v26 =	vor.u32 v11, v24;
	v25 =	vld.idx.msk [tilespmem:v60+s18+$0x0], $0xffff  }
0x1cb: {  	v61 =	vor.u32 v12, v27;
	_ =	sdelay $0x3  }
0x1cc: {  	[tilespmem:v26+s19+$0x0] =	vst.idx.msk $0xffff, v25  }
0x1cd: {  	v26 =	vor.u32 v13, v24;
	v25 =	vld.idx.msk [tilespmem:v61+s18+$0x0], $0xffff  }
0x1ce: {  	v27 =	vor.u32 v14, v27;
	_ =	sdelay $0x2  }
0x1cf: {  	s30 =	sadd.s32 $0x3, s26  }
0x1d0: {  	[tilespmem:v26+s19+$0x0] =	vst.idx.msk $0xffff, v25;
	v25 =	vadd.s32 s30, v0  }
0x1d1: {  	v24 =	vor.u32 v15, v24;
	v26 =	vld.idx.msk [tilespmem:v27+s18+$0x0], $0xffff;
	v27 =	vand.u32 $0x3F, v25  }
0x1d2: {  	v62 =	vor.u32 v1, v27;
	_ =	sdelay $0x2  }
0x1d3: {  	v25 =	vshll.u32 v25, $0x7  }
0x1d4: {  	[tilespmem:v24+s19+$0x0] =	vst.idx.msk $0xffff, v26;
	v24 =	vand.u32 $0x1F80, v25  }
0x1d5: {  	v25 =	vld.idx.msk [tilespmem:v62+s18+$0x0], $0xffff;
	v26 =	vor.u32 v0, v24  }
0x1d6: {  	v63 =	vor.u32 v2, v27;
	_ =	sdelay $0x3  }
0x1d7: {  	[tilespmem:v26+s19+$0x0] =	vst.idx.msk $0xffff, v25  }
0x1d8: {  	v26 =	vor.u32 v3, v24;
	v25 =	vld.idx.msk [tilespmem:v63+s18+$0x0], $0xffff  }
0x1d9: {  	v32 =	vor.u32 v4, v27;
	_ =	sdelay $0x3  }
0x1da: {  	[tilespmem:v26+s19+$0x0] =	vst.idx.msk $0xffff, v25  }
0x1db: {  	v26 =	vor.u32 v5, v24;
	v25 =	vld.idx.msk [tilespmem:v32+s18+$0x0], $0xffff  }
0x1dc: {  	v33 =	vor.u32 v6, v27;
	_ =	sdelay $0x3  }
0x1dd: {  	[tilespmem:v26+s19+$0x0] =	vst.idx.msk $0xffff, v25  }
0x1de: {  	v26 =	vor.u32 v7, v24;
	v25 =	vld.idx.msk [tilespmem:v33+s18+$0x0], $0xffff  }
0x1df: {  	v34 =	vor.u32 v8, v27;
	_ =	sdelay $0x3  }
0x1e0: {  	[tilespmem:v26+s19+$0x0] =	vst.idx.msk $0xffff, v25  }
0x1e1: {  	v26 =	vor.u32 v9, v24;
	v25 =	vld.idx.msk [tilespmem:v34+s18+$0x0], $0xffff  }
0x1e2: {  	v35 =	vor.u32 v10, v27;
	_ =	sdelay $0x3  }
0x1e3: {  	[tilespmem:v26+s19+$0x0] =	vst.idx.msk $0xffff, v25  }
0x1e4: {  	v26 =	vor.u32 v11, v24;
	v25 =	vld.idx.msk [tilespmem:v35+s18+$0x0], $0xffff  }
0x1e5: {  	v36 =	vor.u32 v12, v27;
	_ =	sdelay $0x3  }
0x1e6: {  	[tilespmem:v26+s19+$0x0] =	vst.idx.msk $0xffff, v25  }
0x1e7: {  	v26 =	vor.u32 v13, v24;
	v25 =	vld.idx.msk [tilespmem:v36+s18+$0x0], $0xffff  }
0x1e8: {  	v27 =	vor.u32 v14, v27;
	_ =	sdelay $0x3  }
0x1e9: {  	[tilespmem:v26+s19+$0x0] =	vst.idx.msk $0xffff, v25  }
0x1ea: {  	v24 =	vor.u32 v15, v24;
	v25 =	vld.idx.msk [tilespmem:v27+s18+$0x0], $0xffff;
	_ =	sdelay $0x1  }
0x1eb: {  	s31 =	simm.s32 $0x0  }
0x1ec: {  	s28 =	sshll.u32 s25, $0x10;
	v26 =	vadd.s32 s31, v0  }
0x1ed: {  	s26 =	sor.u32 s4, s28;
	v27 =	vand.u32 $0x3F, v26  }
0x1ee: {  	s28 =	sadd.s32 s2, s26;
	[tilespmem:v24+s19+$0x0] =	vst.idx.msk $0xffff, v25;
	v24 =	vor.u32 v16, v27  }
0x1ef: {  	[hbm4b:s28+s10] =	stream.strided.scatter [tilespmem:s19], [sflag:$0x3], $0x2000, s11, s10, $0x38;
	[tilespmem:$0x1A400] =	vst v63  }
0x1f0: {  	_ =	swait.ge [sflag:s20], $0x2000  }
0x1f1: {  	v25 =	vshll.u32 v26, $0x7;
	[sflag:s20] =	ssyncset.done $0x0  }
0x1f2: {  	v25 =	vand.u32 $0x1F80, v25;
	[sflag:s20] =	ssyncadd.s32 $0xFFFFE000  }
0x1f3: {  	v26 =	vor.u32 v0, v25;
	v24 =	vld.idx.msk [tilespmem:v24+s18+$0x0], $0xffff  }
0x1f4: {  	v37 =	vor.u32 v17, v27;
	_ =	sdelay $0x3  }
0x1f5: {  	[tilespmem:v26+s21+$0x0] =	vst.idx.msk $0xffff, v24  }
0x1f6: {  	v26 =	vor.u32 v3, v25;
	v24 =	vld.idx.msk [tilespmem:v37+s18+$0x0], $0xffff  }
0x1f7: {  	v38 =	vor.u32 v18, v27;
	_ =	sdelay $0x3  }
0x1f8: {  	[tilespmem:v26+s21+$0x0] =	vst.idx.msk $0xffff, v24  }
0x1f9: {  	v26 =	vor.u32 v5, v25;
	v24 =	vld.idx.msk [tilespmem:v38+s18+$0x0], $0xffff  }
0x1fa: {  	v39 =	vor.u32 v19, v27;
	_ =	sdelay $0x3  }
0x1fb: {  	[tilespmem:v26+s21+$0x0] =	vst.idx.msk $0xffff, v24  }
0x1fc: {  	v26 =	vor.u32 v7, v25;
	v24 =	vld.idx.msk [tilespmem:v39+s18+$0x0], $0xffff  }
0x1fd: {  	v40 =	vor.u32 v20, v27;
	_ =	sdelay $0x3  }
0x1fe: {  	[tilespmem:v26+s21+$0x0] =	vst.idx.msk $0xffff, v24  }
0x1ff: {  	v26 =	vor.u32 v9, v25;
	v24 =	vld.idx.msk [tilespmem:v40+s18+$0x0], $0xffff  }
0x200: {  	v41 =	vor.u32 v21, v27;
	_ =	sdelay $0x3  }
0x201: {  	[tilespmem:v26+s21+$0x0] =	vst.idx.msk $0xffff, v24  }
0x202: {  	v26 =	vor.u32 v11, v25;
	v24 =	vld.idx.msk [tilespmem:v41+s18+$0x0], $0xffff  }
0x203: {  	v42 =	vor.u32 v22, v27;
	_ =	sdelay $0x3  }
0x204: {  	[tilespmem:v26+s21+$0x0] =	vst.idx.msk $0xffff, v24  }
0x205: {  	v26 =	vor.u32 v13, v25;
	v24 =	vld.idx.msk [tilespmem:v42+s18+$0x0], $0xffff  }
0x206: {  	v27 =	vor.u32 v23, v27;
	_ =	sdelay $0x2  }
0x207: {  	s28 =	simm.s32 $0x1  }
0x208: {  	[tilespmem:v26+s21+$0x0] =	vst.idx.msk $0xffff, v24;
	v24 =	vadd.s32 s28, v0  }
0x209: {  	v25 =	vor.u32 v15, v25;
	v26 =	vld.idx.msk [tilespmem:v27+s18+$0x0], $0xffff;
	v27 =	vand.u32 $0x3F, v24  }
0x20a: {  	v43 =	vor.u32 v16, v27;
	_ =	sdelay $0x2  }
0x20b: {  	v24 =	vshll.u32 v24, $0x7  }
0x20c: {  	v24 =	vand.u32 $0x1F80, v24;
	[tilespmem:v25+s21+$0x0] =	vst.idx.msk $0xffff, v26  }
0x20d: {  	v26 =	vor.u32 v0, v24;
	v25 =	vld.idx.msk [tilespmem:v43+s18+$0x0], $0xffff  }
0x20e: {  	v44 =	vor.u32 v17, v27;
	_ =	sdelay $0x3  }
0x20f: {  	[tilespmem:v26+s21+$0x0] =	vst.idx.msk $0xffff, v25  }
0x210: {  	v26 =	vor.u32 v3, v24;
	v25 =	vld.idx.msk [tilespmem:v44+s18+$0x0], $0xffff  }
0x211: {  	v45 =	vor.u32 v18, v27;
	_ =	sdelay $0x3  }
0x212: {  	[tilespmem:v26+s21+$0x0] =	vst.idx.msk $0xffff, v25  }
0x213: {  	v26 =	vor.u32 v5, v24;
	v25 =	vld.idx.msk [tilespmem:v45+s18+$0x0], $0xffff  }
0x214: {  	v46 =	vor.u32 v19, v27;
	_ =	sdelay $0x3  }
0x215: {  	[tilespmem:v26+s21+$0x0] =	vst.idx.msk $0xffff, v25  }
0x216: {  	v26 =	vor.u32 v7, v24;
	v25 =	vld.idx.msk [tilespmem:v46+s18+$0x0], $0xffff  }
0x217: {  	v47 =	vor.u32 v20, v27;
	_ =	sdelay $0x3  }
0x218: {  	[tilespmem:v26+s21+$0x0] =	vst.idx.msk $0xffff, v25  }
0x219: {  	v26 =	vor.u32 v9, v24;
	v25 =	vld.idx.msk [tilespmem:v47+s18+$0x0], $0xffff  }
0x21a: {  	v48 =	vor.u32 v21, v27;
	_ =	sdelay $0x3  }
0x21b: {  	[tilespmem:v26+s21+$0x0] =	vst.idx.msk $0xffff, v25  }
0x21c: {  	v26 =	vor.u32 v11, v24;
	v25 =	vld.idx.msk [tilespmem:v48+s18+$0x0], $0xffff  }
0x21d: {  	v49 =	vor.u32 v22, v27;
	_ =	sdelay $0x3  }
0x21e: {  	[tilespmem:v26+s21+$0x0] =	vst.idx.msk $0xffff, v25  }
0x21f: {  	v26 =	vor.u32 v13, v24;
	v25 =	vld.idx.msk [tilespmem:v49+s18+$0x0], $0xffff  }
0x220: {  	v27 =	vor.u32 v23, v27;
	_ =	sdelay $0x2  }
0x221: {  	s28 =	simm.s32 $0x2  }
0x222: {  	[tilespmem:v26+s21+$0x0] =	vst.idx.msk $0xffff, v25;
	v25 =	vadd.s32 s28, v0  }
0x223: {  	v24 =	vor.u32 v15, v24;
	v26 =	vld.idx.msk [tilespmem:v27+s18+$0x0], $0xffff;
	v27 =	vand.u32 $0x3F, v25  }
0x224: {  	v50 =	vor.u32 v16, v27;
	_ =	sdelay $0x2  }
0x225: {  	v25 =	vshll.u32 v25, $0x7  }
0x226: {  	[tilespmem:v24+s21+$0x0] =	vst.idx.msk $0xffff, v26;
	v24 =	vand.u32 $0x1F80, v25  }
0x227: {  	v25 =	vld.idx.msk [tilespmem:v50+s18+$0x0], $0xffff;
	v26 =	vor.u32 v0, v24  }
0x228: {  	v51 =	vor.u32 v17, v27;
	_ =	sdelay $0x3  }
0x229: {  	[tilespmem:v26+s21+$0x0] =	vst.idx.msk $0xffff, v25  }
0x22a: {  	v26 =	vor.u32 v3, v24;
	v25 =	vld.idx.msk [tilespmem:v51+s18+$0x0], $0xffff  }
0x22b: {  	v52 =	vor.u32 v18, v27;
	_ =	sdelay $0x3  }
0x22c: {  	[tilespmem:v26+s21+$0x0] =	vst.idx.msk $0xffff, v25  }
0x22d: {  	v26 =	vor.u32 v5, v24;
	v25 =	vld.idx.msk [tilespmem:v52+s18+$0x0], $0xffff  }
0x22e: {  	v53 =	vor.u32 v19, v27;
	_ =	sdelay $0x3  }
0x22f: {  	[tilespmem:v26+s21+$0x0] =	vst.idx.msk $0xffff, v25  }
0x230: {  	v26 =	vor.u32 v7, v24;
	v25 =	vld.idx.msk [tilespmem:v53+s18+$0x0], $0xffff  }
0x231: {  	v54 =	vor.u32 v20, v27;
	_ =	sdelay $0x3  }
0x232: {  	[tilespmem:v26+s21+$0x0] =	vst.idx.msk $0xffff, v25  }
0x233: {  	v26 =	vor.u32 v9, v24;
	v25 =	vld.idx.msk [tilespmem:v54+s18+$0x0], $0xffff  }
0x234: {  	v55 =	vor.u32 v21, v27;
	_ =	sdelay $0x3  }
0x235: {  	[tilespmem:v26+s21+$0x0] =	vst.idx.msk $0xffff, v25  }
0x236: {  	v26 =	vor.u32 v11, v24;
	v25 =	vld.idx.msk [tilespmem:v55+s18+$0x0], $0xffff  }
0x237: {  	v56 =	vor.u32 v22, v27;
	_ =	sdelay $0x3  }
0x238: {  	[tilespmem:v26+s21+$0x0] =	vst.idx.msk $0xffff, v25  }
0x239: {  	v26 =	vor.u32 v13, v24;
	v25 =	vld.idx.msk [tilespmem:v56+s18+$0x0], $0xffff  }
0x23a: {  	v27 =	vor.u32 v23, v27;
	_ =	sdelay $0x2  }
0x23b: {  	s28 =	simm.s32 $0x3  }
0x23c: {  	[tilespmem:v26+s21+$0x0] =	vst.idx.msk $0xffff, v25;
	v25 =	vadd.s32 s28, v0  }
0x23d: {  	v24 =	vor.u32 v15, v24;
	v26 =	vld.idx.msk [tilespmem:v27+s18+$0x0], $0xffff;
	v27 =	vand.u32 $0x3F, v25  }
0x23e: {  	v57 =	vor.u32 v16, v27;
	_ =	sdelay $0x2  }
0x23f: {  	v25 =	vshll.u32 v25, $0x7  }
0x240: {  	[tilespmem:v24+s21+$0x0] =	vst.idx.msk $0xffff, v26;
	v24 =	vand.u32 $0x1F80, v25  }
0x241: {  	v25 =	vld.idx.msk [tilespmem:v57+s18+$0x0], $0xffff;
	v26 =	vor.u32 v0, v24  }
0x242: {  	v58 =	vor.u32 v17, v27;
	_ =	sdelay $0x3  }
0x243: {  	[tilespmem:v26+s21+$0x0] =	vst.idx.msk $0xffff, v25  }
0x244: {  	v26 =	vor.u32 v3, v24;
	v25 =	vld.idx.msk [tilespmem:v58+s18+$0x0], $0xffff  }
0x245: {  	v59 =	vor.u32 v18, v27;
	_ =	sdelay $0x3  }
0x246: {  	[tilespmem:v26+s21+$0x0] =	vst.idx.msk $0xffff, v25  }
0x247: {  	v26 =	vor.u32 v5, v24;
	v25 =	vld.idx.msk [tilespmem:v59+s18+$0x0], $0xffff  }
0x248: {  	v60 =	vor.u32 v19, v27;
	_ =	sdelay $0x3  }
0x249: {  	[tilespmem:v26+s21+$0x0] =	vst.idx.msk $0xffff, v25  }
0x24a: {  	v26 =	vor.u32 v7, v24;
	v25 =	vld.idx.msk [tilespmem:v60+s18+$0x0], $0xffff  }
0x24b: {  	v61 =	vor.u32 v20, v27;
	_ =	sdelay $0x3  }
0x24c: {  	[tilespmem:v26+s21+$0x0] =	vst.idx.msk $0xffff, v25  }
0x24d: {  	v26 =	vor.u32 v9, v24;
	v25 =	vld.idx.msk [tilespmem:v61+s18+$0x0], $0xffff  }
0x24e: {  	v62 =	vor.u32 v21, v27;
	_ =	sdelay $0x3  }
0x24f: {  	[tilespmem:v26+s21+$0x0] =	vst.idx.msk $0xffff, v25  }
0x250: {  	v26 =	vor.u32 v11, v24;
	v25 =	vld.idx.msk [tilespmem:v62+s18+$0x0], $0xffff  }
0x251: {  	v63 =	vor.u32 v22, v27;
	_ =	sdelay $0x3  }
0x252: {  	[tilespmem:v26+s21+$0x0] =	vst.idx.msk $0xffff, v25  }
0x253: {  	v26 =	vor.u32 v13, v24;
	v25 =	vld.idx.msk [tilespmem:v63+s18+$0x0], $0xffff  }
0x254: {  	v27 =	vor.u32 v23, v27;
	_ =	sdelay $0x3  }
0x255: {  	s28 =	simm.s32 $0x4;
	[tilespmem:v26+s21+$0x0] =	vst.idx.msk $0xffff, v25  }
0x256: {  	s29 =	simm.s32 $0x8;
	v25 =	vadd.s32 s28, v0;
	v26 =	vld.idx.msk [tilespmem:v27+s18+$0x0], $0xffff  }
.LBB2_11:
0x257: {  	p0 =	slt.u32 s29, $0x3C;
	v27 =	vand.u32 $0x3F, v25;
	v24 =	vor.u32 v15, v24  }
0x258: {  	v28 =	vor.u32 v16, v27;
	_ =	sdelay $0x3  }
0x259: {  	v25 =	vshll.u32 v25, $0x7;
	[tilespmem:v24+s21+$0x0] =	vst.idx.msk $0xffff, v26  }
0x25a: {  	v25 =	vand.u32 $0x1F80, v25;
	v24 =	vld.idx.msk [tilespmem:v28+s18+$0x0], $0xffff  }
0x25b: {  	v26 =	vor.u32 v0, v25  }
0x25c: {  	v28 =	vor.u32 v17, v27;
	_ =	sdelay $0x3  }
0x25d: {  	[tilespmem:v26+s21+$0x0] =	vst.idx.msk $0xffff, v24  }
0x25e: {  	v24 =	vld.idx.msk [tilespmem:v28+s18+$0x0], $0xffff  }
0x25f: {  	v26 =	vor.u32 v3, v25  }
0x260: {  	v28 =	vor.u32 v18, v27;
	_ =	sdelay $0x3  }
0x261: {  	[tilespmem:v26+s21+$0x0] =	vst.idx.msk $0xffff, v24  }
0x262: {  	v24 =	vld.idx.msk [tilespmem:v28+s18+$0x0], $0xffff  }
0x263: {  	v26 =	vor.u32 v5, v25  }
0x264: {  	v28 =	vor.u32 v19, v27;
	_ =	sdelay $0x3  }
0x265: {  	[tilespmem:v26+s21+$0x0] =	vst.idx.msk $0xffff, v24  }
0x266: {  	v24 =	vld.idx.msk [tilespmem:v28+s18+$0x0], $0xffff  }
0x267: {  	v26 =	vor.u32 v7, v25  }
0x268: {  	v28 =	vor.u32 v20, v27;
	_ =	sdelay $0x3  }
0x269: {  	[tilespmem:v26+s21+$0x0] =	vst.idx.msk $0xffff, v24  }
0x26a: {  	v24 =	vld.idx.msk [tilespmem:v28+s18+$0x0], $0xffff  }
0x26b: {  	v26 =	vor.u32 v9, v25  }
0x26c: {  	v28 =	vor.u32 v21, v27;
	_ =	sdelay $0x3  }
0x26d: {  	[tilespmem:v26+s21+$0x0] =	vst.idx.msk $0xffff, v24  }
0x26e: {  	v24 =	vld.idx.msk [tilespmem:v28+s18+$0x0], $0xffff  }
0x26f: {  	v26 =	vor.u32 v11, v25  }
0x270: {  	v28 =	vor.u32 v22, v27;
	_ =	sdelay $0x3  }
0x271: {  	[tilespmem:v26+s21+$0x0] =	vst.idx.msk $0xffff, v24  }
0x272: {  	v24 =	vld.idx.msk [tilespmem:v28+s18+$0x0], $0xffff  }
0x273: {  	v26 =	vor.u32 v13, v25  }
0x274: {  	v27 =	vor.u32 v23, v27;
	_ =	sdelay $0x3  }
0x275: {  	s30 =	sadd.s32 $0x1, s28;
	[tilespmem:v26+s21+$0x0] =	vst.idx.msk $0xffff, v24  }
0x276: {  	v26 =	vadd.s32 s30, v0;
	v24 =	vld.idx.msk [tilespmem:v27+s18+$0x0], $0xffff  }
0x277: {  	v25 =	vor.u32 v15, v25;
	v27 =	vand.u32 $0x3F, v26  }
0x278: {  	v28 =	vor.u32 v16, v27;
	_ =	sdelay $0x3  }
0x279: {  	[tilespmem:v25+s21+$0x0] =	vst.idx.msk $0xffff, v24;
	v24 =	vshll.u32 v26, $0x7  }
0x27a: {  	v25 =	vld.idx.msk [tilespmem:v28+s18+$0x0], $0xffff;
	v24 =	vand.u32 $0x1F80, v24  }
0x27b: {  	v26 =	vor.u32 v0, v24  }
0x27c: {  	v28 =	vor.u32 v17, v27;
	_ =	sdelay $0x3  }
0x27d: {  	[tilespmem:v26+s21+$0x0] =	vst.idx.msk $0xffff, v25  }
0x27e: {  	v25 =	vld.idx.msk [tilespmem:v28+s18+$0x0], $0xffff  }
0x27f: {  	v26 =	vor.u32 v3, v24  }
0x280: {  	v28 =	vor.u32 v18, v27;
	_ =	sdelay $0x3  }
0x281: {  	[tilespmem:v26+s21+$0x0] =	vst.idx.msk $0xffff, v25  }
0x282: {  	v25 =	vld.idx.msk [tilespmem:v28+s18+$0x0], $0xffff  }
0x283: {  	v26 =	vor.u32 v5, v24  }
0x284: {  	v28 =	vor.u32 v19, v27;
	_ =	sdelay $0x3  }
0x285: {  	[tilespmem:v26+s21+$0x0] =	vst.idx.msk $0xffff, v25  }
0x286: {  	v25 =	vld.idx.msk [tilespmem:v28+s18+$0x0], $0xffff  }
0x287: {  	v26 =	vor.u32 v7, v24  }
0x288: {  	v28 =	vor.u32 v20, v27;
	_ =	sdelay $0x3  }
0x289: {  	[tilespmem:v26+s21+$0x0] =	vst.idx.msk $0xffff, v25  }
0x28a: {  	v25 =	vld.idx.msk [tilespmem:v28+s18+$0x0], $0xffff  }
0x28b: {  	v26 =	vor.u32 v9, v24  }
0x28c: {  	v28 =	vor.u32 v21, v27;
	_ =	sdelay $0x3  }
0x28d: {  	[tilespmem:v26+s21+$0x0] =	vst.idx.msk $0xffff, v25  }
0x28e: {  	v25 =	vld.idx.msk [tilespmem:v28+s18+$0x0], $0xffff  }
0x28f: {  	v26 =	vor.u32 v11, v24  }
0x290: {  	v28 =	vor.u32 v22, v27;
	_ =	sdelay $0x3  }
0x291: {  	[tilespmem:v26+s21+$0x0] =	vst.idx.msk $0xffff, v25  }
0x292: {  	v25 =	vld.idx.msk [tilespmem:v28+s18+$0x0], $0xffff  }
0x293: {  	v26 =	vor.u32 v13, v24  }
0x294: {  	v27 =	vor.u32 v23, v27;
	_ =	sdelay $0x3  }
0x295: {  	s30 =	sadd.s32 $0x2, s28;
	[tilespmem:v26+s21+$0x0] =	vst.idx.msk $0xffff, v25  }
0x296: {  	v26 =	vadd.s32 s30, v0;
	v25 =	vld.idx.msk [tilespmem:v27+s18+$0x0], $0xffff  }
0x297: {  	v24 =	vor.u32 v15, v24;
	v27 =	vand.u32 $0x3F, v26  }
0x298: {  	v28 =	vor.u32 v16, v27;
	_ =	sdelay $0x3  }
0x299: {  	[tilespmem:v24+s21+$0x0] =	vst.idx.msk $0xffff, v25;
	v24 =	vshll.u32 v26, $0x7  }
0x29a: {  	v25 =	vld.idx.msk [tilespmem:v28+s18+$0x0], $0xffff;
	v24 =	vand.u32 $0x1F80, v24  }
0x29b: {  	v26 =	vor.u32 v0, v24  }
0x29c: {  	v28 =	vor.u32 v17, v27;
	_ =	sdelay $0x3  }
0x29d: {  	[tilespmem:v26+s21+$0x0] =	vst.idx.msk $0xffff, v25  }
0x29e: {  	v25 =	vld.idx.msk [tilespmem:v28+s18+$0x0], $0xffff  }
0x29f: {  	v26 =	vor.u32 v3, v24  }
0x2a0: {  	v28 =	vor.u32 v18, v27;
	_ =	sdelay $0x3  }
0x2a1: {  	[tilespmem:v26+s21+$0x0] =	vst.idx.msk $0xffff, v25  }
0x2a2: {  	v25 =	vld.idx.msk [tilespmem:v28+s18+$0x0], $0xffff  }
0x2a3: {  	v26 =	vor.u32 v5, v24  }
0x2a4: {  	v28 =	vor.u32 v19, v27;
	_ =	sdelay $0x3  }
0x2a5: {  	[tilespmem:v26+s21+$0x0] =	vst.idx.msk $0xffff, v25  }
0x2a6: {  	v25 =	vld.idx.msk [tilespmem:v28+s18+$0x0], $0xffff  }
0x2a7: {  	v26 =	vor.u32 v7, v24  }
0x2a8: {  	v28 =	vor.u32 v20, v27;
	_ =	sdelay $0x3  }
0x2a9: {  	[tilespmem:v26+s21+$0x0] =	vst.idx.msk $0xffff, v25  }
0x2aa: {  	v25 =	vld.idx.msk [tilespmem:v28+s18+$0x0], $0xffff  }
0x2ab: {  	v26 =	vor.u32 v9, v24  }
0x2ac: {  	v28 =	vor.u32 v21, v27;
	_ =	sdelay $0x3  }
0x2ad: {  	[tilespmem:v26+s21+$0x0] =	vst.idx.msk $0xffff, v25  }
0x2ae: {  	v25 =	vld.idx.msk [tilespmem:v28+s18+$0x0], $0xffff  }
0x2af: {  	v26 =	vor.u32 v11, v24  }
0x2b0: {  	v28 =	vor.u32 v22, v27;
	_ =	sdelay $0x3  }
0x2b1: {  	[tilespmem:v26+s21+$0x0] =	vst.idx.msk $0xffff, v25  }
0x2b2: {  	v25 =	vld.idx.msk [tilespmem:v28+s18+$0x0], $0xffff  }
0x2b3: {  	v26 =	vor.u32 v13, v24  }
0x2b4: {  	v27 =	vor.u32 v23, v27;
	_ =	sdelay $0x3  }
0x2b5: {  	s30 =	sadd.s32 $0x3, s28;
	s28 =	smov.u32 s29;
	[tilespmem:v26+s21+$0x0] =	vst.idx.msk $0xffff, v25  }
0x2b6: {  	v26 =	vadd.s32 s30, v0;
	v25 =	vld.idx.msk [tilespmem:v27+s18+$0x0], $0xffff  }
0x2b7: {  	v24 =	vor.u32 v15, v24;
	v27 =	vand.u32 $0x3F, v26  }
0x2b8: {  	v28 =	vor.u32 v16, v27;
	_ =	sdelay $0x3  }
0x2b9: {  	[tilespmem:v24+s21+$0x0] =	vst.idx.msk $0xffff, v25;
	v24 =	vshll.u32 v26, $0x7  }
0x2ba: {  	v25 =	vld.idx.msk [tilespmem:v28+s18+$0x0], $0xffff;
	v24 =	vand.u32 $0x1F80, v24  }
0x2bb: {  	v26 =	vor.u32 v0, v24  }
0x2bc: {  	v28 =	vor.u32 v17, v27;
	_ =	sdelay $0x3  }
0x2bd: {  	[tilespmem:v26+s21+$0x0] =	vst.idx.msk $0xffff, v25  }
0x2be: {  	v25 =	vld.idx.msk [tilespmem:v28+s18+$0x0], $0xffff  }
0x2bf: {  	v26 =	vor.u32 v3, v24  }
0x2c0: {  	v28 =	vor.u32 v18, v27;
	_ =	sdelay $0x3  }
0x2c1: {  	[tilespmem:v26+s21+$0x0] =	vst.idx.msk $0xffff, v25  }
0x2c2: {  	v25 =	vld.idx.msk [tilespmem:v28+s18+$0x0], $0xffff  }
0x2c3: {  	v26 =	vor.u32 v5, v24  }
0x2c4: {  	v28 =	vor.u32 v19, v27;
	_ =	sdelay $0x3  }
0x2c5: {  	[tilespmem:v26+s21+$0x0] =	vst.idx.msk $0xffff, v25  }
0x2c6: {  	v25 =	vld.idx.msk [tilespmem:v28+s18+$0x0], $0xffff  }
0x2c7: {  	v26 =	vor.u32 v7, v24  }
0x2c8: {  	v28 =	vor.u32 v20, v27;
	_ =	sdelay $0x3  }
0x2c9: {  	[tilespmem:v26+s21+$0x0] =	vst.idx.msk $0xffff, v25  }
0x2ca: {  	v25 =	vld.idx.msk [tilespmem:v28+s18+$0x0], $0xffff  }
0x2cb: {  	v26 =	vor.u32 v9, v24  }
0x2cc: {  	v28 =	vor.u32 v21, v27;
	_ =	sdelay $0x3  }
0x2cd: {  	[tilespmem:v26+s21+$0x0] =	vst.idx.msk $0xffff, v25  }
0x2ce: {  	v25 =	vld.idx.msk [tilespmem:v28+s18+$0x0], $0xffff  }
0x2cf: {  	v26 =	vor.u32 v11, v24  }
0x2d0: {  	v28 =	vor.u32 v22, v27;
	_ =	sdelay $0x3  }
0x2d1: {  	[tilespmem:v26+s21+$0x0] =	vst.idx.msk $0xffff, v25  }
0x2d2: {  	v25 =	vld.idx.msk [tilespmem:v28+s18+$0x0], $0xffff  }
0x2d3: {  	v26 =	vor.u32 v13, v24  }
0x2d4: {  	v27 =	vor.u32 v23, v27  }
.Ltmp6:
0x2d5: {  	(pc) =	sbr.rel @p0 .LBB2_11-.Ltmp6, $3  }
0x2d6: {  	_ =	sdelay $0x1  }
0x2d7: {  	[tilespmem:v26+s21+$0x0] =	vst.idx.msk $0xffff, v25  }
0x2d8: {  	s29 =	sadd.s32 $0x4, s29;
	v25 =	vadd.s32 s28, v0;
	v26 =	vld.idx.msk [tilespmem:v27+s18+$0x0], $0xffff  }
0x2d9: {  	v27 =	vand.u32 $0x3F, v25;
	v24 =	vor.u32 v15, v24  }
0x2da: {  	v28 =	vor.u32 v16, v27;
	_ =	sdelay $0x2  }
0x2db: {  	v58 =	vshll.u32 v25, $0x7  }
0x2dc: {  	v59 =	vand.u32 $0x1F80, v58;
	[tilespmem:v24+s21+$0x0] =	vst.idx.msk $0xffff, v26  }
0x2dd: {  	v61 =	vor.u32 v0, v59;
	v60 =	vld.idx.msk [tilespmem:v28+s18+$0x0], $0xffff  }
0x2de: {  	v62 =	vor.u32 v17, v27;
	_ =	sdelay $0x3  }
0x2df: {  	[tilespmem:v61+s21+$0x0] =	vst.idx.msk $0xffff, v60  }
0x2e0: {  	v63 =	vor.u32 v3, v59;
	v25 =	vld.idx.msk [tilespmem:v62+s18+$0x0], $0xffff  }
0x2e1: {  	v32 =	vor.u32 v18, v27;
	_ =	sdelay $0x3  }
0x2e2: {  	[tilespmem:v63+s21+$0x0] =	vst.idx.msk $0xffff, v25  }
0x2e3: {  	v33 =	vor.u32 v5, v59;
	v25 =	vld.idx.msk [tilespmem:v32+s18+$0x0], $0xffff  }
0x2e4: {  	v34 =	vor.u32 v19, v27;
	_ =	sdelay $0x3  }
0x2e5: {  	[tilespmem:v33+s21+$0x0] =	vst.idx.msk $0xffff, v25  }
0x2e6: {  	v35 =	vor.u32 v7, v59;
	v25 =	vld.idx.msk [tilespmem:v34+s18+$0x0], $0xffff  }
0x2e7: {  	v36 =	vor.u32 v20, v27;
	_ =	sdelay $0x3  }
0x2e8: {  	[tilespmem:v35+s21+$0x0] =	vst.idx.msk $0xffff, v25  }
0x2e9: {  	v37 =	vor.u32 v9, v59;
	v25 =	vld.idx.msk [tilespmem:v36+s18+$0x0], $0xffff  }
0x2ea: {  	v38 =	vor.u32 v21, v27;
	_ =	sdelay $0x3  }
0x2eb: {  	[tilespmem:v37+s21+$0x0] =	vst.idx.msk $0xffff, v25  }
0x2ec: {  	v39 =	vor.u32 v11, v59;
	v25 =	vld.idx.msk [tilespmem:v38+s18+$0x0], $0xffff  }
0x2ed: {  	v40 =	vor.u32 v22, v27;
	_ =	sdelay $0x3  }
0x2ee: {  	[tilespmem:v39+s21+$0x0] =	vst.idx.msk $0xffff, v25  }
0x2ef: {  	v41 =	vor.u32 v13, v59;
	v25 =	vld.idx.msk [tilespmem:v40+s18+$0x0], $0xffff  }
0x2f0: {  	v27 =	vor.u32 v23, v27;
	_ =	sdelay $0x2  }
0x2f1: {  	s29 =	sadd.s32 $0x1, s28  }
0x2f2: {  	v42 =	vadd.s32 s29, v0;
	[tilespmem:v41+s21+$0x0] =	vst.idx.msk $0xffff, v25  }
0x2f3: {  	v43 =	vand.u32 $0x3F, v42;
	v24 =	vor.u32 v15, v59;
	v26 =	vld.idx.msk [tilespmem:v27+s18+$0x0], $0xffff  }
0x2f4: {  	v44 =	vor.u32 v16, v43;
	_ =	sdelay $0x2  }
0x2f5: {  	v25 =	vshll.u32 v42, $0x7  }
0x2f6: {  	v45 =	vand.u32 $0x1F80, v25;
	[tilespmem:v24+s21+$0x0] =	vst.idx.msk $0xffff, v26  }
0x2f7: {  	v47 =	vor.u32 v0, v45;
	v46 =	vld.idx.msk [tilespmem:v44+s18+$0x0], $0xffff  }
0x2f8: {  	v48 =	vor.u32 v17, v43;
	_ =	sdelay $0x3  }
0x2f9: {  	[tilespmem:v47+s21+$0x0] =	vst.idx.msk $0xffff, v46  }
0x2fa: {  	v49 =	vor.u32 v3, v45;
	v25 =	vld.idx.msk [tilespmem:v48+s18+$0x0], $0xffff  }
0x2fb: {  	v50 =	vor.u32 v18, v43;
	_ =	sdelay $0x3  }
0x2fc: {  	[tilespmem:v49+s21+$0x0] =	vst.idx.msk $0xffff, v25  }
0x2fd: {  	v51 =	vor.u32 v5, v45;
	v25 =	vld.idx.msk [tilespmem:v50+s18+$0x0], $0xffff  }
0x2fe: {  	v52 =	vor.u32 v19, v43;
	_ =	sdelay $0x3  }
0x2ff: {  	[tilespmem:v51+s21+$0x0] =	vst.idx.msk $0xffff, v25  }
0x300: {  	v53 =	vor.u32 v7, v45;
	v25 =	vld.idx.msk [tilespmem:v52+s18+$0x0], $0xffff  }
0x301: {  	v54 =	vor.u32 v20, v43;
	_ =	sdelay $0x3  }
0x302: {  	[tilespmem:v53+s21+$0x0] =	vst.idx.msk $0xffff, v25  }
0x303: {  	v55 =	vor.u32 v9, v45;
	v25 =	vld.idx.msk [tilespmem:v54+s18+$0x0], $0xffff  }
0x304: {  	v56 =	vor.u32 v21, v43;
	_ =	sdelay $0x3  }
0x305: {  	[tilespmem:v55+s21+$0x0] =	vst.idx.msk $0xffff, v25  }
0x306: {  	v57 =	vor.u32 v11, v45;
	v25 =	vld.idx.msk [tilespmem:v56+s18+$0x0], $0xffff  }
0x307: {  	v58 =	vor.u32 v22, v43;
	_ =	sdelay $0x3  }
0x308: {  	[tilespmem:v57+s21+$0x0] =	vst.idx.msk $0xffff, v25  }
0x309: {  	v59 =	vor.u32 v13, v45;
	v25 =	vld.idx.msk [tilespmem:v58+s18+$0x0], $0xffff  }
0x30a: {  	v27 =	vor.u32 v23, v43;
	_ =	sdelay $0x2  }
0x30b: {  	s30 =	sadd.s32 $0x2, s28  }
0x30c: {  	v60 =	vadd.s32 s30, v0;
	[tilespmem:v59+s21+$0x0] =	vst.idx.msk $0xffff, v25  }
0x30d: {  	v61 =	vand.u32 $0x3F, v60;
	v24 =	vor.u32 v15, v45;
	v26 =	vld.idx.msk [tilespmem:v27+s18+$0x0], $0xffff  }
0x30e: {  	v62 =	vor.u32 v16, v61;
	_ =	sdelay $0x2  }
0x30f: {  	v25 =	vshll.u32 v60, $0x7  }
0x310: {  	v63 =	vand.u32 $0x1F80, v25;
	[tilespmem:v24+s21+$0x0] =	vst.idx.msk $0xffff, v26  }
0x311: {  	v33 =	vor.u32 v0, v63;
	v32 =	vld.idx.msk [tilespmem:v62+s18+$0x0], $0xffff  }
0x312: {  	v34 =	vor.u32 v17, v61;
	_ =	sdelay $0x3  }
0x313: {  	[tilespmem:v33+s21+$0x0] =	vst.idx.msk $0xffff, v32  }
0x314: {  	v35 =	vor.u32 v3, v63;
	v25 =	vld.idx.msk [tilespmem:v34+s18+$0x0], $0xffff  }
0x315: {  	v36 =	vor.u32 v18, v61;
	_ =	sdelay $0x3  }
0x316: {  	[tilespmem:v35+s21+$0x0] =	vst.idx.msk $0xffff, v25  }
0x317: {  	v37 =	vor.u32 v5, v63;
	v25 =	vld.idx.msk [tilespmem:v36+s18+$0x0], $0xffff  }
0x318: {  	v38 =	vor.u32 v19, v61;
	_ =	sdelay $0x3  }
0x319: {  	[tilespmem:v37+s21+$0x0] =	vst.idx.msk $0xffff, v25  }
0x31a: {  	v39 =	vor.u32 v7, v63;
	v25 =	vld.idx.msk [tilespmem:v38+s18+$0x0], $0xffff  }
0x31b: {  	v40 =	vor.u32 v20, v61;
	_ =	sdelay $0x3  }
0x31c: {  	[tilespmem:v39+s21+$0x0] =	vst.idx.msk $0xffff, v25  }
0x31d: {  	v41 =	vor.u32 v9, v63;
	v25 =	vld.idx.msk [tilespmem:v40+s18+$0x0], $0xffff  }
0x31e: {  	v42 =	vor.u32 v21, v61;
	_ =	sdelay $0x3  }
0x31f: {  	[tilespmem:v41+s21+$0x0] =	vst.idx.msk $0xffff, v25  }
0x320: {  	v43 =	vor.u32 v11, v63;
	v25 =	vld.idx.msk [tilespmem:v42+s18+$0x0], $0xffff  }
0x321: {  	v44 =	vor.u32 v22, v61;
	_ =	sdelay $0x3  }
0x322: {  	[tilespmem:v43+s21+$0x0] =	vst.idx.msk $0xffff, v25  }
0x323: {  	v45 =	vor.u32 v13, v63;
	v25 =	vld.idx.msk [tilespmem:v44+s18+$0x0], $0xffff  }
0x324: {  	v27 =	vor.u32 v23, v61;
	_ =	sdelay $0x2  }
0x325: {  	s31 =	sadd.s32 $0x3, s28  }
0x326: {  	v46 =	vadd.s32 s31, v0;
	[tilespmem:v45+s21+$0x0] =	vst.idx.msk $0xffff, v25  }
0x327: {  	v47 =	vand.u32 $0x3F, v46;
	v24 =	vor.u32 v15, v63;
	v26 =	vld.idx.msk [tilespmem:v27+s18+$0x0], $0xffff  }
0x328: {  	v48 =	vor.u32 v16, v47;
	_ =	sdelay $0x2  }
0x329: {  	v25 =	vshll.u32 v46, $0x7  }
0x32a: {  	v49 =	vand.u32 $0x1F80, v25;
	[tilespmem:v24+s21+$0x0] =	vst.idx.msk $0xffff, v26  }
0x32b: {  	v51 =	vor.u32 v0, v49;
	v50 =	vld.idx.msk [tilespmem:v48+s18+$0x0], $0xffff  }
0x32c: {  	v52 =	vor.u32 v17, v47;
	_ =	sdelay $0x3  }
0x32d: {  	[tilespmem:v51+s21+$0x0] =	vst.idx.msk $0xffff, v50  }
0x32e: {  	v53 =	vor.u32 v3, v49;
	v25 =	vld.idx.msk [tilespmem:v52+s18+$0x0], $0xffff  }
0x32f: {  	v54 =	vor.u32 v18, v47;
	_ =	sdelay $0x3  }
0x330: {  	[tilespmem:v53+s21+$0x0] =	vst.idx.msk $0xffff, v25  }
0x331: {  	v55 =	vor.u32 v5, v49;
	v25 =	vld.idx.msk [tilespmem:v54+s18+$0x0], $0xffff  }
0x332: {  	v56 =	vor.u32 v19, v47;
	_ =	sdelay $0x3  }
0x333: {  	[tilespmem:v55+s21+$0x0] =	vst.idx.msk $0xffff, v25  }
0x334: {  	v57 =	vor.u32 v7, v49;
	v25 =	vld.idx.msk [tilespmem:v56+s18+$0x0], $0xffff  }
0x335: {  	v58 =	vor.u32 v20, v47;
	_ =	sdelay $0x3  }
0x336: {  	[tilespmem:v57+s21+$0x0] =	vst.idx.msk $0xffff, v25  }
0x337: {  	v59 =	vor.u32 v9, v49;
	v25 =	vld.idx.msk [tilespmem:v58+s18+$0x0], $0xffff  }
0x338: {  	v60 =	vor.u32 v21, v47;
	_ =	sdelay $0x3  }
0x339: {  	[tilespmem:v59+s21+$0x0] =	vst.idx.msk $0xffff, v25  }
0x33a: {  	v61 =	vor.u32 v11, v49;
	v25 =	vld.idx.msk [tilespmem:v60+s18+$0x0], $0xffff  }
0x33b: {  	v62 =	vor.u32 v22, v47;
	_ =	sdelay $0x3  }
0x33c: {  	[tilespmem:v61+s21+$0x0] =	vst.idx.msk $0xffff, v25  }
0x33d: {  	v63 =	vor.u32 v13, v49;
	v25 =	vld.idx.msk [tilespmem:v62+s18+$0x0], $0xffff  }
0x33e: {  	v27 =	vor.u32 v23, v47;
	_ =	sdelay $0x3  }
0x33f: {  	[tilespmem:v63+s21+$0x0] =	vst.idx.msk $0xffff, v25  }
0x340: {  	v24 =	vor.u32 v15, v49;
	v25 =	vld.idx.msk [tilespmem:v27+s18+$0x0], $0xffff  }
.Ltmp7:
0x341: {  	_ = 	snop;
	(pc) =	sbr.rel .LBB2_13-.Ltmp7, $2  }
0x342: {  	_ =	sdelay $0x2  }
0x343: {  	[tilespmem:v24+s21+$0x0] =	vst.idx.msk $0xffff, v25  }
.LBB2_3:
0x344: {  	_ =	swait.ge [sflag:s22], $0x4000  }
0x345: {  	[sflag:s22] =	ssyncset.done $0x0  }
0x346: {  	[sflag:s22] =	ssyncadd.s32 $0xFFFFC000  }
0x347: {  	s26 =	sshll.u32 s25, $0x8;
	_ =	swait.ge [sflag:s22], $0x4000  }
0x348: {  	s26 =	sand.u32 $0x3FFFFF00, s26;
	[sflag:s22] =	ssyncset.done $0x0  }
0x349: {  	s28 =	sadd.s32 $0x100, s26;
	[sflag:s22] =	ssyncadd.s32 $0xFFFFC000  }
0x34a: {  	[tilespmem:s18], [sflag:$0x2] =	stream.indirect.gather [hbm4b:s5+s13], $0x80, s28, s13, $0xb8;
	[tilespmem:$0x1A400] =	vst v63  }
0x34b: {  	s28 =	simm.s32 $0x0  }
0x34c: {  	v24 =	vadd.s32 s28, v0  }
0x34d: {  	p0 =	seq.s32 s25, $0x0;
	s26 =	sadd.s32 $0x180, s26;
	v25 =	vand.u32 $0x3F, v24  }
0x34e: {  	[tilespmem:s23], [sflag:$0x2] =	stream.indirect.gather [hbm4b:s5+s13], $0x80, s26, s13, $0xb8;
	v26 =	vor.u32 v1, v25;
	[tilespmem:$0x1A400] =	vst v63  }
0x34f: {  	s26 =	simm.s32 @!p0 $0x3  }
0x350: {  	_ =	swait.ge @!p0 [sflag:s26], $0x2000  }
0x351: {  	v24 =	vshll.u32 v24, $0x7;
	[sflag:s26] =	ssyncset.done @!p0 $0x0  }
0x352: {  	v24 =	vand.u32 $0x1F80, v24;
	[sflag:s26] =	ssyncadd.s32 @!p0 $0xFFFFE000  }
0x353: {  	v27 =	vor.u32 v0, v24;
	v26 =	vld.idx.msk [tilespmem:v26+s14+$0x0], $0xffff  }
0x354: {  	v28 =	vor.u32 v2, v25;
	_ =	sdelay $0x3  }
0x355: {  	[tilespmem:v27+s19+$0x0] =	vst.idx.msk $0xffff, v26  }
0x356: {  	v27 =	vor.u32 v3, v24;
	v26 =	vld.idx.msk [tilespmem:v28+s14+$0x0], $0xffff  }
0x357: {  	v38 =	vor.u32 v4, v25;
	_ =	sdelay $0x3  }
0x358: {  	[tilespmem:v27+s19+$0x0] =	vst.idx.msk $0xffff, v26  }
0x359: {  	v27 =	vor.u32 v5, v24;
	v26 =	vld.idx.msk [tilespmem:v38+s14+$0x0], $0xffff  }
0x35a: {  	v39 =	vor.u32 v6, v25;
	_ =	sdelay $0x3  }
0x35b: {  	[tilespmem:v27+s19+$0x0] =	vst.idx.msk $0xffff, v26  }
0x35c: {  	v27 =	vor.u32 v7, v24;
	v26 =	vld.idx.msk [tilespmem:v39+s14+$0x0], $0xffff  }
0x35d: {  	v40 =	vor.u32 v8, v25;
	_ =	sdelay $0x3  }
0x35e: {  	[tilespmem:v27+s19+$0x0] =	vst.idx.msk $0xffff, v26  }
0x35f: {  	v27 =	vor.u32 v9, v24;
	v26 =	vld.idx.msk [tilespmem:v40+s14+$0x0], $0xffff  }
0x360: {  	v41 =	vor.u32 v10, v25;
	_ =	sdelay $0x3  }
0x361: {  	[tilespmem:v27+s19+$0x0] =	vst.idx.msk $0xffff, v26  }
0x362: {  	v27 =	vor.u32 v11, v24;
	v26 =	vld.idx.msk [tilespmem:v41+s14+$0x0], $0xffff  }
0x363: {  	v42 =	vor.u32 v12, v25;
	_ =	sdelay $0x3  }
0x364: {  	[tilespmem:v27+s19+$0x0] =	vst.idx.msk $0xffff, v26  }
0x365: {  	v27 =	vor.u32 v13, v24;
	v26 =	vld.idx.msk [tilespmem:v42+s14+$0x0], $0xffff  }
0x366: {  	v25 =	vor.u32 v14, v25;
	_ =	sdelay $0x2  }
0x367: {  	s31 =	simm.s32 $0x1  }
0x368: {  	[tilespmem:v27+s19+$0x0] =	vst.idx.msk $0xffff, v26;
	v26 =	vadd.s32 s31, v0  }
0x369: {  	v24 =	vor.u32 v15, v24;
	v25 =	vld.idx.msk [tilespmem:v25+s14+$0x0], $0xffff;
	v27 =	vand.u32 $0x3F, v26  }
0x36a: {  	v43 =	vor.u32 v1, v27;
	_ =	sdelay $0x2  }
0x36b: {  	v26 =	vshll.u32 v26, $0x7  }
0x36c: {  	[tilespmem:v24+s19+$0x0] =	vst.idx.msk $0xffff, v25;
	v24 =	vand.u32 $0x1F80, v26  }
0x36d: {  	v25 =	vld.idx.msk [tilespmem:v43+s14+$0x0], $0xffff;
	v26 =	vor.u32 v0, v24  }
0x36e: {  	v44 =	vor.u32 v2, v27;
	_ =	sdelay $0x3  }
0x36f: {  	[tilespmem:v26+s19+$0x0] =	vst.idx.msk $0xffff, v25  }
0x370: {  	v26 =	vor.u32 v3, v24;
	v25 =	vld.idx.msk [tilespmem:v44+s14+$0x0], $0xffff  }
0x371: {  	v45 =	vor.u32 v4, v27;
	_ =	sdelay $0x3  }
0x372: {  	[tilespmem:v26+s19+$0x0] =	vst.idx.msk $0xffff, v25  }
0x373: {  	v26 =	vor.u32 v5, v24;
	v25 =	vld.idx.msk [tilespmem:v45+s14+$0x0], $0xffff  }
0x374: {  	v46 =	vor.u32 v6, v27;
	_ =	sdelay $0x3  }
0x375: {  	[tilespmem:v26+s19+$0x0] =	vst.idx.msk $0xffff, v25  }
0x376: {  	v26 =	vor.u32 v7, v24;
	v25 =	vld.idx.msk [tilespmem:v46+s14+$0x0], $0xffff  }
0x377: {  	v47 =	vor.u32 v8, v27;
	_ =	sdelay $0x3  }
0x378: {  	[tilespmem:v26+s19+$0x0] =	vst.idx.msk $0xffff, v25  }
0x379: {  	v26 =	vor.u32 v9, v24;
	v25 =	vld.idx.msk [tilespmem:v47+s14+$0x0], $0xffff  }
0x37a: {  	v48 =	vor.u32 v10, v27;
	_ =	sdelay $0x3  }
0x37b: {  	[tilespmem:v26+s19+$0x0] =	vst.idx.msk $0xffff, v25  }
0x37c: {  	v26 =	vor.u32 v11, v24;
	v25 =	vld.idx.msk [tilespmem:v48+s14+$0x0], $0xffff  }
0x37d: {  	v49 =	vor.u32 v12, v27;
	_ =	sdelay $0x3  }
0x37e: {  	[tilespmem:v26+s19+$0x0] =	vst.idx.msk $0xffff, v25  }
0x37f: {  	v26 =	vor.u32 v13, v24;
	v25 =	vld.idx.msk [tilespmem:v49+s14+$0x0], $0xffff  }
0x380: {  	v27 =	vor.u32 v14, v27;
	_ =	sdelay $0x2  }
0x381: {  	s30 =	simm.s32 $0x2  }
0x382: {  	[tilespmem:v26+s19+$0x0] =	vst.idx.msk $0xffff, v25;
	v25 =	vadd.s32 s30, v0  }
0x383: {  	v24 =	vor.u32 v15, v24;
	v26 =	vld.idx.msk [tilespmem:v27+s14+$0x0], $0xffff;
	v27 =	vand.u32 $0x3F, v25  }
0x384: {  	v50 =	vor.u32 v1, v27;
	_ =	sdelay $0x2  }
0x385: {  	v25 =	vshll.u32 v25, $0x7  }
0x386: {  	[tilespmem:v24+s19+$0x0] =	vst.idx.msk $0xffff, v26;
	v24 =	vand.u32 $0x1F80, v25  }
0x387: {  	v25 =	vld.idx.msk [tilespmem:v50+s14+$0x0], $0xffff;
	v26 =	vor.u32 v0, v24  }
0x388: {  	v51 =	vor.u32 v2, v27;
	_ =	sdelay $0x3  }
0x389: {  	[tilespmem:v26+s19+$0x0] =	vst.idx.msk $0xffff, v25  }
0x38a: {  	v26 =	vor.u32 v3, v24;
	v25 =	vld.idx.msk [tilespmem:v51+s14+$0x0], $0xffff  }
0x38b: {  	v52 =	vor.u32 v4, v27;
	_ =	sdelay $0x3  }
0x38c: {  	[tilespmem:v26+s19+$0x0] =	vst.idx.msk $0xffff, v25  }
0x38d: {  	v26 =	vor.u32 v5, v24;
	v25 =	vld.idx.msk [tilespmem:v52+s14+$0x0], $0xffff  }
0x38e: {  	v53 =	vor.u32 v6, v27;
	_ =	sdelay $0x3  }
0x38f: {  	[tilespmem:v26+s19+$0x0] =	vst.idx.msk $0xffff, v25  }
0x390: {  	v26 =	vor.u32 v7, v24;
	v25 =	vld.idx.msk [tilespmem:v53+s14+$0x0], $0xffff  }
0x391: {  	v54 =	vor.u32 v8, v27;
	_ =	sdelay $0x3  }
0x392: {  	[tilespmem:v26+s19+$0x0] =	vst.idx.msk $0xffff, v25  }
0x393: {  	v26 =	vor.u32 v9, v24;
	v25 =	vld.idx.msk [tilespmem:v54+s14+$0x0], $0xffff  }
0x394: {  	v55 =	vor.u32 v10, v27;
	_ =	sdelay $0x3  }
0x395: {  	[tilespmem:v26+s19+$0x0] =	vst.idx.msk $0xffff, v25  }
0x396: {  	v26 =	vor.u32 v11, v24;
	v25 =	vld.idx.msk [tilespmem:v55+s14+$0x0], $0xffff  }
0x397: {  	v56 =	vor.u32 v12, v27;
	_ =	sdelay $0x3  }
0x398: {  	[tilespmem:v26+s19+$0x0] =	vst.idx.msk $0xffff, v25  }
0x399: {  	v26 =	vor.u32 v13, v24;
	v25 =	vld.idx.msk [tilespmem:v56+s14+$0x0], $0xffff  }
0x39a: {  	v27 =	vor.u32 v14, v27;
	_ =	sdelay $0x2  }
0x39b: {  	s31 =	simm.s32 $0x3  }
0x39c: {  	[tilespmem:v26+s19+$0x0] =	vst.idx.msk $0xffff, v25;
	v25 =	vadd.s32 s31, v0  }
0x39d: {  	v24 =	vor.u32 v15, v24;
	v26 =	vld.idx.msk [tilespmem:v27+s14+$0x0], $0xffff;
	v27 =	vand.u32 $0x3F, v25  }
0x39e: {  	v57 =	vor.u32 v1, v27;
	_ =	sdelay $0x2  }
0x39f: {  	v25 =	vshll.u32 v25, $0x7  }
0x3a0: {  	[tilespmem:v24+s19+$0x0] =	vst.idx.msk $0xffff, v26;
	v24 =	vand.u32 $0x1F80, v25  }
0x3a1: {  	v25 =	vld.idx.msk [tilespmem:v57+s14+$0x0], $0xffff;
	v26 =	vor.u32 v0, v24  }
0x3a2: {  	v58 =	vor.u32 v2, v27;
	_ =	sdelay $0x3  }
0x3a3: {  	[tilespmem:v26+s19+$0x0] =	vst.idx.msk $0xffff, v25  }
0x3a4: {  	v26 =	vor.u32 v3, v24;
	v25 =	vld.idx.msk [tilespmem:v58+s14+$0x0], $0xffff  }
0x3a5: {  	v59 =	vor.u32 v4, v27;
	_ =	sdelay $0x3  }
0x3a6: {  	[tilespmem:v26+s19+$0x0] =	vst.idx.msk $0xffff, v25  }
0x3a7: {  	v26 =	vor.u32 v5, v24;
	v25 =	vld.idx.msk [tilespmem:v59+s14+$0x0], $0xffff  }
0x3a8: {  	v60 =	vor.u32 v6, v27;
	_ =	sdelay $0x3  }
0x3a9: {  	[tilespmem:v26+s19+$0x0] =	vst.idx.msk $0xffff, v25  }
0x3aa: {  	v26 =	vor.u32 v7, v24;
	v25 =	vld.idx.msk [tilespmem:v60+s14+$0x0], $0xffff  }
0x3ab: {  	v61 =	vor.u32 v8, v27;
	_ =	sdelay $0x3  }
0x3ac: {  	[tilespmem:v26+s19+$0x0] =	vst.idx.msk $0xffff, v25  }
0x3ad: {  	v26 =	vor.u32 v9, v24;
	v25 =	vld.idx.msk [tilespmem:v61+s14+$0x0], $0xffff  }
0x3ae: {  	v62 =	vor.u32 v10, v27;
	_ =	sdelay $0x3  }
0x3af: {  	[tilespmem:v26+s19+$0x0] =	vst.idx.msk $0xffff, v25  }
0x3b0: {  	v26 =	vor.u32 v11, v24;
	v25 =	vld.idx.msk [tilespmem:v62+s14+$0x0], $0xffff  }
0x3b1: {  	v63 =	vor.u32 v12, v27;
	_ =	sdelay $0x3  }
0x3b2: {  	[tilespmem:v26+s19+$0x0] =	vst.idx.msk $0xffff, v25  }
0x3b3: {  	v26 =	vor.u32 v13, v24;
	v25 =	vld.idx.msk [tilespmem:v63+s14+$0x0], $0xffff  }
0x3b4: {  	v27 =	vor.u32 v14, v27;
	_ =	sdelay $0x2  }
0x3b5: {  	s26 =	sshll.u32 @!p0 s25, $0x13  }
0x3b6: {  	s28 =	simm.s32 $0x4;
	s26 =	sor.u32 @!p0 s7, s26;
	[tilespmem:v26+s19+$0x0] =	vst.idx.msk $0xffff, v25  }
0x3b7: {  	s29 =	simm.s32 $0x8;
	s26 =	smov.u32 @p0 s7;
	v25 =	vadd.s32 s28, v0;
	v26 =	vld.idx.msk [tilespmem:v27+s14+$0x0], $0xffff  }
.LBB2_4:
0x3b8: {  	p1 =	slt.u32 s29, $0x3C;
	v27 =	vand.u32 $0x3F, v25;
	v24 =	vor.u32 v15, v24  }
0x3b9: {  	v28 =	vor.u32 v1, v27;
	_ =	sdelay $0x3  }
0x3ba: {  	v25 =	vshll.u32 v25, $0x7;
	[tilespmem:v24+s19+$0x0] =	vst.idx.msk $0xffff, v26  }
0x3bb: {  	v25 =	vand.u32 $0x1F80, v25;
	v24 =	vld.idx.msk [tilespmem:v28+s14+$0x0], $0xffff  }
0x3bc: {  	v26 =	vor.u32 v0, v25  }
0x3bd: {  	v28 =	vor.u32 v2, v27;
	_ =	sdelay $0x3  }
0x3be: {  	[tilespmem:v26+s19+$0x0] =	vst.idx.msk $0xffff, v24  }
0x3bf: {  	v24 =	vld.idx.msk [tilespmem:v28+s14+$0x0], $0xffff  }
0x3c0: {  	v26 =	vor.u32 v3, v25  }
0x3c1: {  	v28 =	vor.u32 v4, v27;
	_ =	sdelay $0x3  }
0x3c2: {  	[tilespmem:v26+s19+$0x0] =	vst.idx.msk $0xffff, v24  }
0x3c3: {  	v24 =	vld.idx.msk [tilespmem:v28+s14+$0x0], $0xffff  }
0x3c4: {  	v26 =	vor.u32 v5, v25  }
0x3c5: {  	v28 =	vor.u32 v6, v27;
	_ =	sdelay $0x3  }
0x3c6: {  	[tilespmem:v26+s19+$0x0] =	vst.idx.msk $0xffff, v24  }
0x3c7: {  	v24 =	vld.idx.msk [tilespmem:v28+s14+$0x0], $0xffff  }
0x3c8: {  	v26 =	vor.u32 v7, v25  }
0x3c9: {  	v28 =	vor.u32 v8, v27;
	_ =	sdelay $0x3  }
0x3ca: {  	[tilespmem:v26+s19+$0x0] =	vst.idx.msk $0xffff, v24  }
0x3cb: {  	v24 =	vld.idx.msk [tilespmem:v28+s14+$0x0], $0xffff  }
0x3cc: {  	v26 =	vor.u32 v9, v25  }
0x3cd: {  	v28 =	vor.u32 v10, v27;
	_ =	sdelay $0x3  }
0x3ce: {  	[tilespmem:v26+s19+$0x0] =	vst.idx.msk $0xffff, v24  }
0x3cf: {  	v24 =	vld.idx.msk [tilespmem:v28+s14+$0x0], $0xffff  }
0x3d0: {  	v26 =	vor.u32 v11, v25  }
0x3d1: {  	v28 =	vor.u32 v12, v27;
	_ =	sdelay $0x3  }
0x3d2: {  	[tilespmem:v26+s19+$0x0] =	vst.idx.msk $0xffff, v24  }
0x3d3: {  	v24 =	vld.idx.msk [tilespmem:v28+s14+$0x0], $0xffff  }
0x3d4: {  	v26 =	vor.u32 v13, v25  }
0x3d5: {  	v27 =	vor.u32 v14, v27;
	_ =	sdelay $0x3  }
0x3d6: {  	s30 =	sadd.s32 $0x1, s28;
	[tilespmem:v26+s19+$0x0] =	vst.idx.msk $0xffff, v24  }
0x3d7: {  	v26 =	vadd.s32 s30, v0;
	v24 =	vld.idx.msk [tilespmem:v27+s14+$0x0], $0xffff  }
0x3d8: {  	v25 =	vor.u32 v15, v25;
	v27 =	vand.u32 $0x3F, v26  }
0x3d9: {  	v28 =	vor.u32 v1, v27;
	_ =	sdelay $0x3  }
0x3da: {  	[tilespmem:v25+s19+$0x0] =	vst.idx.msk $0xffff, v24;
	v24 =	vshll.u32 v26, $0x7  }
0x3db: {  	v25 =	vld.idx.msk [tilespmem:v28+s14+$0x0], $0xffff;
	v24 =	vand.u32 $0x1F80, v24  }
0x3dc: {  	v26 =	vor.u32 v0, v24  }
0x3dd: {  	v28 =	vor.u32 v2, v27;
	_ =	sdelay $0x3  }
0x3de: {  	[tilespmem:v26+s19+$0x0] =	vst.idx.msk $0xffff, v25  }
0x3df: {  	v25 =	vld.idx.msk [tilespmem:v28+s14+$0x0], $0xffff  }
0x3e0: {  	v26 =	vor.u32 v3, v24  }
0x3e1: {  	v28 =	vor.u32 v4, v27;
	_ =	sdelay $0x3  }
0x3e2: {  	[tilespmem:v26+s19+$0x0] =	vst.idx.msk $0xffff, v25  }
0x3e3: {  	v25 =	vld.idx.msk [tilespmem:v28+s14+$0x0], $0xffff  }
0x3e4: {  	v26 =	vor.u32 v5, v24  }
0x3e5: {  	v28 =	vor.u32 v6, v27;
	_ =	sdelay $0x3  }
0x3e6: {  	[tilespmem:v26+s19+$0x0] =	vst.idx.msk $0xffff, v25  }
0x3e7: {  	v25 =	vld.idx.msk [tilespmem:v28+s14+$0x0], $0xffff  }
0x3e8: {  	v26 =	vor.u32 v7, v24  }
0x3e9: {  	v28 =	vor.u32 v8, v27;
	_ =	sdelay $0x3  }
0x3ea: {  	[tilespmem:v26+s19+$0x0] =	vst.idx.msk $0xffff, v25  }
0x3eb: {  	v25 =	vld.idx.msk [tilespmem:v28+s14+$0x0], $0xffff  }
0x3ec: {  	v26 =	vor.u32 v9, v24  }
0x3ed: {  	v28 =	vor.u32 v10, v27;
	_ =	sdelay $0x3  }
0x3ee: {  	[tilespmem:v26+s19+$0x0] =	vst.idx.msk $0xffff, v25  }
0x3ef: {  	v25 =	vld.idx.msk [tilespmem:v28+s14+$0x0], $0xffff  }
0x3f0: {  	v26 =	vor.u32 v11, v24  }
0x3f1: {  	v28 =	vor.u32 v12, v27;
	_ =	sdelay $0x3  }
0x3f2: {  	[tilespmem:v26+s19+$0x0] =	vst.idx.msk $0xffff, v25  }
0x3f3: {  	v25 =	vld.idx.msk [tilespmem:v28+s14+$0x0], $0xffff  }
0x3f4: {  	v26 =	vor.u32 v13, v24  }
0x3f5: {  	v27 =	vor.u32 v14, v27;
	_ =	sdelay $0x3  }
0x3f6: {  	s30 =	sadd.s32 $0x2, s28;
	[tilespmem:v26+s19+$0x0] =	vst.idx.msk $0xffff, v25  }
0x3f7: {  	v26 =	vadd.s32 s30, v0;
	v25 =	vld.idx.msk [tilespmem:v27+s14+$0x0], $0xffff  }
0x3f8: {  	v24 =	vor.u32 v15, v24;
	v27 =	vand.u32 $0x3F, v26  }
0x3f9: {  	v28 =	vor.u32 v1, v27;
	_ =	sdelay $0x3  }
0x3fa: {  	[tilespmem:v24+s19+$0x0] =	vst.idx.msk $0xffff, v25;
	v24 =	vshll.u32 v26, $0x7  }
0x3fb: {  	v25 =	vld.idx.msk [tilespmem:v28+s14+$0x0], $0xffff;
	v24 =	vand.u32 $0x1F80, v24  }
0x3fc: {  	v26 =	vor.u32 v0, v24  }
0x3fd: {  	v28 =	vor.u32 v2, v27;
	_ =	sdelay $0x3  }
0x3fe: {  	[tilespmem:v26+s19+$0x0] =	vst.idx.msk $0xffff, v25  }
0x3ff: {  	v25 =	vld.idx.msk [tilespmem:v28+s14+$0x0], $0xffff  }
0x400: {  	v26 =	vor.u32 v3, v24  }
0x401: {  	v28 =	vor.u32 v4, v27;
	_ =	sdelay $0x3  }
0x402: {  	[tilespmem:v26+s19+$0x0] =	vst.idx.msk $0xffff, v25  }
0x403: {  	v25 =	vld.idx.msk [tilespmem:v28+s14+$0x0], $0xffff  }
0x404: {  	v26 =	vor.u32 v5, v24  }
0x405: {  	v28 =	vor.u32 v6, v27;
	_ =	sdelay $0x3  }
0x406: {  	[tilespmem:v26+s19+$0x0] =	vst.idx.msk $0xffff, v25  }
0x407: {  	v25 =	vld.idx.msk [tilespmem:v28+s14+$0x0], $0xffff  }
0x408: {  	v26 =	vor.u32 v7, v24  }
0x409: {  	v28 =	vor.u32 v8, v27;
	_ =	sdelay $0x3  }
0x40a: {  	[tilespmem:v26+s19+$0x0] =	vst.idx.msk $0xffff, v25  }
0x40b: {  	v25 =	vld.idx.msk [tilespmem:v28+s14+$0x0], $0xffff  }
0x40c: {  	v26 =	vor.u32 v9, v24  }
0x40d: {  	v28 =	vor.u32 v10, v27;
	_ =	sdelay $0x3  }
0x40e: {  	[tilespmem:v26+s19+$0x0] =	vst.idx.msk $0xffff, v25  }
0x40f: {  	v25 =	vld.idx.msk [tilespmem:v28+s14+$0x0], $0xffff  }
0x410: {  	v26 =	vor.u32 v11, v24  }
0x411: {  	v28 =	vor.u32 v12, v27;
	_ =	sdelay $0x3  }
0x412: {  	[tilespmem:v26+s19+$0x0] =	vst.idx.msk $0xffff, v25  }
0x413: {  	v25 =	vld.idx.msk [tilespmem:v28+s14+$0x0], $0xffff  }
0x414: {  	v26 =	vor.u32 v13, v24  }
0x415: {  	v27 =	vor.u32 v14, v27;
	_ =	sdelay $0x3  }
0x416: {  	s30 =	sadd.s32 $0x3, s28;
	s28 =	smov.u32 s29;
	[tilespmem:v26+s19+$0x0] =	vst.idx.msk $0xffff, v25  }
0x417: {  	v26 =	vadd.s32 s30, v0;
	v25 =	vld.idx.msk [tilespmem:v27+s14+$0x0], $0xffff  }
0x418: {  	v24 =	vor.u32 v15, v24;
	v27 =	vand.u32 $0x3F, v26  }
0x419: {  	v28 =	vor.u32 v1, v27;
	_ =	sdelay $0x3  }
0x41a: {  	[tilespmem:v24+s19+$0x0] =	vst.idx.msk $0xffff, v25;
	v24 =	vshll.u32 v26, $0x7  }
0x41b: {  	v25 =	vld.idx.msk [tilespmem:v28+s14+$0x0], $0xffff;
	v24 =	vand.u32 $0x1F80, v24  }
0x41c: {  	v26 =	vor.u32 v0, v24  }
0x41d: {  	v28 =	vor.u32 v2, v27;
	_ =	sdelay $0x3  }
0x41e: {  	[tilespmem:v26+s19+$0x0] =	vst.idx.msk $0xffff, v25  }
0x41f: {  	v25 =	vld.idx.msk [tilespmem:v28+s14+$0x0], $0xffff  }
0x420: {  	v26 =	vor.u32 v3, v24  }
0x421: {  	v28 =	vor.u32 v4, v27;
	_ =	sdelay $0x3  }
0x422: {  	[tilespmem:v26+s19+$0x0] =	vst.idx.msk $0xffff, v25  }
0x423: {  	v25 =	vld.idx.msk [tilespmem:v28+s14+$0x0], $0xffff  }
0x424: {  	v26 =	vor.u32 v5, v24  }
0x425: {  	v28 =	vor.u32 v6, v27;
	_ =	sdelay $0x3  }
0x426: {  	[tilespmem:v26+s19+$0x0] =	vst.idx.msk $0xffff, v25  }
0x427: {  	v25 =	vld.idx.msk [tilespmem:v28+s14+$0x0], $0xffff  }
0x428: {  	v26 =	vor.u32 v7, v24  }
0x429: {  	v28 =	vor.u32 v8, v27;
	_ =	sdelay $0x3  }
0x42a: {  	[tilespmem:v26+s19+$0x0] =	vst.idx.msk $0xffff, v25  }
0x42b: {  	v25 =	vld.idx.msk [tilespmem:v28+s14+$0x0], $0xffff  }
0x42c: {  	v26 =	vor.u32 v9, v24  }
0x42d: {  	v28 =	vor.u32 v10, v27;
	_ =	sdelay $0x3  }
0x42e: {  	[tilespmem:v26+s19+$0x0] =	vst.idx.msk $0xffff, v25  }
0x42f: {  	v25 =	vld.idx.msk [tilespmem:v28+s14+$0x0], $0xffff  }
0x430: {  	v26 =	vor.u32 v11, v24  }
0x431: {  	v28 =	vor.u32 v12, v27;
	_ =	sdelay $0x3  }
0x432: {  	[tilespmem:v26+s19+$0x0] =	vst.idx.msk $0xffff, v25  }
0x433: {  	v25 =	vld.idx.msk [tilespmem:v28+s14+$0x0], $0xffff  }
0x434: {  	v26 =	vor.u32 v13, v24  }
0x435: {  	v27 =	vor.u32 v14, v27  }
.Ltmp8:
0x436: {  	(pc) =	sbr.rel @p1 .LBB2_4-.Ltmp8, $3  }
0x437: {  	_ =	sdelay $0x1  }
0x438: {  	[tilespmem:v26+s19+$0x0] =	vst.idx.msk $0xffff, v25  }
0x439: {  	s29 =	sadd.s32 $0x4, s29;
	v25 =	vadd.s32 s28, v0;
	v26 =	vld.idx.msk [tilespmem:v27+s14+$0x0], $0xffff  }
0x43a: {  	v27 =	vand.u32 $0x3F, v25;
	v24 =	vor.u32 v15, v24  }
0x43b: {  	v28 =	vor.u32 v1, v27;
	_ =	sdelay $0x2  }
0x43c: {  	v25 =	vshll.u32 v25, $0x7  }
0x43d: {  	[tilespmem:v24+s19+$0x0] =	vst.idx.msk $0xffff, v26;
	v24 =	vand.u32 $0x1F80, v25  }
0x43e: {  	v25 =	vld.idx.msk [tilespmem:v28+s14+$0x0], $0xffff;
	v26 =	vor.u32 v0, v24  }
0x43f: {  	v42 =	vor.u32 v2, v27;
	_ =	sdelay $0x3  }
0x440: {  	[tilespmem:v26+s19+$0x0] =	vst.idx.msk $0xffff, v25  }
0x441: {  	v26 =	vor.u32 v3, v24;
	v25 =	vld.idx.msk [tilespmem:v42+s14+$0x0], $0xffff  }
0x442: {  	v43 =	vor.u32 v4, v27;
	_ =	sdelay $0x3  }
0x443: {  	[tilespmem:v26+s19+$0x0] =	vst.idx.msk $0xffff, v25  }
0x444: {  	v26 =	vor.u32 v5, v24;
	v25 =	vld.idx.msk [tilespmem:v43+s14+$0x0], $0xffff  }
0x445: {  	v44 =	vor.u32 v6, v27;
	_ =	sdelay $0x3  }
0x446: {  	[tilespmem:v26+s19+$0x0] =	vst.idx.msk $0xffff, v25  }
0x447: {  	v26 =	vor.u32 v7, v24;
	v25 =	vld.idx.msk [tilespmem:v44+s14+$0x0], $0xffff  }
0x448: {  	v45 =	vor.u32 v8, v27;
	_ =	sdelay $0x3  }
0x449: {  	[tilespmem:v26+s19+$0x0] =	vst.idx.msk $0xffff, v25  }
0x44a: {  	v26 =	vor.u32 v9, v24;
	v25 =	vld.idx.msk [tilespmem:v45+s14+$0x0], $0xffff  }
0x44b: {  	v46 =	vor.u32 v10, v27;
	_ =	sdelay $0x3  }
0x44c: {  	[tilespmem:v26+s19+$0x0] =	vst.idx.msk $0xffff, v25  }
0x44d: {  	v26 =	vor.u32 v11, v24;
	v25 =	vld.idx.msk [tilespmem:v46+s14+$0x0], $0xffff  }
0x44e: {  	v47 =	vor.u32 v12, v27;
	_ =	sdelay $0x3  }
0x44f: {  	[tilespmem:v26+s19+$0x0] =	vst.idx.msk $0xffff, v25  }
0x450: {  	v26 =	vor.u32 v13, v24;
	v25 =	vld.idx.msk [tilespmem:v47+s14+$0x0], $0xffff  }
0x451: {  	v27 =	vor.u32 v14, v27;
	_ =	sdelay $0x2  }
0x452: {  	s29 =	sadd.s32 $0x1, s28  }
0x453: {  	[tilespmem:v26+s19+$0x0] =	vst.idx.msk $0xffff, v25;
	v25 =	vadd.s32 s29, v0  }
0x454: {  	v24 =	vor.u32 v15, v24;
	v26 =	vld.idx.msk [tilespmem:v27+s14+$0x0], $0xffff;
	v27 =	vand.u32 $0x3F, v25  }
0x455: {  	v48 =	vor.u32 v1, v27;
	_ =	sdelay $0x2  }
0x456: {  	v25 =	vshll.u32 v25, $0x7  }
0x457: {  	[tilespmem:v24+s19+$0x0] =	vst.idx.msk $0xffff, v26;
	v24 =	vand.u32 $0x1F80, v25  }
0x458: {  	v25 =	vld.idx.msk [tilespmem:v48+s14+$0x0], $0xffff;
	v26 =	vor.u32 v0, v24  }
0x459: {  	v49 =	vor.u32 v2, v27;
	_ =	sdelay $0x3  }
0x45a: {  	[tilespmem:v26+s19+$0x0] =	vst.idx.msk $0xffff, v25  }
0x45b: {  	v26 =	vor.u32 v3, v24;
	v25 =	vld.idx.msk [tilespmem:v49+s14+$0x0], $0xffff  }
0x45c: {  	v50 =	vor.u32 v4, v27;
	_ =	sdelay $0x3  }
0x45d: {  	[tilespmem:v26+s19+$0x0] =	vst.idx.msk $0xffff, v25  }
0x45e: {  	v26 =	vor.u32 v5, v24;
	v25 =	vld.idx.msk [tilespmem:v50+s14+$0x0], $0xffff  }
0x45f: {  	v51 =	vor.u32 v6, v27;
	_ =	sdelay $0x3  }
0x460: {  	[tilespmem:v26+s19+$0x0] =	vst.idx.msk $0xffff, v25  }
0x461: {  	v26 =	vor.u32 v7, v24;
	v25 =	vld.idx.msk [tilespmem:v51+s14+$0x0], $0xffff  }
0x462: {  	v52 =	vor.u32 v8, v27;
	_ =	sdelay $0x3  }
0x463: {  	[tilespmem:v26+s19+$0x0] =	vst.idx.msk $0xffff, v25  }
0x464: {  	v26 =	vor.u32 v9, v24;
	v25 =	vld.idx.msk [tilespmem:v52+s14+$0x0], $0xffff  }
0x465: {  	v53 =	vor.u32 v10, v27;
	_ =	sdelay $0x3  }
0x466: {  	[tilespmem:v26+s19+$0x0] =	vst.idx.msk $0xffff, v25  }
0x467: {  	v26 =	vor.u32 v11, v24;
	v25 =	vld.idx.msk [tilespmem:v53+s14+$0x0], $0xffff  }
0x468: {  	v54 =	vor.u32 v12, v27;
	_ =	sdelay $0x3  }
0x469: {  	[tilespmem:v26+s19+$0x0] =	vst.idx.msk $0xffff, v25  }
0x46a: {  	v26 =	vor.u32 v13, v24;
	v25 =	vld.idx.msk [tilespmem:v54+s14+$0x0], $0xffff  }
0x46b: {  	v27 =	vor.u32 v14, v27;
	_ =	sdelay $0x2  }
0x46c: {  	s29 =	sadd.s32 $0x2, s28  }
0x46d: {  	[tilespmem:v26+s19+$0x0] =	vst.idx.msk $0xffff, v25;
	v25 =	vadd.s32 s29, v0  }
0x46e: {  	v24 =	vor.u32 v15, v24;
	v26 =	vld.idx.msk [tilespmem:v27+s14+$0x0], $0xffff;
	v27 =	vand.u32 $0x3F, v25  }
0x46f: {  	v55 =	vor.u32 v1, v27;
	_ =	sdelay $0x2  }
0x470: {  	v25 =	vshll.u32 v25, $0x7  }
0x471: {  	[tilespmem:v24+s19+$0x0] =	vst.idx.msk $0xffff, v26;
	v24 =	vand.u32 $0x1F80, v25  }
0x472: {  	v25 =	vld.idx.msk [tilespmem:v55+s14+$0x0], $0xffff;
	v26 =	vor.u32 v0, v24  }
0x473: {  	v56 =	vor.u32 v2, v27;
	_ =	sdelay $0x3  }
0x474: {  	[tilespmem:v26+s19+$0x0] =	vst.idx.msk $0xffff, v25  }
0x475: {  	v26 =	vor.u32 v3, v24;
	v25 =	vld.idx.msk [tilespmem:v56+s14+$0x0], $0xffff  }
0x476: {  	v57 =	vor.u32 v4, v27;
	_ =	sdelay $0x3  }
0x477: {  	[tilespmem:v26+s19+$0x0] =	vst.idx.msk $0xffff, v25  }
0x478: {  	v26 =	vor.u32 v5, v24;
	v25 =	vld.idx.msk [tilespmem:v57+s14+$0x0], $0xffff  }
0x479: {  	v58 =	vor.u32 v6, v27;
	_ =	sdelay $0x3  }
0x47a: {  	[tilespmem:v26+s19+$0x0] =	vst.idx.msk $0xffff, v25  }
0x47b: {  	v26 =	vor.u32 v7, v24;
	v25 =	vld.idx.msk [tilespmem:v58+s14+$0x0], $0xffff  }
0x47c: {  	v59 =	vor.u32 v8, v27;
	_ =	sdelay $0x3  }
0x47d: {  	[tilespmem:v26+s19+$0x0] =	vst.idx.msk $0xffff, v25  }
0x47e: {  	v26 =	vor.u32 v9, v24;
	v25 =	vld.idx.msk [tilespmem:v59+s14+$0x0], $0xffff  }
0x47f: {  	v60 =	vor.u32 v10, v27;
	_ =	sdelay $0x3  }
0x480: {  	[tilespmem:v26+s19+$0x0] =	vst.idx.msk $0xffff, v25  }
0x481: {  	v26 =	vor.u32 v11, v24;
	v25 =	vld.idx.msk [tilespmem:v60+s14+$0x0], $0xffff  }
0x482: {  	v61 =	vor.u32 v12, v27;
	_ =	sdelay $0x3  }
0x483: {  	[tilespmem:v26+s19+$0x0] =	vst.idx.msk $0xffff, v25  }
0x484: {  	v26 =	vor.u32 v13, v24;
	v25 =	vld.idx.msk [tilespmem:v61+s14+$0x0], $0xffff  }
0x485: {  	v27 =	vor.u32 v14, v27;
	_ =	sdelay $0x2  }
0x486: {  	s28 =	sadd.s32 $0x3, s28  }
0x487: {  	[tilespmem:v26+s19+$0x0] =	vst.idx.msk $0xffff, v25;
	v25 =	vadd.s32 s28, v0  }
0x488: {  	v24 =	vor.u32 v15, v24;
	v26 =	vld.idx.msk [tilespmem:v27+s14+$0x0], $0xffff;
	v27 =	vand.u32 $0x3F, v25  }
0x489: {  	v62 =	vor.u32 v1, v27;
	_ =	sdelay $0x2  }
0x48a: {  	v25 =	vshll.u32 v25, $0x7  }
0x48b: {  	[tilespmem:v24+s19+$0x0] =	vst.idx.msk $0xffff, v26;
	v24 =	vand.u32 $0x1F80, v25  }
0x48c: {  	v25 =	vld.idx.msk [tilespmem:v62+s14+$0x0], $0xffff;
	v26 =	vor.u32 v0, v24  }
0x48d: {  	v63 =	vor.u32 v2, v27;
	_ =	sdelay $0x3  }
0x48e: {  	[tilespmem:v26+s19+$0x0] =	vst.idx.msk $0xffff, v25  }
0x48f: {  	v26 =	vor.u32 v3, v24;
	v25 =	vld.idx.msk [tilespmem:v63+s14+$0x0], $0xffff  }
0x490: {  	v32 =	vor.u32 v4, v27;
	_ =	sdelay $0x3  }
0x491: {  	[tilespmem:v26+s19+$0x0] =	vst.idx.msk $0xffff, v25  }
0x492: {  	v26 =	vor.u32 v5, v24;
	v25 =	vld.idx.msk [tilespmem:v32+s14+$0x0], $0xffff  }
0x493: {  	v33 =	vor.u32 v6, v27;
	_ =	sdelay $0x3  }
0x494: {  	[tilespmem:v26+s19+$0x0] =	vst.idx.msk $0xffff, v25  }
0x495: {  	v26 =	vor.u32 v7, v24;
	v25 =	vld.idx.msk [tilespmem:v33+s14+$0x0], $0xffff  }
0x496: {  	v34 =	vor.u32 v8, v27;
	_ =	sdelay $0x3  }
0x497: {  	[tilespmem:v26+s19+$0x0] =	vst.idx.msk $0xffff, v25  }
0x498: {  	v26 =	vor.u32 v9, v24;
	v25 =	vld.idx.msk [tilespmem:v34+s14+$0x0], $0xffff  }
0x499: {  	v35 =	vor.u32 v10, v27;
	_ =	sdelay $0x3  }
0x49a: {  	[tilespmem:v26+s19+$0x0] =	vst.idx.msk $0xffff, v25  }
0x49b: {  	v26 =	vor.u32 v11, v24;
	v25 =	vld.idx.msk [tilespmem:v35+s14+$0x0], $0xffff  }
0x49c: {  	v36 =	vor.u32 v12, v27;
	_ =	sdelay $0x3  }
0x49d: {  	[tilespmem:v26+s19+$0x0] =	vst.idx.msk $0xffff, v25  }
0x49e: {  	v26 =	vor.u32 v13, v24;
	v25 =	vld.idx.msk [tilespmem:v36+s14+$0x0], $0xffff  }
0x49f: {  	v27 =	vor.u32 v14, v27;
	_ =	sdelay $0x3  }
0x4a0: {  	[tilespmem:v26+s19+$0x0] =	vst.idx.msk $0xffff, v25  }
0x4a1: {  	v24 =	vor.u32 v15, v24;
	v25 =	vld.idx.msk [tilespmem:v27+s14+$0x0], $0xffff;
	_ =	sdelay $0x2  }
0x4a2: {  	s28 =	simm.s32 $0x0  }
0x4a3: {  	s26 =	sshrl.u32 s26, $0x3;
	v26 =	vadd.s32 s28, v0  }
0x4a4: {  	s28 =	sadd.s32 s2, s26;
	[tilespmem:v24+s19+$0x0] =	vst.idx.msk $0xffff, v25;
	v24 =	vand.u32 $0x3F, v26  }
0x4a5: {  	[hbm4b:s28+s10] =	stream.strided.scatter [tilespmem:s19], [sflag:$0x3], $0x2000, s11, s10, $0x38;
	v25 =	vor.u32 v16, v24;
	[tilespmem:$0x1A400] =	vst v63  }
0x4a6: {  	s28 =	simm.s32 @!p0 $0x4  }
0x4a7: {  	_ =	swait.ge @!p0 [sflag:s28], $0x2000  }
0x4a8: {  	v26 =	vshll.u32 v26, $0x7;
	[sflag:s28] =	ssyncset.done @!p0 $0x0  }
0x4a9: {  	v26 =	vand.u32 $0x1F80, v26;
	[sflag:s28] =	ssyncadd.s32 @!p0 $0xFFFFE000  }
0x4aa: {  	v27 =	vor.u32 v0, v26;
	v25 =	vld.idx.msk [tilespmem:v25+s14+$0x0], $0xffff  }
0x4ab: {  	v37 =	vor.u32 v17, v24;
	_ =	sdelay $0x3  }
0x4ac: {  	[tilespmem:v27+s21+$0x0] =	vst.idx.msk $0xffff, v25  }
0x4ad: {  	v27 =	vor.u32 v3, v26;
	v25 =	vld.idx.msk [tilespmem:v37+s14+$0x0], $0xffff  }
0x4ae: {  	v38 =	vor.u32 v18, v24;
	_ =	sdelay $0x3  }
0x4af: {  	[tilespmem:v27+s21+$0x0] =	vst.idx.msk $0xffff, v25  }
0x4b0: {  	v27 =	vor.u32 v5, v26;
	v25 =	vld.idx.msk [tilespmem:v38+s14+$0x0], $0xffff  }
0x4b1: {  	v39 =	vor.u32 v19, v24;
	_ =	sdelay $0x3  }
0x4b2: {  	[tilespmem:v27+s21+$0x0] =	vst.idx.msk $0xffff, v25  }
0x4b3: {  	v27 =	vor.u32 v7, v26;
	v25 =	vld.idx.msk [tilespmem:v39+s14+$0x0], $0xffff  }
0x4b4: {  	v40 =	vor.u32 v20, v24;
	_ =	sdelay $0x3  }
0x4b5: {  	[tilespmem:v27+s21+$0x0] =	vst.idx.msk $0xffff, v25  }
0x4b6: {  	v27 =	vor.u32 v9, v26;
	v25 =	vld.idx.msk [tilespmem:v40+s14+$0x0], $0xffff  }
0x4b7: {  	v41 =	vor.u32 v21, v24;
	_ =	sdelay $0x3  }
0x4b8: {  	[tilespmem:v27+s21+$0x0] =	vst.idx.msk $0xffff, v25  }
0x4b9: {  	v27 =	vor.u32 v11, v26;
	v25 =	vld.idx.msk [tilespmem:v41+s14+$0x0], $0xffff  }
0x4ba: {  	v42 =	vor.u32 v22, v24;
	_ =	sdelay $0x3  }
0x4bb: {  	[tilespmem:v27+s21+$0x0] =	vst.idx.msk $0xffff, v25  }
0x4bc: {  	v27 =	vor.u32 v13, v26;
	v25 =	vld.idx.msk [tilespmem:v42+s14+$0x0], $0xffff  }
0x4bd: {  	v24 =	vor.u32 v23, v24;
	_ =	sdelay $0x2  }
0x4be: {  	s28 =	simm.s32 $0x1  }
0x4bf: {  	[tilespmem:v27+s21+$0x0] =	vst.idx.msk $0xffff, v25;
	v25 =	vadd.s32 s28, v0  }
0x4c0: {  	v26 =	vor.u32 v15, v26;
	v24 =	vld.idx.msk [tilespmem:v24+s14+$0x0], $0xffff;
	v27 =	vand.u32 $0x3F, v25  }
0x4c1: {  	v43 =	vor.u32 v16, v27;
	_ =	sdelay $0x2  }
0x4c2: {  	v25 =	vshll.u32 v25, $0x7  }
0x4c3: {  	[tilespmem:v26+s21+$0x0] =	vst.idx.msk $0xffff, v24;
	v24 =	vand.u32 $0x1F80, v25  }
0x4c4: {  	v25 =	vld.idx.msk [tilespmem:v43+s14+$0x0], $0xffff;
	v26 =	vor.u32 v0, v24  }
0x4c5: {  	v44 =	vor.u32 v17, v27;
	_ =	sdelay $0x3  }
0x4c6: {  	[tilespmem:v26+s21+$0x0] =	vst.idx.msk $0xffff, v25  }
0x4c7: {  	v26 =	vor.u32 v3, v24;
	v25 =	vld.idx.msk [tilespmem:v44+s14+$0x0], $0xffff  }
0x4c8: {  	v45 =	vor.u32 v18, v27;
	_ =	sdelay $0x3  }
0x4c9: {  	[tilespmem:v26+s21+$0x0] =	vst.idx.msk $0xffff, v25  }
0x4ca: {  	v26 =	vor.u32 v5, v24;
	v25 =	vld.idx.msk [tilespmem:v45+s14+$0x0], $0xffff  }
0x4cb: {  	v46 =	vor.u32 v19, v27;
	_ =	sdelay $0x3  }
0x4cc: {  	[tilespmem:v26+s21+$0x0] =	vst.idx.msk $0xffff, v25  }
0x4cd: {  	v26 =	vor.u32 v7, v24;
	v25 =	vld.idx.msk [tilespmem:v46+s14+$0x0], $0xffff  }
0x4ce: {  	v47 =	vor.u32 v20, v27;
	_ =	sdelay $0x3  }
0x4cf: {  	[tilespmem:v26+s21+$0x0] =	vst.idx.msk $0xffff, v25  }
0x4d0: {  	v26 =	vor.u32 v9, v24;
	v25 =	vld.idx.msk [tilespmem:v47+s14+$0x0], $0xffff  }
0x4d1: {  	v48 =	vor.u32 v21, v27;
	_ =	sdelay $0x3  }
0x4d2: {  	[tilespmem:v26+s21+$0x0] =	vst.idx.msk $0xffff, v25  }
0x4d3: {  	v26 =	vor.u32 v11, v24;
	v25 =	vld.idx.msk [tilespmem:v48+s14+$0x0], $0xffff  }
0x4d4: {  	v49 =	vor.u32 v22, v27;
	_ =	sdelay $0x3  }
0x4d5: {  	[tilespmem:v26+s21+$0x0] =	vst.idx.msk $0xffff, v25  }
0x4d6: {  	v26 =	vor.u32 v13, v24;
	v25 =	vld.idx.msk [tilespmem:v49+s14+$0x0], $0xffff  }
0x4d7: {  	v27 =	vor.u32 v23, v27;
	_ =	sdelay $0x2  }
0x4d8: {  	s28 =	simm.s32 $0x2  }
0x4d9: {  	[tilespmem:v26+s21+$0x0] =	vst.idx.msk $0xffff, v25;
	v25 =	vadd.s32 s28, v0  }
0x4da: {  	v24 =	vor.u32 v15, v24;
	v26 =	vld.idx.msk [tilespmem:v27+s14+$0x0], $0xffff;
	v27 =	vand.u32 $0x3F, v25  }
0x4db: {  	v50 =	vor.u32 v16, v27;
	_ =	sdelay $0x2  }
0x4dc: {  	v25 =	vshll.u32 v25, $0x7  }
0x4dd: {  	[tilespmem:v24+s21+$0x0] =	vst.idx.msk $0xffff, v26;
	v24 =	vand.u32 $0x1F80, v25  }
0x4de: {  	v25 =	vld.idx.msk [tilespmem:v50+s14+$0x0], $0xffff;
	v26 =	vor.u32 v0, v24  }
0x4df: {  	v51 =	vor.u32 v17, v27;
	_ =	sdelay $0x3  }
0x4e0: {  	[tilespmem:v26+s21+$0x0] =	vst.idx.msk $0xffff, v25  }
0x4e1: {  	v26 =	vor.u32 v3, v24;
	v25 =	vld.idx.msk [tilespmem:v51+s14+$0x0], $0xffff  }
0x4e2: {  	v52 =	vor.u32 v18, v27;
	_ =	sdelay $0x3  }
0x4e3: {  	[tilespmem:v26+s21+$0x0] =	vst.idx.msk $0xffff, v25  }
0x4e4: {  	v26 =	vor.u32 v5, v24;
	v25 =	vld.idx.msk [tilespmem:v52+s14+$0x0], $0xffff  }
0x4e5: {  	v53 =	vor.u32 v19, v27;
	_ =	sdelay $0x3  }
0x4e6: {  	[tilespmem:v26+s21+$0x0] =	vst.idx.msk $0xffff, v25  }
0x4e7: {  	v26 =	vor.u32 v7, v24;
	v25 =	vld.idx.msk [tilespmem:v53+s14+$0x0], $0xffff  }
0x4e8: {  	v54 =	vor.u32 v20, v27;
	_ =	sdelay $0x3  }
0x4e9: {  	[tilespmem:v26+s21+$0x0] =	vst.idx.msk $0xffff, v25  }
0x4ea: {  	v26 =	vor.u32 v9, v24;
	v25 =	vld.idx.msk [tilespmem:v54+s14+$0x0], $0xffff  }
0x4eb: {  	v55 =	vor.u32 v21, v27;
	_ =	sdelay $0x3  }
0x4ec: {  	[tilespmem:v26+s21+$0x0] =	vst.idx.msk $0xffff, v25  }
0x4ed: {  	v26 =	vor.u32 v11, v24;
	v25 =	vld.idx.msk [tilespmem:v55+s14+$0x0], $0xffff  }
0x4ee: {  	v56 =	vor.u32 v22, v27;
	_ =	sdelay $0x3  }
0x4ef: {  	[tilespmem:v26+s21+$0x0] =	vst.idx.msk $0xffff, v25  }
0x4f0: {  	v26 =	vor.u32 v13, v24;
	v25 =	vld.idx.msk [tilespmem:v56+s14+$0x0], $0xffff  }
0x4f1: {  	v27 =	vor.u32 v23, v27;
	_ =	sdelay $0x2  }
0x4f2: {  	s28 =	simm.s32 $0x3  }
0x4f3: {  	[tilespmem:v26+s21+$0x0] =	vst.idx.msk $0xffff, v25;
	v25 =	vadd.s32 s28, v0  }
0x4f4: {  	v24 =	vor.u32 v15, v24;
	v26 =	vld.idx.msk [tilespmem:v27+s14+$0x0], $0xffff;
	v27 =	vand.u32 $0x3F, v25  }
0x4f5: {  	v57 =	vor.u32 v16, v27;
	_ =	sdelay $0x2  }
0x4f6: {  	v25 =	vshll.u32 v25, $0x7  }
0x4f7: {  	[tilespmem:v24+s21+$0x0] =	vst.idx.msk $0xffff, v26;
	v24 =	vand.u32 $0x1F80, v25  }
0x4f8: {  	v25 =	vld.idx.msk [tilespmem:v57+s14+$0x0], $0xffff;
	v26 =	vor.u32 v0, v24  }
0x4f9: {  	v58 =	vor.u32 v17, v27;
	_ =	sdelay $0x3  }
0x4fa: {  	[tilespmem:v26+s21+$0x0] =	vst.idx.msk $0xffff, v25  }
0x4fb: {  	v26 =	vor.u32 v3, v24;
	v25 =	vld.idx.msk [tilespmem:v58+s14+$0x0], $0xffff  }
0x4fc: {  	v59 =	vor.u32 v18, v27;
	_ =	sdelay $0x3  }
0x4fd: {  	[tilespmem:v26+s21+$0x0] =	vst.idx.msk $0xffff, v25  }
0x4fe: {  	v26 =	vor.u32 v5, v24;
	v25 =	vld.idx.msk [tilespmem:v59+s14+$0x0], $0xffff  }
0x4ff: {  	v60 =	vor.u32 v19, v27;
	_ =	sdelay $0x3  }
0x500: {  	[tilespmem:v26+s21+$0x0] =	vst.idx.msk $0xffff, v25  }
0x501: {  	v26 =	vor.u32 v7, v24;
	v25 =	vld.idx.msk [tilespmem:v60+s14+$0x0], $0xffff  }
0x502: {  	v61 =	vor.u32 v20, v27;
	_ =	sdelay $0x3  }
0x503: {  	[tilespmem:v26+s21+$0x0] =	vst.idx.msk $0xffff, v25  }
0x504: {  	v26 =	vor.u32 v9, v24;
	v25 =	vld.idx.msk [tilespmem:v61+s14+$0x0], $0xffff  }
0x505: {  	v62 =	vor.u32 v21, v27;
	_ =	sdelay $0x3  }
0x506: {  	[tilespmem:v26+s21+$0x0] =	vst.idx.msk $0xffff, v25  }
0x507: {  	v26 =	vor.u32 v11, v24;
	v25 =	vld.idx.msk [tilespmem:v62+s14+$0x0], $0xffff  }
0x508: {  	v63 =	vor.u32 v22, v27;
	_ =	sdelay $0x3  }
0x509: {  	[tilespmem:v26+s21+$0x0] =	vst.idx.msk $0xffff, v25  }
0x50a: {  	v26 =	vor.u32 v13, v24;
	v25 =	vld.idx.msk [tilespmem:v63+s14+$0x0], $0xffff  }
0x50b: {  	v27 =	vor.u32 v23, v27;
	_ =	sdelay $0x3  }
0x50c: {  	s28 =	simm.s32 $0x4;
	[tilespmem:v26+s21+$0x0] =	vst.idx.msk $0xffff, v25  }
0x50d: {  	s29 =	simm.s32 $0x8;
	v25 =	vadd.s32 s28, v0;
	v26 =	vld.idx.msk [tilespmem:v27+s14+$0x0], $0xffff  }
.LBB2_6:
0x50e: {  	p0 =	slt.u32 s29, $0x3C;
	v27 =	vand.u32 $0x3F, v25;
	v24 =	vor.u32 v15, v24  }
0x50f: {  	v28 =	vor.u32 v16, v27;
	_ =	sdelay $0x3  }
0x510: {  	v25 =	vshll.u32 v25, $0x7;
	[tilespmem:v24+s21+$0x0] =	vst.idx.msk $0xffff, v26  }
0x511: {  	v25 =	vand.u32 $0x1F80, v25;
	v24 =	vld.idx.msk [tilespmem:v28+s14+$0x0], $0xffff  }
0x512: {  	v26 =	vor.u32 v0, v25  }
0x513: {  	v28 =	vor.u32 v17, v27;
	_ =	sdelay $0x3  }
0x514: {  	[tilespmem:v26+s21+$0x0] =	vst.idx.msk $0xffff, v24  }
0x515: {  	v24 =	vld.idx.msk [tilespmem:v28+s14+$0x0], $0xffff  }
0x516: {  	v26 =	vor.u32 v3, v25  }
0x517: {  	v28 =	vor.u32 v18, v27;
	_ =	sdelay $0x3  }
0x518: {  	[tilespmem:v26+s21+$0x0] =	vst.idx.msk $0xffff, v24  }
0x519: {  	v24 =	vld.idx.msk [tilespmem:v28+s14+$0x0], $0xffff  }
0x51a: {  	v26 =	vor.u32 v5, v25  }
0x51b: {  	v28 =	vor.u32 v19, v27;
	_ =	sdelay $0x3  }
0x51c: {  	[tilespmem:v26+s21+$0x0] =	vst.idx.msk $0xffff, v24  }
0x51d: {  	v24 =	vld.idx.msk [tilespmem:v28+s14+$0x0], $0xffff  }
0x51e: {  	v26 =	vor.u32 v7, v25  }
0x51f: {  	v28 =	vor.u32 v20, v27;
	_ =	sdelay $0x3  }
0x520: {  	[tilespmem:v26+s21+$0x0] =	vst.idx.msk $0xffff, v24  }
0x521: {  	v24 =	vld.idx.msk [tilespmem:v28+s14+$0x0], $0xffff  }
0x522: {  	v26 =	vor.u32 v9, v25  }
0x523: {  	v28 =	vor.u32 v21, v27;
	_ =	sdelay $0x3  }
0x524: {  	[tilespmem:v26+s21+$0x0] =	vst.idx.msk $0xffff, v24  }
0x525: {  	v24 =	vld.idx.msk [tilespmem:v28+s14+$0x0], $0xffff  }
0x526: {  	v26 =	vor.u32 v11, v25  }
0x527: {  	v28 =	vor.u32 v22, v27;
	_ =	sdelay $0x3  }
0x528: {  	[tilespmem:v26+s21+$0x0] =	vst.idx.msk $0xffff, v24  }
0x529: {  	v24 =	vld.idx.msk [tilespmem:v28+s14+$0x0], $0xffff  }
0x52a: {  	v26 =	vor.u32 v13, v25  }
0x52b: {  	v27 =	vor.u32 v23, v27;
	_ =	sdelay $0x3  }
0x52c: {  	s30 =	sadd.s32 $0x1, s28;
	[tilespmem:v26+s21+$0x0] =	vst.idx.msk $0xffff, v24  }
0x52d: {  	v26 =	vadd.s32 s30, v0;
	v24 =	vld.idx.msk [tilespmem:v27+s14+$0x0], $0xffff  }
0x52e: {  	v25 =	vor.u32 v15, v25;
	v27 =	vand.u32 $0x3F, v26  }
0x52f: {  	v28 =	vor.u32 v16, v27;
	_ =	sdelay $0x3  }
0x530: {  	[tilespmem:v25+s21+$0x0] =	vst.idx.msk $0xffff, v24;
	v24 =	vshll.u32 v26, $0x7  }
0x531: {  	v25 =	vld.idx.msk [tilespmem:v28+s14+$0x0], $0xffff;
	v24 =	vand.u32 $0x1F80, v24  }
0x532: {  	v26 =	vor.u32 v0, v24  }
0x533: {  	v28 =	vor.u32 v17, v27;
	_ =	sdelay $0x3  }
0x534: {  	[tilespmem:v26+s21+$0x0] =	vst.idx.msk $0xffff, v25  }
0x535: {  	v25 =	vld.idx.msk [tilespmem:v28+s14+$0x0], $0xffff  }
0x536: {  	v26 =	vor.u32 v3, v24  }
0x537: {  	v28 =	vor.u32 v18, v27;
	_ =	sdelay $0x3  }
0x538: {  	[tilespmem:v26+s21+$0x0] =	vst.idx.msk $0xffff, v25  }
0x539: {  	v25 =	vld.idx.msk [tilespmem:v28+s14+$0x0], $0xffff  }
0x53a: {  	v26 =	vor.u32 v5, v24  }
0x53b: {  	v28 =	vor.u32 v19, v27;
	_ =	sdelay $0x3  }
0x53c: {  	[tilespmem:v26+s21+$0x0] =	vst.idx.msk $0xffff, v25  }
0x53d: {  	v25 =	vld.idx.msk [tilespmem:v28+s14+$0x0], $0xffff  }
0x53e: {  	v26 =	vor.u32 v7, v24  }
0x53f: {  	v28 =	vor.u32 v20, v27;
	_ =	sdelay $0x3  }
0x540: {  	[tilespmem:v26+s21+$0x0] =	vst.idx.msk $0xffff, v25  }
0x541: {  	v25 =	vld.idx.msk [tilespmem:v28+s14+$0x0], $0xffff  }
0x542: {  	v26 =	vor.u32 v9, v24  }
0x543: {  	v28 =	vor.u32 v21, v27;
	_ =	sdelay $0x3  }
0x544: {  	[tilespmem:v26+s21+$0x0] =	vst.idx.msk $0xffff, v25  }
0x545: {  	v25 =	vld.idx.msk [tilespmem:v28+s14+$0x0], $0xffff  }
0x546: {  	v26 =	vor.u32 v11, v24  }
0x547: {  	v28 =	vor.u32 v22, v27;
	_ =	sdelay $0x3  }
0x548: {  	[tilespmem:v26+s21+$0x0] =	vst.idx.msk $0xffff, v25  }
0x549: {  	v25 =	vld.idx.msk [tilespmem:v28+s14+$0x0], $0xffff  }
0x54a: {  	v26 =	vor.u32 v13, v24  }
0x54b: {  	v27 =	vor.u32 v23, v27;
	_ =	sdelay $0x3  }
0x54c: {  	s30 =	sadd.s32 $0x2, s28;
	[tilespmem:v26+s21+$0x0] =	vst.idx.msk $0xffff, v25  }
0x54d: {  	v26 =	vadd.s32 s30, v0;
	v25 =	vld.idx.msk [tilespmem:v27+s14+$0x0], $0xffff  }
0x54e: {  	v24 =	vor.u32 v15, v24;
	v27 =	vand.u32 $0x3F, v26  }
0x54f: {  	v28 =	vor.u32 v16, v27;
	_ =	sdelay $0x3  }
0x550: {  	[tilespmem:v24+s21+$0x0] =	vst.idx.msk $0xffff, v25;
	v24 =	vshll.u32 v26, $0x7  }
0x551: {  	v25 =	vld.idx.msk [tilespmem:v28+s14+$0x0], $0xffff;
	v24 =	vand.u32 $0x1F80, v24  }
0x552: {  	v26 =	vor.u32 v0, v24  }
0x553: {  	v28 =	vor.u32 v17, v27;
	_ =	sdelay $0x3  }
0x554: {  	[tilespmem:v26+s21+$0x0] =	vst.idx.msk $0xffff, v25  }
0x555: {  	v25 =	vld.idx.msk [tilespmem:v28+s14+$0x0], $0xffff  }
0x556: {  	v26 =	vor.u32 v3, v24  }
0x557: {  	v28 =	vor.u32 v18, v27;
	_ =	sdelay $0x3  }
0x558: {  	[tilespmem:v26+s21+$0x0] =	vst.idx.msk $0xffff, v25  }
0x559: {  	v25 =	vld.idx.msk [tilespmem:v28+s14+$0x0], $0xffff  }
0x55a: {  	v26 =	vor.u32 v5, v24  }
0x55b: {  	v28 =	vor.u32 v19, v27;
	_ =	sdelay $0x3  }
0x55c: {  	[tilespmem:v26+s21+$0x0] =	vst.idx.msk $0xffff, v25  }
0x55d: {  	v25 =	vld.idx.msk [tilespmem:v28+s14+$0x0], $0xffff  }
0x55e: {  	v26 =	vor.u32 v7, v24  }
0x55f: {  	v28 =	vor.u32 v20, v27;
	_ =	sdelay $0x3  }
0x560: {  	[tilespmem:v26+s21+$0x0] =	vst.idx.msk $0xffff, v25  }
0x561: {  	v25 =	vld.idx.msk [tilespmem:v28+s14+$0x0], $0xffff  }
0x562: {  	v26 =	vor.u32 v9, v24  }
0x563: {  	v28 =	vor.u32 v21, v27;
	_ =	sdelay $0x3  }
0x564: {  	[tilespmem:v26+s21+$0x0] =	vst.idx.msk $0xffff, v25  }
0x565: {  	v25 =	vld.idx.msk [tilespmem:v28+s14+$0x0], $0xffff  }
0x566: {  	v26 =	vor.u32 v11, v24  }
0x567: {  	v28 =	vor.u32 v22, v27;
	_ =	sdelay $0x3  }
0x568: {  	[tilespmem:v26+s21+$0x0] =	vst.idx.msk $0xffff, v25  }
0x569: {  	v25 =	vld.idx.msk [tilespmem:v28+s14+$0x0], $0xffff  }
0x56a: {  	v26 =	vor.u32 v13, v24  }
0x56b: {  	v27 =	vor.u32 v23, v27;
	_ =	sdelay $0x3  }
0x56c: {  	s30 =	sadd.s32 $0x3, s28;
	s28 =	smov.u32 s29;
	[tilespmem:v26+s21+$0x0] =	vst.idx.msk $0xffff, v25  }
0x56d: {  	v26 =	vadd.s32 s30, v0;
	v25 =	vld.idx.msk [tilespmem:v27+s14+$0x0], $0xffff  }
0x56e: {  	v24 =	vor.u32 v15, v24;
	v27 =	vand.u32 $0x3F, v26  }
0x56f: {  	v28 =	vor.u32 v16, v27;
	_ =	sdelay $0x3  }
0x570: {  	[tilespmem:v24+s21+$0x0] =	vst.idx.msk $0xffff, v25;
	v24 =	vshll.u32 v26, $0x7  }
0x571: {  	v25 =	vld.idx.msk [tilespmem:v28+s14+$0x0], $0xffff;
	v24 =	vand.u32 $0x1F80, v24  }
0x572: {  	v26 =	vor.u32 v0, v24  }
0x573: {  	v28 =	vor.u32 v17, v27;
	_ =	sdelay $0x3  }
0x574: {  	[tilespmem:v26+s21+$0x0] =	vst.idx.msk $0xffff, v25  }
0x575: {  	v25 =	vld.idx.msk [tilespmem:v28+s14+$0x0], $0xffff  }
0x576: {  	v26 =	vor.u32 v3, v24  }
0x577: {  	v28 =	vor.u32 v18, v27;
	_ =	sdelay $0x3  }
0x578: {  	[tilespmem:v26+s21+$0x0] =	vst.idx.msk $0xffff, v25  }
0x579: {  	v25 =	vld.idx.msk [tilespmem:v28+s14+$0x0], $0xffff  }
0x57a: {  	v26 =	vor.u32 v5, v24  }
0x57b: {  	v28 =	vor.u32 v19, v27;
	_ =	sdelay $0x3  }
0x57c: {  	[tilespmem:v26+s21+$0x0] =	vst.idx.msk $0xffff, v25  }
0x57d: {  	v25 =	vld.idx.msk [tilespmem:v28+s14+$0x0], $0xffff  }
0x57e: {  	v26 =	vor.u32 v7, v24  }
0x57f: {  	v28 =	vor.u32 v20, v27;
	_ =	sdelay $0x3  }
0x580: {  	[tilespmem:v26+s21+$0x0] =	vst.idx.msk $0xffff, v25  }
0x581: {  	v25 =	vld.idx.msk [tilespmem:v28+s14+$0x0], $0xffff  }
0x582: {  	v26 =	vor.u32 v9, v24  }
0x583: {  	v28 =	vor.u32 v21, v27;
	_ =	sdelay $0x3  }
0x584: {  	[tilespmem:v26+s21+$0x0] =	vst.idx.msk $0xffff, v25  }
0x585: {  	v25 =	vld.idx.msk [tilespmem:v28+s14+$0x0], $0xffff  }
0x586: {  	v26 =	vor.u32 v11, v24  }
0x587: {  	v28 =	vor.u32 v22, v27;
	_ =	sdelay $0x3  }
0x588: {  	[tilespmem:v26+s21+$0x0] =	vst.idx.msk $0xffff, v25  }
0x589: {  	v25 =	vld.idx.msk [tilespmem:v28+s14+$0x0], $0xffff  }
0x58a: {  	v26 =	vor.u32 v13, v24  }
0x58b: {  	v27 =	vor.u32 v23, v27  }
.Ltmp9:
0x58c: {  	(pc) =	sbr.rel @p0 .LBB2_6-.Ltmp9, $3  }
0x58d: {  	_ =	sdelay $0x1  }
0x58e: {  	[tilespmem:v26+s21+$0x0] =	vst.idx.msk $0xffff, v25  }
0x58f: {  	s29 =	sadd.s32 $0x4, s29;
	v25 =	vadd.s32 s28, v0;
	v26 =	vld.idx.msk [tilespmem:v27+s14+$0x0], $0xffff  }
.Ltmp10:
0x590: {  	_ = 	snop;
	(pc) =	sbr.rel .LBB2_7-.Ltmp10, $1  }
0x591: {  	_ =	sdelay $0x3  }
.LBB2_15:
0x592: {  	_ =	sfence.sel $0x180000  }
0x593: {  	[bflag:$0x0] =	sbarrier.arrive $0xFFFF  }
0x594: {  	p0 =	sne.s32 s1, $0x0;
	_ =	strace $0x90000047  }
0x595: {  	s0 =	sadd.s32 @!p0 $0x100000, s0;
	[bflag:$0x2] =	sbarrier.arrive $0xFFFF  }
0x596: {  	[sflag:s0] =	ssyncadd.tile.s32 @!p0 $0x1;
	_ =	shalt  }
.Lfunc_end2:
_tile_overlayer_lowered:
.L_overlay_start_2:
0x597: {  	(tag) =	ssettag $0x2  }
0x598: {  	s0 =	rddreg [dreg:$0x0];
	s2 =	stileid.u32  }
0x599: {  	s1 =	rddreg [dreg:$0x1];
	p0 =	sne.s32 s2, $0x0  }
0x59a: {  	s3 =	rddreg [dreg:$0x2];
	[bflag:$0x3] =	sbarrier.arrive $0xFFFF;
	s2 =	simm.s32 @!p0 $0x1C05  }
0x59b: {  	[timem:s3], [sflag:s2] =	dma.local @!p0 [hbm:s0], s1  }
0x59c: {  	s0 =	simm.s32 @!p0 $0x5  }
0x59d: {  	_ =	swait.ge @!p0 [sflag:s0], s1  }
0x59e: {  	s1 =	ssub.s32 @!p0 $0x0, s1;
	[sflag:s0] =	ssyncset.done @!p0 $0x0  }
0x59f: {  	[sflag:s0] =	ssyncadd.s32 @!p0 s1  }
0x5a0: {  	[bflag:$0x3] =	sbarrier.arrive $0xFFFF  }
0x5a1: {  	_ =	shalt  }

</sc_bundles>
